<compile_context>
chip_gen: v7x
topology: tpu7x:2x2x1
jax: 0.10.2.dev20260603
libtpu: 0.0.44.dev20260713+nightly
codegen_flags: <defaults>
</compile_context>

<pallas_src>
import functools

import jax
import jax.numpy as jnp
from jax import lax
from jax.experimental import pallas as pl
from jax.experimental.pallas import tpu as pltpu
from jax.experimental.pallas import tpu_sc as plsc

HEADS = 8
D_HEAD = 8
D_HID = HEADS * D_HEAD
ROW = 80

NCORE = 2
NSUB = 16
NW = NCORE * NSUB
CHUNK = 128


def _prep_body(x_ref, w_ref, asrc_ref, adst_ref, src_ref, adt_ref):
    h = jnp.dot(x_ref[...], w_ref[...], preferred_element_type=jnp.float32)
    a_s = jnp.dot(h, asrc_ref[...], preferred_element_type=jnp.float32)
    a_d = jnp.dot(h, adst_ref[...], preferred_element_type=jnp.float32)
    z = jnp.zeros((h.shape[0], 8), jnp.float32)
    src_ref[...] = jnp.concatenate([h, a_s, z], axis=1)
    adt_ref[...] = jnp.concatenate([a_d, z], axis=1)


def _prep(x, w_gat, a_src_m, a_dst_m):
    n = x.shape[0]
    blk = 2000
    grid = n // blk
    return pl.pallas_call(
        _prep_body,
        grid=(grid,),
        in_specs=[
            pl.BlockSpec((blk, x.shape[1]), lambda i: (i, 0)),
            pl.BlockSpec(w_gat.shape, lambda i: (0, 0)),
            pl.BlockSpec(a_src_m.shape, lambda i: (0, 0)),
            pl.BlockSpec(a_dst_m.shape, lambda i: (0, 0)),
        ],
        out_specs=[
            pl.BlockSpec((blk, ROW), lambda i: (i, 0)),
            pl.BlockSpec((blk, 16), lambda i: (i, 0)),
        ],
        out_shape=[
            jax.ShapeDtypeStruct((n, ROW), jnp.float32),
            jax.ShapeDtypeStruct((n, 16), jnp.float32),
        ],
    )(x, w_gat, a_src_m, a_dst_m)


def _make_edge_kernel(n_acc, per_w):
    rows_per = n_acc // NSUB
    n_full = per_w // CHUNK
    tail = per_w % CHUNK
    mesh = plsc.VectorSubcoreMesh(
        core_axis_name="c", subcore_axis_name="s",
        num_cores=NCORE, num_subcores=NSUB)

    nbuf = 3
    assert n_full % nbuf == 0, "triple-buffered ring wants n_full % 3 == 0"

    @functools.partial(
        pl.kernel,
        out_type=jax.ShapeDtypeStruct((NCORE, n_acc, ROW), jnp.float32),
        mesh=mesh,
        scratch_types=[
            pltpu.VMEM_SHARED((n_acc, ROW), jnp.float32),
            pltpu.VMEM((nbuf, CHUNK, ROW), jnp.float32),
            pltpu.VMEM((nbuf, CHUNK, 16), jnp.float32),
            pltpu.VMEM((tail, ROW), jnp.float32),
            pltpu.VMEM((tail, 16), jnp.float32),
            pltpu.VMEM((per_w,), jnp.int32),
            pltpu.VMEM((per_w,), jnp.int32),
            pltpu.SemaphoreType.DMA,
            pltpu.SemaphoreType.DMA,
            pltpu.SemaphoreType.DMA,
            pltpu.SemaphoreType.DMA,
            pltpu.SemaphoreType.DMA,
            pltpu.SemaphoreType.DMA,
            pltpu.SemaphoreType.DMA,
        ],
        compiler_params=pltpu.CompilerParams(use_tc_tiling_on_sc=False),
    )
    def edge_kernel(srcdat, adstt, ei, zrows, out, acc, srow, arow,
                    trow, tarow, svall, dvall,
                    sem_g0, sem_g1, sem_g2, sem_s0, sem_s1, sem_s2, sem_t):
        cid = lax.axis_index("c")
        sid = lax.axis_index("s")
        wid = sid * NCORE + cid
        pltpu.sync_copy(zrows.at[pl.ds(sid * rows_per, rows_per)],
                        acc.at[pl.ds(sid * rows_per, rows_per)])
        pltpu.sync_copy(ei.at[0, pl.ds(wid * per_w, per_w)], svall)
        pltpu.sync_copy(ei.at[1, pl.ds(wid * per_w, per_w)], dvall)
        plsc.subcore_barrier()

        lane = lax.iota(jnp.int32, 16)
        grp = lax.shift_right_logical(lane, 3)

        sem_g = (sem_g0, sem_g1, sem_g2)
        sem_s = (sem_s0, sem_s1, sem_s2)

        def issue_gathers(g, b):
            sv = svall.at[pl.ds(g * CHUNK, CHUNK)]
            dv = dvall.at[pl.ds(g * CHUNK, CHUNK)]
            pltpu.async_copy(srcdat.at[sv], srow.at[b], sem_g[b])
            pltpu.async_copy(adstt.at[dv], arow.at[b], sem_g[b])

        def wait_gathers(b):
            pltpu.make_async_copy(
                srcdat.at[pl.ds(0, CHUNK)], srow.at[b], sem_g[b]).wait()
            pltpu.make_async_copy(
                adstt.at[pl.ds(0, CHUNK)], arow.at[b], sem_g[b]).wait()

        def issue_scatter(g, b):
            dv = dvall.at[pl.ds(g * CHUNK, CHUNK)]
            pltpu.async_copy(srow.at[b], acc.at[dv], sem_s[b], add=True)

        def wait_scatter(b):
            pltpu.make_async_copy(
                srcdat.at[pl.ds(0, CHUNK)], srow.at[b], sem_s[b]).wait()

        def edge_math(rref, aref, e):
            a_s = rref[e, pl.ds(D_HID, 16)]
            a_d = aref[e, :]
            s = a_s + a_d
            al = jnp.maximum(s, 0.2 * s)
            w = jnp.exp(al)
            rref[e, pl.ds(D_HID, 16)] = w
            for j in range(4):
                wb = w.at[grp + 2 * j].get(mode="promise_in_bounds")
                rref[e, pl.ds(16 * j, 16)] = rref[e, pl.ds(16 * j, 16)] * wb

        def compute(nrows, rref, aref):
            @plsc.parallel_loop(0, nrows, step=1, unroll=8)
            def _(e):
                edge_math(rref, aref, e)

        if tail:
            tsv = svall.at[pl.ds(n_full * CHUNK, tail)]
            tdv = dvall.at[pl.ds(n_full * CHUNK, tail)]
            pltpu.async_copy(srcdat.at[tsv], trow, sem_t)
            pltpu.async_copy(adstt.at[tdv], tarow, sem_t)
        issue_gathers(0, 0)
        issue_gathers(1, 1)

        def ring_body(t, carry):
            for k in range(nbuf):
                g = nbuf * t + k
                b = k
                wait_gathers(b)
                compute(CHUNK, srow.at[b], arow.at[b])
                issue_scatter(g, b)
                bn = (k + 2) % nbuf

                @pl.when(g >= 1)
                def _():
                    wait_scatter(bn)

                @pl.when(g + 2 < n_full)
                def _():
                    issue_gathers(g + 2, bn)
            return carry

        lax.fori_loop(0, n_full // nbuf, ring_body, 0)

        if tail:
            pltpu.make_async_copy(
                srcdat.at[pl.ds(0, tail)], trow, sem_t).wait()
            pltpu.make_async_copy(
                adstt.at[pl.ds(0, tail)], tarow, sem_t).wait()
            compute(tail, trow, tarow)
            pltpu.async_copy(trow, acc.at[tdv], sem_t, add=True)
            pltpu.make_async_copy(
                srcdat.at[pl.ds(0, tail)], trow, sem_t).wait()

        wait_scatter((n_full - 1) % nbuf)
        plsc.subcore_barrier()
        pltpu.sync_copy(acc.at[pl.ds(sid * rows_per, rows_per)],
                        out.at[cid, pl.ds(sid * rows_per, rows_per)])

    return edge_kernel


def _fin_body(acc_ref, srcd_ref, adt_ref, r_ref, bias_ref, wl_ref, bl_ref,
              o_ref):
    a = acc_ref[0] + acc_ref[1]
    hs = srcd_ref[:, :D_HID]
    a_s = srcd_ref[:, D_HID:D_HID + HEADS]
    a_d = adt_ref[:, :HEADS]
    s = a_s + a_d
    al = jnp.where(s >= 0, s, 0.2 * s)
    w_self = jnp.exp(al)
    wbe = jnp.dot(w_self, r_ref[...], preferred_element_type=jnp.float32)
    num = a[:, :D_HID] + wbe * hs
    den = jnp.dot(a[:, D_HID:D_HID + HEADS] + w_self, r_ref[...],
                  preferred_element_type=jnp.float32)
    g = jnp.maximum(num / (den + 1e-16) + bias_ref[...], 0.0)
    o_ref[...] = jnp.dot(g, wl_ref[...],
                         preferred_element_type=jnp.float32) + bl_ref[...]


def _finalize(acc, srcdat, adstt, r, bias, w_lin, b_lin):
    n = srcdat.shape[0]
    blk = 2000
    grid = n // blk
    n_out = w_lin.shape[1]
    return pl.pallas_call(
        _fin_body,
        grid=(grid,),
        in_specs=[
            pl.BlockSpec((NCORE, blk, ROW), lambda i: (0, i, 0)),
            pl.BlockSpec((blk, ROW), lambda i: (i, 0)),
            pl.BlockSpec((blk, 16), lambda i: (i, 0)),
            pl.BlockSpec(r.shape, lambda i: (0, 0)),
            pl.BlockSpec(bias.shape, lambda i: (0, 0)),
            pl.BlockSpec(w_lin.shape, lambda i: (0, 0)),
            pl.BlockSpec(b_lin.shape, lambda i: (0, 0)),
        ],
        out_specs=pl.BlockSpec((blk, n_out), lambda i: (i, 0)),
        out_shape=jax.ShapeDtypeStruct((n, n_out), jnp.float32),
    )(acc, srcdat, adstt, r, bias, w_lin, b_lin)


def kernel(x, edge_index, W_gat, att_src, att_dst, bias_gat, W_lin, b_lin):
    n = x.shape[0]
    e = edge_index.shape[1]
    per_w = e // NW
    n_acc = -(-n // 128) * 128

    ei = edge_index.astype(jnp.int32)

    eye = jnp.eye(HEADS, dtype=jnp.float32)
    a_src_m = (att_src[:, :, None] * eye[:, None, :]).reshape(D_HID, HEADS)
    a_dst_m = (att_dst[:, :, None] * eye[:, None, :]).reshape(D_HID, HEADS)

    srcdat, adstt = _prep(x, W_gat, a_src_m, a_dst_m)
    zrows = jnp.zeros((n_acc, ROW), jnp.float32)

    acc = _make_edge_kernel(n_acc, per_w)(srcdat, adstt, ei, zrows)

    r = jnp.kron(eye, jnp.ones((1, D_HEAD), jnp.float32))
    return _finalize(acc, srcdat, adstt, r,
                     bias_gat.reshape(1, D_HID), W_lin,
                     b_lin.reshape(1, W_lin.shape[1]))

# --- scband reference (transcript-rebuilt; emitter-appended) ---
"""Pipeline reference for scband-classifier-40810779246751 (READ-ONLY COPY).

The authoritative reference and input builder live on the scoring server;
editing this copy changes nothing except your own understanding.
"""

import jax, jax.numpy as jnp
import numpy as np

N_NODES = 10000
N_EDGES = 320000
D_IN = 128
HEADS = 8
D_HEAD = 8
D_HIDDEN = HEADS * D_HEAD  # 64
N_OUT = 40


def setup_inputs(seed: int = 0) -> dict:
    key = jax.random.key(seed)
    ks = jax.random.split(key, 10)
    x = jax.random.normal(ks[0], (N_NODES, D_IN), dtype=jnp.float32)
    edge_index = jax.random.randint(ks[1], (2, N_EDGES), 0, N_NODES, dtype=jnp.int64)
    # GATConv(128, 8, heads=8) parameters (PyG-style, concat=True)
    W_gat = jax.random.normal(ks[2], (D_IN, D_HIDDEN), dtype=jnp.float32) * (1.0 / np.sqrt(D_IN))
    att_src = jax.random.normal(ks[3], (HEADS, D_HEAD), dtype=jnp.float32) * 0.1
    att_dst = jax.random.normal(ks[4], (HEADS, D_HEAD), dtype=jnp.float32) * 0.1
    bias_gat = jnp.zeros((D_HIDDEN,), dtype=jnp.float32)
    # nn.Linear(64, n_out)
    W_lin = jax.random.normal(ks[5], (D_HIDDEN, N_OUT), dtype=jnp.float32) * (1.0 / np.sqrt(D_HIDDEN))
    b_lin = jnp.zeros((N_OUT,), dtype=jnp.float32)
    return {"x": x, "edge_index": edge_index, "W_gat": W_gat, "att_src": att_src,
            "att_dst": att_dst, "bias_gat": bias_gat, "W_lin": W_lin, "b_lin": b_lin}


def reference(x, edge_index, W_gat, att_src, att_dst, bias_gat, W_lin, b_lin):
    N = x.shape[0]
    # PyG GATConv adds self-loops by default
    loops = jnp.arange(N, dtype=edge_index.dtype)
    ei = jnp.concatenate([edge_index, jnp.stack([loops, loops], axis=0)], axis=1)
    src, dst = ei[0], ei[1]
    # linear projection into heads
    h = (x @ W_gat).reshape(N, HEADS, D_HEAD)  # [N, H, Dh]
    a_src = jnp.sum(h * att_src[None, :, :], axis=-1)  # [N, H]
    a_dst = jnp.sum(h * att_dst[None, :, :], axis=-1)  # [N, H]
    # per-edge attention logits (gather)
    alpha = a_src[src] + a_dst[dst]  # [E, H]
    alpha = jax.nn.leaky_relu(alpha, negative_slope=0.2)
    # softmax over incoming edges per destination node (segment ops)
    amax = jax.ops.segment_max(alpha, dst, num_segments=N)  # [N, H]
    alpha = jnp.exp(alpha - amax[dst])
    denom = jax.ops.segment_sum(alpha, dst, num_segments=N)  # [N, H]
    alpha = alpha / (denom[dst] + 1e-16)
    # weighted message aggregation (gather + scatter-add)
    msg = h[src] * alpha[:, :, None]  # [E, H, Dh]
    out = jax.ops.segment_sum(msg, dst, num_segments=N).reshape(N, D_HIDDEN)
    out = out + bias_gat
    # F.relu
    out = jax.nn.relu(out)
    # F.dropout treated as identity for deterministic reference
    # nn.Linear(64, n_out)
    out = out @ W_lin + b_lin
    return out

if __name__ == "__main__":
    import jax
    _d = setup_inputs()
    print(jax.jit(kernel)(*tuple(_d.values())))

</pallas_src>

<mosaic_0001>
#map = affine_map<(d0, d1) -> (0, 0)>
#map1 = affine_map<(d0, d1) -> (0, 0, 0)>
module attributes {stable_mosaic.version = 14 : i64} {
  func.func @edge_kernel(%arg0: i32, %arg1: i32, %arg2: memref<10000x80xf32, #tpu.memory_space<hbm>>, %arg3: memref<10000x16xf32, #tpu.memory_space<hbm>>, %arg4: memref<2x320000xi32, #tpu.memory_space<hbm>>, %arg5: memref<10112x80xf32, #tpu.memory_space<hbm>>, %arg6: memref<2x10112x80xf32, #tpu.memory_space<hbm>>, %arg7: memref<10112x80xf32, #tpu.memory_space<vmem_shared>>, %arg8: memref<3x128x80xf32, #tpu.memory_space<vmem>>, %arg9: memref<3x128x16xf32, #tpu.memory_space<vmem>>, %arg10: memref<16x80xf32, #tpu.memory_space<vmem>>, %arg11: memref<16x16xf32, #tpu.memory_space<vmem>>, %arg12: memref<10000xi32, #tpu.memory_space<vmem>>, %arg13: memref<10000xi32, #tpu.memory_space<vmem>>, %arg14: memref<!tpu.dma_semaphore, #tpu.memory_space<semaphore_mem>>, %arg15: memref<!tpu.dma_semaphore, #tpu.memory_space<semaphore_mem>>, %arg16: memref<!tpu.dma_semaphore, #tpu.memory_space<semaphore_mem>>, %arg17: memref<!tpu.dma_semaphore, #tpu.memory_space<semaphore_mem>>, %arg18: memref<!tpu.dma_semaphore, #tpu.memory_space<semaphore_mem>>, %arg19: memref<!tpu.dma_semaphore, #tpu.memory_space<semaphore_mem>>, %arg20: memref<!tpu.dma_semaphore, #tpu.memory_space<semaphore_mem>>) attributes {dimension_semantics = [#tpu.dimension_semantics<core_parallel>, #tpu.dimension_semantics<subcore_parallel>], iteration_bounds = array<i64: 2, 16>, scalar_prefetch = 0 : i64, scratch_operands = 14 : i64, tpu.core_type = #tpu.core_type<sc_vector_subcore>, window_params = [{transform_indices = #map}, {transform_indices = #map}, {transform_indices = #map}, {transform_indices = #map}, {transform_indices = #map1}]} {
    %mul3A = arith.constant 2 : i32
    %mul3A_0 = arith.muli %arg1, %mul3A : i32
    %add3A = arith.addi %mul3A_0, %arg0 : i32
    %mul3A_1 = arith.constant 632 : i32
    %mul3A_2 = arith.muli %arg1, %mul3A_1 : i32
    %mul3A_3 = arith.constant 632 : i32
    %mul3A_4 = arith.muli %arg1, %mul3A_3 : i32
    "tpu.region"() ({
      %run_scoped3A_110 = tpu.sem_alloc : memref<!tpu.dma_semaphore, #tpu.memory_space<semaphore_mem>>
      %dma_start3A_111 = arith.constant 0 : i32
      %dma_start3A_112 = tpu.memref_slice %arg7[%mul3A_4, %dma_start3A_111] : memref<10112x80xf32, #tpu.memory_space<vmem_shared>> -> memref<632x80xf32, #tpu.memory_space<vmem_shared>>
      %dma_start3A_113 = arith.constant 0 : i32
      %dma_start3A_114 = tpu.memref_slice %arg5[%mul3A_2, %dma_start3A_113] : memref<10112x80xf32, #tpu.memory_space<hbm>> -> memref<632x80xf32, #tpu.memory_space<hbm>>
      tpu.enqueue_dma source(%dma_start3A_114 : memref<632x80xf32, #tpu.memory_space<hbm>>) target(%dma_start3A_112 : memref<632x80xf32, #tpu.memory_space<vmem_shared>>) target_semaphore(%run_scoped3A_110 : memref<!tpu.dma_semaphore, #tpu.memory_space<semaphore_mem>>)
      %dma_wait3A_115 = arith.constant 0 : i32
      %dma_wait3A_116 = tpu.memref_slice %arg7[%mul3A_4, %dma_wait3A_115] : memref<10112x80xf32, #tpu.memory_space<vmem_shared>> -> memref<632x80xf32, #tpu.memory_space<vmem_shared>>
      %dma_wait3A_117 = arith.constant 0 : i32
      %dma_wait3A_118 = tpu.memref_slice %arg5[%mul3A_2, %dma_wait3A_117] : memref<10112x80xf32, #tpu.memory_space<hbm>> -> memref<632x80xf32, #tpu.memory_space<hbm>>
      tpu.wait_dma2 semaphore(%run_scoped3A_110 : memref<!tpu.dma_semaphore, #tpu.memory_space<semaphore_mem>>) src(%dma_wait3A_118 : memref<632x80xf32, #tpu.memory_space<hbm>>) dst(%dma_wait3A_116 : memref<632x80xf32, #tpu.memory_space<vmem_shared>>)
      tpu.yield
    }) : () -> ()
    %mul3A_5 = arith.constant 10000 : i32
    %mul3A_6 = arith.muli %add3A, %mul3A_5 : i32
    %run_scoped3A = arith.constant 0 : i32
    "tpu.region"() ({
      %run_scoped3A_110 = tpu.sem_alloc : memref<!tpu.dma_semaphore, #tpu.memory_space<semaphore_mem>>
      %dma_start3A_111 = tpu.memref_slice %arg4[%run_scoped3A, %mul3A_6] : memref<2x320000xi32, #tpu.memory_space<hbm>> -> memref<1x10000xi32, #tpu.memory_space<hbm>>
      %dma_start3A_112 = tpu.memref_squeeze %dma_start3A_111 : memref<1x10000xi32, #tpu.memory_space<hbm>> -> memref<10000xi32, #tpu.memory_space<hbm>>
      %dma_start3A_113 = tpu.memref_slice %arg4[%run_scoped3A, %mul3A_6] : memref<2x320000xi32, #tpu.memory_space<hbm>> -> memref<1x10000xi32, #tpu.memory_space<hbm>>
      %dma_start3A_114 = tpu.memref_squeeze %dma_start3A_113 : memref<1x10000xi32, #tpu.memory_space<hbm>> -> memref<10000xi32, #tpu.memory_space<hbm>>
      tpu.enqueue_dma source(%dma_start3A_114 : memref<10000xi32, #tpu.memory_space<hbm>>) target(%arg12 : memref<10000xi32, #tpu.memory_space<vmem>>) target_semaphore(%run_scoped3A_110 : memref<!tpu.dma_semaphore, #tpu.memory_space<semaphore_mem>>)
      %dma_wait3A_115 = tpu.memref_slice %arg4[%run_scoped3A, %mul3A_6] : memref<2x320000xi32, #tpu.memory_space<hbm>> -> memref<1x10000xi32, #tpu.memory_space<hbm>>
      %dma_wait3A_116 = tpu.memref_squeeze %dma_wait3A_115 : memref<1x10000xi32, #tpu.memory_space<hbm>> -> memref<10000xi32, #tpu.memory_space<hbm>>
      %dma_wait3A_117 = tpu.memref_slice %arg4[%run_scoped3A, %mul3A_6] : memref<2x320000xi32, #tpu.memory_space<hbm>> -> memref<1x10000xi32, #tpu.memory_space<hbm>>
      %dma_wait3A_118 = tpu.memref_squeeze %dma_wait3A_117 : memref<1x10000xi32, #tpu.memory_space<hbm>> -> memref<10000xi32, #tpu.memory_space<hbm>>
      tpu.wait_dma2 semaphore(%run_scoped3A_110 : memref<!tpu.dma_semaphore, #tpu.memory_space<semaphore_mem>>) src(%dma_wait3A_118 : memref<10000xi32, #tpu.memory_space<hbm>>) dst(%arg12 : memref<10000xi32, #tpu.memory_space<vmem>>)
      tpu.yield
    }) : () -> ()
    %mul3A_7 = arith.constant 10000 : i32
    %mul3A_8 = arith.muli %add3A, %mul3A_7 : i32
    %run_scoped3A_9 = arith.constant 1 : i32
    "tpu.region"() ({
      %run_scoped3A_110 = tpu.sem_alloc : memref<!tpu.dma_semaphore, #tpu.memory_space<semaphore_mem>>
      %dma_start3A_111 = tpu.memref_slice %arg4[%run_scoped3A_9, %mul3A_8] : memref<2x320000xi32, #tpu.memory_space<hbm>> -> memref<1x10000xi32, #tpu.memory_space<hbm>>
      %dma_start3A_112 = tpu.memref_squeeze %dma_start3A_111 : memref<1x10000xi32, #tpu.memory_space<hbm>> -> memref<10000xi32, #tpu.memory_space<hbm>>
      %dma_start3A_113 = tpu.memref_slice %arg4[%run_scoped3A_9, %mul3A_8] : memref<2x320000xi32, #tpu.memory_space<hbm>> -> memref<1x10000xi32, #tpu.memory_space<hbm>>
      %dma_start3A_114 = tpu.memref_squeeze %dma_start3A_113 : memref<1x10000xi32, #tpu.memory_space<hbm>> -> memref<10000xi32, #tpu.memory_space<hbm>>
      tpu.enqueue_dma source(%dma_start3A_114 : memref<10000xi32, #tpu.memory_space<hbm>>) target(%arg13 : memref<10000xi32, #tpu.memory_space<vmem>>) target_semaphore(%run_scoped3A_110 : memref<!tpu.dma_semaphore, #tpu.memory_space<semaphore_mem>>)
      %dma_wait3A_115 = tpu.memref_slice %arg4[%run_scoped3A_9, %mul3A_8] : memref<2x320000xi32, #tpu.memory_space<hbm>> -> memref<1x10000xi32, #tpu.memory_space<hbm>>
      %dma_wait3A_116 = tpu.memref_squeeze %dma_wait3A_115 : memref<1x10000xi32, #tpu.memory_space<hbm>> -> memref<10000xi32, #tpu.memory_space<hbm>>
      %dma_wait3A_117 = tpu.memref_slice %arg4[%run_scoped3A_9, %mul3A_8] : memref<2x320000xi32, #tpu.memory_space<hbm>> -> memref<1x10000xi32, #tpu.memory_space<hbm>>
      %dma_wait3A_118 = tpu.memref_squeeze %dma_wait3A_117 : memref<1x10000xi32, #tpu.memory_space<hbm>> -> memref<10000xi32, #tpu.memory_space<hbm>>
      tpu.wait_dma2 semaphore(%run_scoped3A_110 : memref<!tpu.dma_semaphore, #tpu.memory_space<semaphore_mem>>) src(%dma_wait3A_118 : memref<10000xi32, #tpu.memory_space<hbm>>) dst(%arg13 : memref<10000xi32, #tpu.memory_space<vmem>>)
      tpu.yield
    }) : () -> ()
    %barrier3A = arith.constant 0 : index
    tpu.barrier barrier_id(%barrier3A)
    %iota3A = tpu.iota {dimensions = array<i32: 0>} : vector<16xi32>
    %shift_right_logical3A = arith.constant 3 : i32
    %shift_right_logical3A_10 = vector.broadcast %shift_right_logical3A : i32 to vector<16xi32>
    %shift_right_logical3A_11 = arith.shrui %iota3A, %shift_right_logical3A_10 : vector<16xi32>
    %dma_start3A = arith.constant 9984 : i32
    %dma_start3A_12 = tpu.memref_slice %arg12[%dma_start3A] : memref<10000xi32, #tpu.memory_space<vmem>> -> memref<16xi32, #tpu.memory_space<vmem>>
    %dma_start3A_13 = arith.constant 0 : i32
    %dma_start3A_14 = arith.constant 0 : i32
    %dma_start3A_15 = tpu.memref_slice %arg2[%dma_start3A_13, %dma_start3A_14] : memref<10000x80xf32, #tpu.memory_space<hbm>> -> memref<10000x80xf32, #tpu.memory_space<hbm>>
    tpu.enqueue_indirect_dma source(%dma_start3A_15 : memref<10000x80xf32, #tpu.memory_space<hbm>>) target(%arg10 : memref<16x80xf32, #tpu.memory_space<vmem>>) offsets(%dma_start3A_12 : memref<16xi32, #tpu.memory_space<vmem>>) semaphore(%arg20 : memref<!tpu.dma_semaphore, #tpu.memory_space<semaphore_mem>>)
    %dma_start3A_16 = arith.constant 9984 : i32
    %dma_start3A_17 = tpu.memref_slice %arg13[%dma_start3A_16] : memref<10000xi32, #tpu.memory_space<vmem>> -> memref<16xi32, #tpu.memory_space<vmem>>
    %dma_start3A_18 = arith.constant 0 : i32
    %dma_start3A_19 = arith.constant 0 : i32
    %dma_start3A_20 = tpu.memref_slice %arg3[%dma_start3A_18, %dma_start3A_19] : memref<10000x16xf32, #tpu.memory_space<hbm>> -> memref<10000x16xf32, #tpu.memory_space<hbm>>
    tpu.enqueue_indirect_dma source(%dma_start3A_20 : memref<10000x16xf32, #tpu.memory_space<hbm>>) target(%arg11 : memref<16x16xf32, #tpu.memory_space<vmem>>) offsets(%dma_start3A_17 : memref<16xi32, #tpu.memory_space<vmem>>) semaphore(%arg20 : memref<!tpu.dma_semaphore, #tpu.memory_space<semaphore_mem>>)
    %dma_start3A_21 = arith.constant 0 : i32
    %dma_start3A_22 = arith.constant 0 : i32
    %dma_start3A_23 = arith.constant 0 : i32
    %dma_start3A_24 = tpu.memref_slice %arg8[%dma_start3A_21, %dma_start3A_22, %dma_start3A_23] : memref<3x128x80xf32, #tpu.memory_space<vmem>> -> memref<1x128x80xf32, #tpu.memory_space<vmem>>
    %dma_start3A_25 = tpu.memref_squeeze %dma_start3A_24 : memref<1x128x80xf32, #tpu.memory_space<vmem>> -> memref<128x80xf32, #tpu.memory_space<vmem>>
    %dma_start3A_26 = arith.constant 0 : i32
    %dma_start3A_27 = tpu.memref_slice %arg12[%dma_start3A_26] : memref<10000xi32, #tpu.memory_space<vmem>> -> memref<128xi32, #tpu.memory_space<vmem>>
    %dma_start3A_28 = arith.constant 0 : i32
    %dma_start3A_29 = arith.constant 0 : i32
    %dma_start3A_30 = tpu.memref_slice %arg2[%dma_start3A_28, %dma_start3A_29] : memref<10000x80xf32, #tpu.memory_space<hbm>> -> memref<10000x80xf32, #tpu.memory_space<hbm>>
    tpu.enqueue_indirect_dma source(%dma_start3A_30 : memref<10000x80xf32, #tpu.memory_space<hbm>>) target(%dma_start3A_25 : memref<128x80xf32, #tpu.memory_space<vmem>>) offsets(%dma_start3A_27 : memref<128xi32, #tpu.memory_space<vmem>>) semaphore(%arg14 : memref<!tpu.dma_semaphore, #tpu.memory_space<semaphore_mem>>)
    %dma_start3A_31 = arith.constant 0 : i32
    %dma_start3A_32 = arith.constant 0 : i32
    %dma_start3A_33 = arith.constant 0 : i32
    %dma_start3A_34 = tpu.memref_slice %arg9[%dma_start3A_31, %dma_start3A_32, %dma_start3A_33] : memref<3x128x16xf32, #tpu.memory_space<vmem>> -> memref<1x128x16xf32, #tpu.memory_space<vmem>>
    %dma_start3A_35 = tpu.memref_squeeze %dma_start3A_34 : memref<1x128x16xf32, #tpu.memory_space<vmem>> -> memref<128x16xf32, #tpu.memory_space<vmem>>
    %dma_start3A_36 = arith.constant 0 : i32
    %dma_start3A_37 = tpu.memref_slice %arg13[%dma_start3A_36] : memref<10000xi32, #tpu.memory_space<vmem>> -> memref<128xi32, #tpu.memory_space<vmem>>
    %dma_start3A_38 = arith.constant 0 : i32
    %dma_start3A_39 = arith.constant 0 : i32
    %dma_start3A_40 = tpu.memref_slice %arg3[%dma_start3A_38, %dma_start3A_39] : memref<10000x16xf32, #tpu.memory_space<hbm>> -> memref<10000x16xf32, #tpu.memory_space<hbm>>
    tpu.enqueue_indirect_dma source(%dma_start3A_40 : memref<10000x16xf32, #tpu.memory_space<hbm>>) target(%dma_start3A_35 : memref<128x16xf32, #tpu.memory_space<vmem>>) offsets(%dma_start3A_37 : memref<128xi32, #tpu.memory_space<vmem>>) semaphore(%arg14 : memref<!tpu.dma_semaphore, #tpu.memory_space<semaphore_mem>>)
    %dma_start3A_41 = arith.constant 1 : i32
    %dma_start3A_42 = arith.constant 0 : i32
    %dma_start3A_43 = arith.constant 0 : i32
    %dma_start3A_44 = tpu.memref_slice %arg8[%dma_start3A_41, %dma_start3A_42, %dma_start3A_43] : memref<3x128x80xf32, #tpu.memory_space<vmem>> -> memref<1x128x80xf32, #tpu.memory_space<vmem>>
    %dma_start3A_45 = tpu.memref_squeeze %dma_start3A_44 : memref<1x128x80xf32, #tpu.memory_space<vmem>> -> memref<128x80xf32, #tpu.memory_space<vmem>>
    %dma_start3A_46 = arith.constant 128 : i32
    %dma_start3A_47 = tpu.memref_slice %arg12[%dma_start3A_46] : memref<10000xi32, #tpu.memory_space<vmem>> -> memref<128xi32, #tpu.memory_space<vmem>>
    %dma_start3A_48 = arith.constant 0 : i32
    %dma_start3A_49 = arith.constant 0 : i32
    %dma_start3A_50 = tpu.memref_slice %arg2[%dma_start3A_48, %dma_start3A_49] : memref<10000x80xf32, #tpu.memory_space<hbm>> -> memref<10000x80xf32, #tpu.memory_space<hbm>>
    tpu.enqueue_indirect_dma source(%dma_start3A_50 : memref<10000x80xf32, #tpu.memory_space<hbm>>) target(%dma_start3A_45 : memref<128x80xf32, #tpu.memory_space<vmem>>) offsets(%dma_start3A_47 : memref<128xi32, #tpu.memory_space<vmem>>) semaphore(%arg15 : memref<!tpu.dma_semaphore, #tpu.memory_space<semaphore_mem>>)
    %dma_start3A_51 = arith.constant 1 : i32
    %dma_start3A_52 = arith.constant 0 : i32
    %dma_start3A_53 = arith.constant 0 : i32
    %dma_start3A_54 = tpu.memref_slice %arg9[%dma_start3A_51, %dma_start3A_52, %dma_start3A_53] : memref<3x128x16xf32, #tpu.memory_space<vmem>> -> memref<1x128x16xf32, #tpu.memory_space<vmem>>
    %dma_start3A_55 = tpu.memref_squeeze %dma_start3A_54 : memref<1x128x16xf32, #tpu.memory_space<vmem>> -> memref<128x16xf32, #tpu.memory_space<vmem>>
    %dma_start3A_56 = arith.constant 128 : i32
    %dma_start3A_57 = tpu.memref_slice %arg13[%dma_start3A_56] : memref<10000xi32, #tpu.memory_space<vmem>> -> memref<128xi32, #tpu.memory_space<vmem>>
    %dma_start3A_58 = arith.constant 0 : i32
    %dma_start3A_59 = arith.constant 0 : i32
    %dma_start3A_60 = tpu.memref_slice %arg3[%dma_start3A_58, %dma_start3A_59] : memref<10000x16xf32, #tpu.memory_space<hbm>> -> memref<10000x16xf32, #tpu.memory_space<hbm>>
    tpu.enqueue_indirect_dma source(%dma_start3A_60 : memref<10000x16xf32, #tpu.memory_space<hbm>>) target(%dma_start3A_55 : memref<128x16xf32, #tpu.memory_space<vmem>>) offsets(%dma_start3A_57 : memref<128xi32, #tpu.memory_space<vmem>>) semaphore(%arg15 : memref<!tpu.dma_semaphore, #tpu.memory_space<semaphore_mem>>)
    %scan3A = arith.constant 0 : i32
    %scan3A_61 = arith.constant 0 : i32
    %scan3A_62 = arith.constant 26 : i32
    %scan3A_63 = arith.addi %scan3A_61, %scan3A_62 : i32
    %scan3A_64 = arith.constant 1 : i32
    scf.for %scan3A_110 = %scan3A_61 to %scan3A_63 step %scan3A_64  : i32 {
      %mul3A_111 = arith.constant 3 : i32
      %mul3A_112 = arith.muli %mul3A_111, %scan3A_110 : i32
      %add3A_113 = arith.constant 0 : i32
      %add3A_114 = arith.addi %mul3A_112, %add3A_113 : i32
      %dma_wait3A_115 = arith.constant 0 : i32
      %dma_wait3A_116 = arith.constant 0 : i32
      %dma_wait3A_117 = arith.constant 0 : i32
      %dma_wait3A_118 = tpu.memref_slice %arg8[%dma_wait3A_115, %dma_wait3A_116, %dma_wait3A_117] : memref<3x128x80xf32, #tpu.memory_space<vmem>> -> memref<1x128x80xf32, #tpu.memory_space<vmem>>
      %dma_wait3A_119 = tpu.memref_squeeze %dma_wait3A_118 : memref<1x128x80xf32, #tpu.memory_space<vmem>> -> memref<128x80xf32, #tpu.memory_space<vmem>>
      %dma_wait3A_120 = arith.constant 0 : i32
      %dma_wait3A_121 = arith.constant 0 : i32
      %dma_wait3A_122 = tpu.memref_slice %arg2[%dma_wait3A_120, %dma_wait3A_121] : memref<10000x80xf32, #tpu.memory_space<hbm>> -> memref<128x80xf32, #tpu.memory_space<hbm>>
      %dma_wait3A_123 = arith.constant 0 : i32
      %dma_wait3A_124 = arith.constant 0 : i32
      %dma_wait3A_125 = tpu.memref_slice %arg8[%dma_wait3A_115, %dma_wait3A_123, %dma_wait3A_124] : memref<3x128x80xf32, #tpu.memory_space<vmem>> -> memref<1x128x80xf32, #tpu.memory_space<vmem>>
      %dma_wait3A_126 = tpu.memref_squeeze %dma_wait3A_125 : memref<1x128x80xf32, #tpu.memory_space<vmem>> -> memref<128x80xf32, #tpu.memory_space<vmem>>
      %dma_wait3A_127 = arith.constant 0 : i32
      %dma_wait3A_128 = arith.constant 0 : i32
      %dma_wait3A_129 = tpu.memref_slice %arg2[%dma_wait3A_127, %dma_wait3A_128] : memref<10000x80xf32, #tpu.memory_space<hbm>> -> memref<128x80xf32, #tpu.memory_space<hbm>>
      tpu.wait_dma2 semaphore(%arg14 : memref<!tpu.dma_semaphore, #tpu.memory_space<semaphore_mem>>) src(%dma_wait3A_129 : memref<128x80xf32, #tpu.memory_space<hbm>>) dst(%dma_wait3A_126 : memref<128x80xf32, #tpu.memory_space<vmem>>)
      %dma_wait3A_130 = arith.constant 0 : i32
      %dma_wait3A_131 = arith.constant 0 : i32
      %dma_wait3A_132 = arith.constant 0 : i32
      %dma_wait3A_133 = tpu.memref_slice %arg9[%dma_wait3A_130, %dma_wait3A_131, %dma_wait3A_132] : memref<3x128x16xf32, #tpu.memory_space<vmem>> -> memref<1x128x16xf32, #tpu.memory_space<vmem>>
      %dma_wait3A_134 = tpu.memref_squeeze %dma_wait3A_133 : memref<1x128x16xf32, #tpu.memory_space<vmem>> -> memref<128x16xf32, #tpu.memory_space<vmem>>
      %dma_wait3A_135 = arith.constant 0 : i32
      %dma_wait3A_136 = arith.constant 0 : i32
      %dma_wait3A_137 = tpu.memref_slice %arg3[%dma_wait3A_135, %dma_wait3A_136] : memref<10000x16xf32, #tpu.memory_space<hbm>> -> memref<128x16xf32, #tpu.memory_space<hbm>>
      %dma_wait3A_138 = arith.constant 0 : i32
      %dma_wait3A_139 = arith.constant 0 : i32
      %dma_wait3A_140 = tpu.memref_slice %arg9[%dma_wait3A_130, %dma_wait3A_138, %dma_wait3A_139] : memref<3x128x16xf32, #tpu.memory_space<vmem>> -> memref<1x128x16xf32, #tpu.memory_space<vmem>>
      %dma_wait3A_141 = tpu.memref_squeeze %dma_wait3A_140 : memref<1x128x16xf32, #tpu.memory_space<vmem>> -> memref<128x16xf32, #tpu.memory_space<vmem>>
      %dma_wait3A_142 = arith.constant 0 : i32
      %dma_wait3A_143 = arith.constant 0 : i32
      %dma_wait3A_144 = tpu.memref_slice %arg3[%dma_wait3A_142, %dma_wait3A_143] : memref<10000x16xf32, #tpu.memory_space<hbm>> -> memref<128x16xf32, #tpu.memory_space<hbm>>
      tpu.wait_dma2 semaphore(%arg14 : memref<!tpu.dma_semaphore, #tpu.memory_space<semaphore_mem>>) src(%dma_wait3A_144 : memref<128x16xf32, #tpu.memory_space<hbm>>) dst(%dma_wait3A_141 : memref<128x16xf32, #tpu.memory_space<vmem>>)
      %parallel_loop3A_145 = arith.constant 0 : i32
      %parallel_loop3A_146 = arith.constant 128 : i32
      %parallel_loop3A_147 = arith.constant 1 : i32
      %parallel_loop3A_148 = arith.constant 0 : i32
      %parallel_loop3A_149 = arith.constant 0 : i32
      scf.for %parallel_loop3A_293 = %parallel_loop3A_145 to %parallel_loop3A_146 step %parallel_loop3A_147  : i32 {
        %parallel_loop3A_294 = arith.constant 0 : i32
        %parallel_loop3A_295 = arith.constant 0 : i32
        %parallel_loop3A_296 = tpu.memref_slice %arg8[%parallel_loop3A_148, %parallel_loop3A_294, %parallel_loop3A_295] : memref<3x128x80xf32, #tpu.memory_space<vmem>> -> memref<1x128x80xf32, #tpu.memory_space<vmem>>
        %parallel_loop3A_297 = tpu.memref_squeeze %parallel_loop3A_296 : memref<1x128x80xf32, #tpu.memory_space<vmem>> -> memref<128x80xf32, #tpu.memory_space<vmem>>
        %parallel_loop3A_298 = arith.index_cast %parallel_loop3A_293 : i32 to index
        %parallel_loop3A_299 = arith.constant 64 : index
        %parallel_loop3A_300 = tpu.vector_load %parallel_loop3A_297[%parallel_loop3A_298, %parallel_loop3A_299] {strides = array<i32>} : memref<128x80xf32, #tpu.memory_space<vmem>>, vector<1x16xf32>,
        %parallel_loop3A_301 = vector.shape_cast %parallel_loop3A_300 : vector<1x16xf32> to vector<16xf32>
        %parallel_loop3A_302 = arith.constant 0 : i32
        %parallel_loop3A_303 = arith.constant 0 : i32
        %parallel_loop3A_304 = tpu.memref_slice %arg9[%parallel_loop3A_149, %parallel_loop3A_302, %parallel_loop3A_303] : memref<3x128x16xf32, #tpu.memory_space<vmem>> -> memref<1x128x16xf32, #tpu.memory_space<vmem>>
        %parallel_loop3A_305 = tpu.memref_squeeze %parallel_loop3A_304 : memref<1x128x16xf32, #tpu.memory_space<vmem>> -> memref<128x16xf32, #tpu.memory_space<vmem>>
        %parallel_loop3A_306 = arith.index_cast %parallel_loop3A_293 : i32 to index
        %parallel_loop3A_307 = arith.constant 0 : index
        %parallel_loop3A_308 = tpu.vector_load %parallel_loop3A_305[%parallel_loop3A_306, %parallel_loop3A_307] {strides = array<i32>} : memref<128x16xf32, #tpu.memory_space<vmem>>, vector<1x16xf32>,
        %parallel_loop3A_309 = vector.shape_cast %parallel_loop3A_308 : vector<1x16xf32> to vector<16xf32>
        %parallel_loop3A_310 = arith.addf %parallel_loop3A_301, %parallel_loop3A_309 : vector<16xf32>
        %parallel_loop3A_311 = arith.constant 2.000000e-01 : f32
        %parallel_loop3A_312 = vector.broadcast %parallel_loop3A_311 : f32 to vector<16xf32>
        %parallel_loop3A_313 = arith.mulf %parallel_loop3A_312, %parallel_loop3A_310 : vector<16xf32>
        %parallel_loop3A_314 = arith.maximumf %parallel_loop3A_310, %parallel_loop3A_313 : vector<16xf32>
        %parallel_loop3A_315 = math.exp %parallel_loop3A_314 : vector<16xf32>
        %parallel_loop3A_316 = arith.constant 0 : i32
        %parallel_loop3A_317 = arith.constant 0 : i32
        %parallel_loop3A_318 = tpu.memref_slice %arg8[%parallel_loop3A_148, %parallel_loop3A_316, %parallel_loop3A_317] : memref<3x128x80xf32, #tpu.memory_space<vmem>> -> memref<1x128x80xf32, #tpu.memory_space<vmem>>
        %parallel_loop3A_319 = tpu.memref_squeeze %parallel_loop3A_318 : memref<1x128x80xf32, #tpu.memory_space<vmem>> -> memref<128x80xf32, #tpu.memory_space<vmem>>
        %parallel_loop3A_320 = arith.index_cast %parallel_loop3A_293 : i32 to index
        %parallel_loop3A_321 = arith.constant 64 : index
        %parallel_loop3A_322 = tpu.vector_load %parallel_loop3A_319[%parallel_loop3A_320, %parallel_loop3A_321] {strides = array<i32>} : memref<128x80xf32, #tpu.memory_space<vmem>>, vector<1x16xf32>,
        %parallel_loop3A_323 = vector.shape_cast %parallel_loop3A_322 : vector<1x16xf32> to vector<16xf32>
        %parallel_loop3A_324 = vector.shape_cast %parallel_loop3A_315 : vector<16xf32> to vector<1x16xf32>
        tpu.vector_store %parallel_loop3A_319[%parallel_loop3A_320, %parallel_loop3A_321], %parallel_loop3A_324 {strides = array<i32>} : memref<128x80xf32, #tpu.memory_space<vmem>>, vector<1x16xf32>,
        %parallel_loop3A_325 = arith.constant 0 : i32
        %parallel_loop3A_326 = vector.broadcast %parallel_loop3A_325 : i32 to vector<16xi32>
        %parallel_loop3A_327 = arith.addi %shift_right_logical3A_11, %parallel_loop3A_326 : vector<16xi32>
        %parallel_loop3A_328 = arith.constant 0 : i32
        %parallel_loop3A_329 = vector.broadcast %parallel_loop3A_328 : i32 to vector<16xi32>
        %parallel_loop3A_330 = arith.cmpi slt, %parallel_loop3A_327, %parallel_loop3A_329 : vector<16xi32>
        %parallel_loop3A_331 = arith.constant 16 : i32
        %parallel_loop3A_332 = vector.broadcast %parallel_loop3A_331 : i32 to vector<16xi32>
        %parallel_loop3A_333 = arith.addi %parallel_loop3A_327, %parallel_loop3A_332 : vector<16xi32>
        %parallel_loop3A_334 = arith.select %parallel_loop3A_330, %parallel_loop3A_333, %parallel_loop3A_327 : vector<16xi1>, vector<16xi32>
        %parallel_loop3A_335 = vector.shape_cast %parallel_loop3A_334 : vector<16xi32> to vector<16x1xi32>
        %parallel_loop3A_336 = vector.shape_cast %parallel_loop3A_335 : vector<16x1xi32> to vector<16xi32>
        %parallel_loop3A_337 = tpu.dynamic_gather %parallel_loop3A_315[%parallel_loop3A_336] in [0] : vector<16xf32>, vector<16xi32> -> vector<16xf32>
        %parallel_loop3A_338 = arith.constant 0 : i32
        %parallel_loop3A_339 = arith.constant 0 : i32
        %parallel_loop3A_340 = tpu.memref_slice %arg8[%parallel_loop3A_148, %parallel_loop3A_338, %parallel_loop3A_339] : memref<3x128x80xf32, #tpu.memory_space<vmem>> -> memref<1x128x80xf32, #tpu.memory_space<vmem>>
        %parallel_loop3A_341 = tpu.memref_squeeze %parallel_loop3A_340 : memref<1x128x80xf32, #tpu.memory_space<vmem>> -> memref<128x80xf32, #tpu.memory_space<vmem>>
        %parallel_loop3A_342 = arith.index_cast %parallel_loop3A_293 : i32 to index
        %parallel_loop3A_343 = arith.constant 0 : index
        %parallel_loop3A_344 = tpu.vector_load %parallel_loop3A_341[%parallel_loop3A_342, %parallel_loop3A_343] {strides = array<i32>} : memref<128x80xf32, #tpu.memory_space<vmem>>, vector<1x16xf32>,
        %parallel_loop3A_345 = vector.shape_cast %parallel_loop3A_344 : vector<1x16xf32> to vector<16xf32>
        %parallel_loop3A_346 = arith.mulf %parallel_loop3A_345, %parallel_loop3A_337 : vector<16xf32>
        %parallel_loop3A_347 = arith.constant 0 : i32
        %parallel_loop3A_348 = arith.constant 0 : i32
        %parallel_loop3A_349 = tpu.memref_slice %arg8[%parallel_loop3A_148, %parallel_loop3A_347, %parallel_loop3A_348] : memref<3x128x80xf32, #tpu.memory_space<vmem>> -> memref<1x128x80xf32, #tpu.memory_space<vmem>>
        %parallel_loop3A_350 = tpu.memref_squeeze %parallel_loop3A_349 : memref<1x128x80xf32, #tpu.memory_space<vmem>> -> memref<128x80xf32, #tpu.memory_space<vmem>>
        %parallel_loop3A_351 = arith.index_cast %parallel_loop3A_293 : i32 to index
        %parallel_loop3A_352 = arith.constant 0 : index
        %parallel_loop3A_353 = tpu.vector_load %parallel_loop3A_350[%parallel_loop3A_351, %parallel_loop3A_352] {strides = array<i32>} : memref<128x80xf32, #tpu.memory_space<vmem>>, vector<1x16xf32>,
        %parallel_loop3A_354 = vector.shape_cast %parallel_loop3A_353 : vector<1x16xf32> to vector<16xf32>
        %parallel_loop3A_355 = vector.shape_cast %parallel_loop3A_346 : vector<16xf32> to vector<1x16xf32>
        tpu.vector_store %parallel_loop3A_350[%parallel_loop3A_351, %parallel_loop3A_352], %parallel_loop3A_355 {strides = array<i32>} : memref<128x80xf32, #tpu.memory_space<vmem>>, vector<1x16xf32>,
        %parallel_loop3A_356 = arith.constant 2 : i32
        %parallel_loop3A_357 = vector.broadcast %parallel_loop3A_356 : i32 to vector<16xi32>
        %parallel_loop3A_358 = arith.addi %shift_right_logical3A_11, %parallel_loop3A_357 : vector<16xi32>
        %parallel_loop3A_359 = arith.constant 0 : i32
        %parallel_loop3A_360 = vector.broadcast %parallel_loop3A_359 : i32 to vector<16xi32>
        %parallel_loop3A_361 = arith.cmpi slt, %parallel_loop3A_358, %parallel_loop3A_360 : vector<16xi32>
        %parallel_loop3A_362 = arith.constant 16 : i32
        %parallel_loop3A_363 = vector.broadcast %parallel_loop3A_362 : i32 to vector<16xi32>
        %parallel_loop3A_364 = arith.addi %parallel_loop3A_358, %parallel_loop3A_363 : vector<16xi32>
        %parallel_loop3A_365 = arith.select %parallel_loop3A_361, %parallel_loop3A_364, %parallel_loop3A_358 : vector<16xi1>, vector<16xi32>
        %parallel_loop3A_366 = vector.shape_cast %parallel_loop3A_365 : vector<16xi32> to vector<16x1xi32>
        %parallel_loop3A_367 = vector.shape_cast %parallel_loop3A_366 : vector<16x1xi32> to vector<16xi32>
        %parallel_loop3A_368 = tpu.dynamic_gather %parallel_loop3A_315[%parallel_loop3A_367] in [0] : vector<16xf32>, vector<16xi32> -> vector<16xf32>
        %parallel_loop3A_369 = arith.constant 0 : i32
        %parallel_loop3A_370 = arith.constant 0 : i32
        %parallel_loop3A_371 = tpu.memref_slice %arg8[%parallel_loop3A_148, %parallel_loop3A_369, %parallel_loop3A_370] : memref<3x128x80xf32, #tpu.memory_space<vmem>> -> memref<1x128x80xf32, #tpu.memory_space<vmem>>
        %parallel_loop3A_372 = tpu.memref_squeeze %parallel_loop3A_371 : memref<1x128x80xf32, #tpu.memory_space<vmem>> -> memref<128x80xf32, #tpu.memory_space<vmem>>
        %parallel_loop3A_373 = arith.index_cast %parallel_loop3A_293 : i32 to index
        %parallel_loop3A_374 = arith.constant 16 : index
        %parallel_loop3A_375 = tpu.vector_load %parallel_loop3A_372[%parallel_loop3A_373, %parallel_loop3A_374] {strides = array<i32>} : memref<128x80xf32, #tpu.memory_space<vmem>>, vector<1x16xf32>,
        %parallel_loop3A_376 = vector.shape_cast %parallel_loop3A_375 : vector<1x16xf32> to vector<16xf32>
        %parallel_loop3A_377 = arith.mulf %parallel_loop3A_376, %parallel_loop3A_368 : vector<16xf32>
        %parallel_loop3A_378 = arith.constant 0 : i32
        %parallel_loop3A_379 = arith.constant 0 : i32
        %parallel_loop3A_380 = tpu.memref_slice %arg8[%parallel_loop3A_148, %parallel_loop3A_378, %parallel_loop3A_379] : memref<3x128x80xf32, #tpu.memory_space<vmem>> -> memref<1x128x80xf32, #tpu.memory_space<vmem>>
        %parallel_loop3A_381 = tpu.memref_squeeze %parallel_loop3A_380 : memref<1x128x80xf32, #tpu.memory_space<vmem>> -> memref<128x80xf32, #tpu.memory_space<vmem>>
        %parallel_loop3A_382 = arith.index_cast %parallel_loop3A_293 : i32 to index
        %parallel_loop3A_383 = arith.constant 16 : index
        %parallel_loop3A_384 = tpu.vector_load %parallel_loop3A_381[%parallel_loop3A_382, %parallel_loop3A_383] {strides = array<i32>} : memref<128x80xf32, #tpu.memory_space<vmem>>, vector<1x16xf32>,
        %parallel_loop3A_385 = vector.shape_cast %parallel_loop3A_384 : vector<1x16xf32> to vector<16xf32>
        %parallel_loop3A_386 = vector.shape_cast %parallel_loop3A_377 : vector<16xf32> to vector<1x16xf32>
        tpu.vector_store %parallel_loop3A_381[%parallel_loop3A_382, %parallel_loop3A_383], %parallel_loop3A_386 {strides = array<i32>} : memref<128x80xf32, #tpu.memory_space<vmem>>, vector<1x16xf32>,
        %parallel_loop3A_387 = arith.constant 4 : i32
        %parallel_loop3A_388 = vector.broadcast %parallel_loop3A_387 : i32 to vector<16xi32>
        %parallel_loop3A_389 = arith.addi %shift_right_logical3A_11, %parallel_loop3A_388 : vector<16xi32>
        %parallel_loop3A_390 = arith.constant 0 : i32
        %parallel_loop3A_391 = vector.broadcast %parallel_loop3A_390 : i32 to vector<16xi32>
        %parallel_loop3A_392 = arith.cmpi slt, %parallel_loop3A_389, %parallel_loop3A_391 : vector<16xi32>
        %parallel_loop3A_393 = arith.constant 16 : i32
        %parallel_loop3A_394 = vector.broadcast %parallel_loop3A_393 : i32 to vector<16xi32>
        %parallel_loop3A_395 = arith.addi %parallel_loop3A_389, %parallel_loop3A_394 : vector<16xi32>
        %parallel_loop3A_396 = arith.select %parallel_loop3A_392, %parallel_loop3A_395, %parallel_loop3A_389 : vector<16xi1>, vector<16xi32>
        %parallel_loop3A_397 = vector.shape_cast %parallel_loop3A_396 : vector<16xi32> to vector<16x1xi32>
        %parallel_loop3A_398 = vector.shape_cast %parallel_loop3A_397 : vector<16x1xi32> to vector<16xi32>
        %parallel_loop3A_399 = tpu.dynamic_gather %parallel_loop3A_315[%parallel_loop3A_398] in [0] : vector<16xf32>, vector<16xi32> -> vector<16xf32>
        %parallel_loop3A_400 = arith.constant 0 : i32
        %parallel_loop3A_401 = arith.constant 0 : i32
        %parallel_loop3A_402 = tpu.memref_slice %arg8[%parallel_loop3A_148, %parallel_loop3A_400, %parallel_loop3A_401] : memref<3x128x80xf32, #tpu.memory_space<vmem>> -> memref<1x128x80xf32, #tpu.memory_space<vmem>>
        %parallel_loop3A_403 = tpu.memref_squeeze %parallel_loop3A_402 : memref<1x128x80xf32, #tpu.memory_space<vmem>> -> memref<128x80xf32, #tpu.memory_space<vmem>>
        %parallel_loop3A_404 = arith.index_cast %parallel_loop3A_293 : i32 to index
        %parallel_loop3A_405 = arith.constant 32 : index
        %parallel_loop3A_406 = tpu.vector_load %parallel_loop3A_403[%parallel_loop3A_404, %parallel_loop3A_405] {strides = array<i32>} : memref<128x80xf32, #tpu.memory_space<vmem>>, vector<1x16xf32>,
        %parallel_loop3A_407 = vector.shape_cast %parallel_loop3A_406 : vector<1x16xf32> to vector<16xf32>
        %parallel_loop3A_408 = arith.mulf %parallel_loop3A_407, %parallel_loop3A_399 : vector<16xf32>
        %parallel_loop3A_409 = arith.constant 0 : i32
        %parallel_loop3A_410 = arith.constant 0 : i32
        %parallel_loop3A_411 = tpu.memref_slice %arg8[%parallel_loop3A_148, %parallel_loop3A_409, %parallel_loop3A_410] : memref<3x128x80xf32, #tpu.memory_space<vmem>> -> memref<1x128x80xf32, #tpu.memory_space<vmem>>
        %parallel_loop3A_412 = tpu.memref_squeeze %parallel_loop3A_411 : memref<1x128x80xf32, #tpu.memory_space<vmem>> -> memref<128x80xf32, #tpu.memory_space<vmem>>
        %parallel_loop3A_413 = arith.index_cast %parallel_loop3A_293 : i32 to index
        %parallel_loop3A_414 = arith.constant 32 : index
        %parallel_loop3A_415 = tpu.vector_load %parallel_loop3A_412[%parallel_loop3A_413, %parallel_loop3A_414] {strides = array<i32>} : memref<128x80xf32, #tpu.memory_space<vmem>>, vector<1x16xf32>,
        %parallel_loop3A_416 = vector.shape_cast %parallel_loop3A_415 : vector<1x16xf32> to vector<16xf32>
        %parallel_loop3A_417 = vector.shape_cast %parallel_loop3A_408 : vector<16xf32> to vector<1x16xf32>
        tpu.vector_store %parallel_loop3A_412[%parallel_loop3A_413, %parallel_loop3A_414], %parallel_loop3A_417 {strides = array<i32>} : memref<128x80xf32, #tpu.memory_space<vmem>>, vector<1x16xf32>,
        %parallel_loop3A_418 = arith.constant 6 : i32
        %parallel_loop3A_419 = vector.broadcast %parallel_loop3A_418 : i32 to vector<16xi32>
        %parallel_loop3A_420 = arith.addi %shift_right_logical3A_11, %parallel_loop3A_419 : vector<16xi32>
        %parallel_loop3A_421 = arith.constant 0 : i32
        %parallel_loop3A_422 = vector.broadcast %parallel_loop3A_421 : i32 to vector<16xi32>
        %parallel_loop3A_423 = arith.cmpi slt, %parallel_loop3A_420, %parallel_loop3A_422 : vector<16xi32>
        %parallel_loop3A_424 = arith.constant 16 : i32
        %parallel_loop3A_425 = vector.broadcast %parallel_loop3A_424 : i32 to vector<16xi32>
        %parallel_loop3A_426 = arith.addi %parallel_loop3A_420, %parallel_loop3A_425 : vector<16xi32>
        %parallel_loop3A_427 = arith.select %parallel_loop3A_423, %parallel_loop3A_426, %parallel_loop3A_420 : vector<16xi1>, vector<16xi32>
        %parallel_loop3A_428 = vector.shape_cast %parallel_loop3A_427 : vector<16xi32> to vector<16x1xi32>
        %parallel_loop3A_429 = vector.shape_cast %parallel_loop3A_428 : vector<16x1xi32> to vector<16xi32>
        %parallel_loop3A_430 = tpu.dynamic_gather %parallel_loop3A_315[%parallel_loop3A_429] in [0] : vector<16xf32>, vector<16xi32> -> vector<16xf32>
        %parallel_loop3A_431 = arith.constant 0 : i32
        %parallel_loop3A_432 = arith.constant 0 : i32
        %parallel_loop3A_433 = tpu.memref_slice %arg8[%parallel_loop3A_148, %parallel_loop3A_431, %parallel_loop3A_432] : memref<3x128x80xf32, #tpu.memory_space<vmem>> -> memref<1x128x80xf32, #tpu.memory_space<vmem>>
        %parallel_loop3A_434 = tpu.memref_squeeze %parallel_loop3A_433 : memref<1x128x80xf32, #tpu.memory_space<vmem>> -> memref<128x80xf32, #tpu.memory_space<vmem>>
        %parallel_loop3A_435 = arith.index_cast %parallel_loop3A_293 : i32 to index
        %parallel_loop3A_436 = arith.constant 48 : index
        %parallel_loop3A_437 = tpu.vector_load %parallel_loop3A_434[%parallel_loop3A_435, %parallel_loop3A_436] {strides = array<i32>} : memref<128x80xf32, #tpu.memory_space<vmem>>, vector<1x16xf32>,
        %parallel_loop3A_438 = vector.shape_cast %parallel_loop3A_437 : vector<1x16xf32> to vector<16xf32>
        %parallel_loop3A_439 = arith.mulf %parallel_loop3A_438, %parallel_loop3A_430 : vector<16xf32>
        %parallel_loop3A_440 = arith.constant 0 : i32
        %parallel_loop3A_441 = arith.constant 0 : i32
        %parallel_loop3A_442 = tpu.memref_slice %arg8[%parallel_loop3A_148, %parallel_loop3A_440, %parallel_loop3A_441] : memref<3x128x80xf32, #tpu.memory_space<vmem>> -> memref<1x128x80xf32, #tpu.memory_space<vmem>>
        %parallel_loop3A_443 = tpu.memref_squeeze %parallel_loop3A_442 : memref<1x128x80xf32, #tpu.memory_space<vmem>> -> memref<128x80xf32, #tpu.memory_space<vmem>>
        %parallel_loop3A_444 = arith.index_cast %parallel_loop3A_293 : i32 to index
        %parallel_loop3A_445 = arith.constant 48 : index
        %parallel_loop3A_446 = tpu.vector_load %parallel_loop3A_443[%parallel_loop3A_444, %parallel_loop3A_445] {strides = array<i32>} : memref<128x80xf32, #tpu.memory_space<vmem>>, vector<1x16xf32>,
        %parallel_loop3A_447 = vector.shape_cast %parallel_loop3A_446 : vector<1x16xf32> to vector<16xf32>
        %parallel_loop3A_448 = vector.shape_cast %parallel_loop3A_439 : vector<16xf32> to vector<1x16xf32>
        tpu.vector_store %parallel_loop3A_443[%parallel_loop3A_444, %parallel_loop3A_445], %parallel_loop3A_448 {strides = array<i32>} : memref<128x80xf32, #tpu.memory_space<vmem>>, vector<1x16xf32>,
      } {sc.loop_unroll_factor = 8 : i64, sc.parallel_access}
      %mul3A_150 = arith.constant 128 : i32
      %mul3A_151 = arith.muli %add3A_114, %mul3A_150 : i32
      %dma_start3A_152 = arith.constant 0 : i32
      %dma_start3A_153 = arith.constant 0 : i32
      %dma_start3A_154 = arith.constant 0 : i32
      %dma_start3A_155 = tpu.memref_slice %arg8[%dma_start3A_152, %dma_start3A_153, %dma_start3A_154] : memref<3x128x80xf32, #tpu.memory_space<vmem>> -> memref<1x128x80xf32, #tpu.memory_space<vmem>>
      %dma_start3A_156 = tpu.memref_squeeze %dma_start3A_155 : memref<1x128x80xf32, #tpu.memory_space<vmem>> -> memref<128x80xf32, #tpu.memory_space<vmem>>
      %dma_start3A_157 = tpu.memref_slice %arg13[%mul3A_151] : memref<10000xi32, #tpu.memory_space<vmem>> -> memref<128xi32, #tpu.memory_space<vmem>>
      %dma_start3A_158 = arith.constant 0 : i32
      %dma_start3A_159 = arith.constant 0 : i32
      %dma_start3A_160 = tpu.memref_slice %arg7[%dma_start3A_158, %dma_start3A_159] : memref<10112x80xf32, #tpu.memory_space<vmem_shared>> -> memref<10112x80xf32, #tpu.memory_space<vmem_shared>>
      tpu.enqueue_indirect_dma source(%dma_start3A_156 : memref<128x80xf32, #tpu.memory_space<vmem>>) target(%dma_start3A_160 : memref<10112x80xf32, #tpu.memory_space<vmem_shared>>) offsets(%dma_start3A_157 : memref<128xi32, #tpu.memory_space<vmem>>) semaphore(%arg17 : memref<!tpu.dma_semaphore, #tpu.memory_space<semaphore_mem>>) {add = true}
      %ge3A = arith.constant 1 : i32
      %ge3A_161 = arith.cmpi sge, %add3A_114, %ge3A : i32
      %convert_element_type3A = arith.extui %ge3A_161 : i1 to i32
      %cond3A = arith.constant 0 : i32
      %cond3A_162 = arith.cmpi ne, %convert_element_type3A, %cond3A : i32
      scf.if %cond3A_162 {
        %dma_wait3A_293 = arith.constant 2 : i32
        %dma_wait3A_294 = arith.constant 0 : i32
        %dma_wait3A_295 = arith.constant 0 : i32
        %dma_wait3A_296 = tpu.memref_slice %arg8[%dma_wait3A_293, %dma_wait3A_294, %dma_wait3A_295] : memref<3x128x80xf32, #tpu.memory_space<vmem>> -> memref<1x128x80xf32, #tpu.memory_space<vmem>>
        %dma_wait3A_297 = tpu.memref_squeeze %dma_wait3A_296 : memref<1x128x80xf32, #tpu.memory_space<vmem>> -> memref<128x80xf32, #tpu.memory_space<vmem>>
        %dma_wait3A_298 = arith.constant 0 : i32
        %dma_wait3A_299 = arith.constant 0 : i32
        %dma_wait3A_300 = tpu.memref_slice %arg2[%dma_wait3A_298, %dma_wait3A_299] : memref<10000x80xf32, #tpu.memory_space<hbm>> -> memref<128x80xf32, #tpu.memory_space<hbm>>
        %dma_wait3A_301 = arith.constant 0 : i32
        %dma_wait3A_302 = arith.constant 0 : i32
        %dma_wait3A_303 = tpu.memref_slice %arg8[%dma_wait3A_293, %dma_wait3A_301, %dma_wait3A_302] : memref<3x128x80xf32, #tpu.memory_space<vmem>> -> memref<1x128x80xf32, #tpu.memory_space<vmem>>
        %dma_wait3A_304 = tpu.memref_squeeze %dma_wait3A_303 : memref<1x128x80xf32, #tpu.memory_space<vmem>> -> memref<128x80xf32, #tpu.memory_space<vmem>>
        %dma_wait3A_305 = arith.constant 0 : i32
        %dma_wait3A_306 = arith.constant 0 : i32
        %dma_wait3A_307 = tpu.memref_slice %arg2[%dma_wait3A_305, %dma_wait3A_306] : memref<10000x80xf32, #tpu.memory_space<hbm>> -> memref<128x80xf32, #tpu.memory_space<hbm>>
        tpu.wait_dma2 semaphore(%arg19 : memref<!tpu.dma_semaphore, #tpu.memory_space<semaphore_mem>>) src(%dma_wait3A_307 : memref<128x80xf32, #tpu.memory_space<hbm>>) dst(%dma_wait3A_304 : memref<128x80xf32, #tpu.memory_space<vmem>>)
      } else {
      }
      %add3A_163 = arith.constant 2 : i32
      %add3A_164 = arith.addi %add3A_114, %add3A_163 : i32
      %lt3A = arith.constant 78 : i32
      %lt3A_165 = arith.cmpi slt, %add3A_164, %lt3A : i32
      %convert_element_type3A_166 = arith.extui %lt3A_165 : i1 to i32
      %cond3A_167 = arith.constant 0 : i32
      %cond3A_168 = arith.cmpi ne, %convert_element_type3A_166, %cond3A_167 : i32
      scf.if %cond3A_168 {
        %add3A_293 = arith.constant 2 : i32
        %add3A_294 = arith.addi %add3A_114, %add3A_293 : i32
        %mul3A_295 = arith.constant 128 : i32
        %mul3A_296 = arith.muli %add3A_294, %mul3A_295 : i32
        %mul3A_297 = arith.constant 128 : i32
        %mul3A_298 = arith.muli %add3A_294, %mul3A_297 : i32
        %dma_start3A_299 = arith.constant 2 : i32
        %dma_start3A_300 = arith.constant 0 : i32
        %dma_start3A_301 = arith.constant 0 : i32
        %dma_start3A_302 = tpu.memref_slice %arg8[%dma_start3A_299, %dma_start3A_300, %dma_start3A_301] : memref<3x128x80xf32, #tpu.memory_space<vmem>> -> memref<1x128x80xf32, #tpu.memory_space<vmem>>
        %dma_start3A_303 = tpu.memref_squeeze %dma_start3A_302 : memref<1x128x80xf32, #tpu.memory_space<vmem>> -> memref<128x80xf32, #tpu.memory_space<vmem>>
        %dma_start3A_304 = tpu.memref_slice %arg12[%mul3A_296] : memref<10000xi32, #tpu.memory_space<vmem>> -> memref<128xi32, #tpu.memory_space<vmem>>
        %dma_start3A_305 = arith.constant 0 : i32
        %dma_start3A_306 = arith.constant 0 : i32
        %dma_start3A_307 = tpu.memref_slice %arg2[%dma_start3A_305, %dma_start3A_306] : memref<10000x80xf32, #tpu.memory_space<hbm>> -> memref<10000x80xf32, #tpu.memory_space<hbm>>
        tpu.enqueue_indirect_dma source(%dma_start3A_307 : memref<10000x80xf32, #tpu.memory_space<hbm>>) target(%dma_start3A_303 : memref<128x80xf32, #tpu.memory_space<vmem>>) offsets(%dma_start3A_304 : memref<128xi32, #tpu.memory_space<vmem>>) semaphore(%arg16 : memref<!tpu.dma_semaphore, #tpu.memory_space<semaphore_mem>>)
        %dma_start3A_308 = arith.constant 2 : i32
        %dma_start3A_309 = arith.constant 0 : i32
        %dma_start3A_310 = arith.constant 0 : i32
        %dma_start3A_311 = tpu.memref_slice %arg9[%dma_start3A_308, %dma_start3A_309, %dma_start3A_310] : memref<3x128x16xf32, #tpu.memory_space<vmem>> -> memref<1x128x16xf32, #tpu.memory_space<vmem>>
        %dma_start3A_312 = tpu.memref_squeeze %dma_start3A_311 : memref<1x128x16xf32, #tpu.memory_space<vmem>> -> memref<128x16xf32, #tpu.memory_space<vmem>>
        %dma_start3A_313 = tpu.memref_slice %arg13[%mul3A_298] : memref<10000xi32, #tpu.memory_space<vmem>> -> memref<128xi32, #tpu.memory_space<vmem>>
        %dma_start3A_314 = arith.constant 0 : i32
        %dma_start3A_315 = arith.constant 0 : i32
        %dma_start3A_316 = tpu.memref_slice %arg3[%dma_start3A_314, %dma_start3A_315] : memref<10000x16xf32, #tpu.memory_space<hbm>> -> memref<10000x16xf32, #tpu.memory_space<hbm>>
        tpu.enqueue_indirect_dma source(%dma_start3A_316 : memref<10000x16xf32, #tpu.memory_space<hbm>>) target(%dma_start3A_312 : memref<128x16xf32, #tpu.memory_space<vmem>>) offsets(%dma_start3A_313 : memref<128xi32, #tpu.memory_space<vmem>>) semaphore(%arg16 : memref<!tpu.dma_semaphore, #tpu.memory_space<semaphore_mem>>)
      } else {
      }
      %mul3A_169 = arith.constant 3 : i32
      %mul3A_170 = arith.muli %mul3A_169, %scan3A_110 : i32
      %add3A_171 = arith.constant 1 : i32
      %add3A_172 = arith.addi %mul3A_170, %add3A_171 : i32
      %dma_wait3A_173 = arith.constant 1 : i32
      %dma_wait3A_174 = arith.constant 0 : i32
      %dma_wait3A_175 = arith.constant 0 : i32
      %dma_wait3A_176 = tpu.memref_slice %arg8[%dma_wait3A_173, %dma_wait3A_174, %dma_wait3A_175] : memref<3x128x80xf32, #tpu.memory_space<vmem>> -> memref<1x128x80xf32, #tpu.memory_space<vmem>>
      %dma_wait3A_177 = tpu.memref_squeeze %dma_wait3A_176 : memref<1x128x80xf32, #tpu.memory_space<vmem>> -> memref<128x80xf32, #tpu.memory_space<vmem>>
      %dma_wait3A_178 = arith.constant 0 : i32
      %dma_wait3A_179 = arith.constant 0 : i32
      %dma_wait3A_180 = tpu.memref_slice %arg2[%dma_wait3A_178, %dma_wait3A_179] : memref<10000x80xf32, #tpu.memory_space<hbm>> -> memref<128x80xf32, #tpu.memory_space<hbm>>
      %dma_wait3A_181 = arith.constant 0 : i32
      %dma_wait3A_182 = arith.constant 0 : i32
      %dma_wait3A_183 = tpu.memref_slice %arg8[%dma_wait3A_173, %dma_wait3A_181, %dma_wait3A_182] : memref<3x128x80xf32, #tpu.memory_space<vmem>> -> memref<1x128x80xf32, #tpu.memory_space<vmem>>
      %dma_wait3A_184 = tpu.memref_squeeze %dma_wait3A_183 : memref<1x128x80xf32, #tpu.memory_space<vmem>> -> memref<128x80xf32, #tpu.memory_space<vmem>>
      %dma_wait3A_185 = arith.constant 0 : i32
      %dma_wait3A_186 = arith.constant 0 : i32
      %dma_wait3A_187 = tpu.memref_slice %arg2[%dma_wait3A_185, %dma_wait3A_186] : memref<10000x80xf32, #tpu.memory_space<hbm>> -> memref<128x80xf32, #tpu.memory_space<hbm>>
      tpu.wait_dma2 semaphore(%arg15 : memref<!tpu.dma_semaphore, #tpu.memory_space<semaphore_mem>>) src(%dma_wait3A_187 : memref<128x80xf32, #tpu.memory_space<hbm>>) dst(%dma_wait3A_184 : memref<128x80xf32, #tpu.memory_space<vmem>>)
      %dma_wait3A_188 = arith.constant 1 : i32
      %dma_wait3A_189 = arith.constant 0 : i32
      %dma_wait3A_190 = arith.constant 0 : i32
      %dma_wait3A_191 = tpu.memref_slice %arg9[%dma_wait3A_188, %dma_wait3A_189, %dma_wait3A_190] : memref<3x128x16xf32, #tpu.memory_space<vmem>> -> memref<1x128x16xf32, #tpu.memory_space<vmem>>
      %dma_wait3A_192 = tpu.memref_squeeze %dma_wait3A_191 : memref<1x128x16xf32, #tpu.memory_space<vmem>> -> memref<128x16xf32, #tpu.memory_space<vmem>>
      %dma_wait3A_193 = arith.constant 0 : i32
      %dma_wait3A_194 = arith.constant 0 : i32
      %dma_wait3A_195 = tpu.memref_slice %arg3[%dma_wait3A_193, %dma_wait3A_194] : memref<10000x16xf32, #tpu.memory_space<hbm>> -> memref<128x16xf32, #tpu.memory_space<hbm>>
      %dma_wait3A_196 = arith.constant 0 : i32
      %dma_wait3A_197 = arith.constant 0 : i32
      %dma_wait3A_198 = tpu.memref_slice %arg9[%dma_wait3A_188, %dma_wait3A_196, %dma_wait3A_197] : memref<3x128x16xf32, #tpu.memory_space<vmem>> -> memref<1x128x16xf32, #tpu.memory_space<vmem>>
      %dma_wait3A_199 = tpu.memref_squeeze %dma_wait3A_198 : memref<1x128x16xf32, #tpu.memory_space<vmem>> -> memref<128x16xf32, #tpu.memory_space<vmem>>
      %dma_wait3A_200 = arith.constant 0 : i32
      %dma_wait3A_201 = arith.constant 0 : i32
      %dma_wait3A_202 = tpu.memref_slice %arg3[%dma_wait3A_200, %dma_wait3A_201] : memref<10000x16xf32, #tpu.memory_space<hbm>> -> memref<128x16xf32, #tpu.memory_space<hbm>>
      tpu.wait_dma2 semaphore(%arg15 : memref<!tpu.dma_semaphore, #tpu.memory_space<semaphore_mem>>) src(%dma_wait3A_202 : memref<128x16xf32, #tpu.memory_space<hbm>>) dst(%dma_wait3A_199 : memref<128x16xf32, #tpu.memory_space<vmem>>)
      %parallel_loop3A_203 = arith.constant 0 : i32
      %parallel_loop3A_204 = arith.constant 128 : i32
      %parallel_loop3A_205 = arith.constant 1 : i32
      %parallel_loop3A_206 = arith.constant 1 : i32
      %parallel_loop3A_207 = arith.constant 1 : i32
      scf.for %parallel_loop3A_293 = %parallel_loop3A_203 to %parallel_loop3A_204 step %parallel_loop3A_205  : i32 {
        %parallel_loop3A_294 = arith.constant 0 : i32
        %parallel_loop3A_295 = arith.constant 0 : i32
        %parallel_loop3A_296 = tpu.memref_slice %arg8[%parallel_loop3A_206, %parallel_loop3A_294, %parallel_loop3A_295] : memref<3x128x80xf32, #tpu.memory_space<vmem>> -> memref<1x128x80xf32, #tpu.memory_space<vmem>>
        %parallel_loop3A_297 = tpu.memref_squeeze %parallel_loop3A_296 : memref<1x128x80xf32, #tpu.memory_space<vmem>> -> memref<128x80xf32, #tpu.memory_space<vmem>>
        %parallel_loop3A_298 = arith.index_cast %parallel_loop3A_293 : i32 to index
        %parallel_loop3A_299 = arith.constant 64 : index
        %parallel_loop3A_300 = tpu.vector_load %parallel_loop3A_297[%parallel_loop3A_298, %parallel_loop3A_299] {strides = array<i32>} : memref<128x80xf32, #tpu.memory_space<vmem>>, vector<1x16xf32>,
        %parallel_loop3A_301 = vector.shape_cast %parallel_loop3A_300 : vector<1x16xf32> to vector<16xf32>
        %parallel_loop3A_302 = arith.constant 0 : i32
        %parallel_loop3A_303 = arith.constant 0 : i32
        %parallel_loop3A_304 = tpu.memref_slice %arg9[%parallel_loop3A_207, %parallel_loop3A_302, %parallel_loop3A_303] : memref<3x128x16xf32, #tpu.memory_space<vmem>> -> memref<1x128x16xf32, #tpu.memory_space<vmem>>
        %parallel_loop3A_305 = tpu.memref_squeeze %parallel_loop3A_304 : memref<1x128x16xf32, #tpu.memory_space<vmem>> -> memref<128x16xf32, #tpu.memory_space<vmem>>
        %parallel_loop3A_306 = arith.index_cast %parallel_loop3A_293 : i32 to index
        %parallel_loop3A_307 = arith.constant 0 : index
        %parallel_loop3A_308 = tpu.vector_load %parallel_loop3A_305[%parallel_loop3A_306, %parallel_loop3A_307] {strides = array<i32>} : memref<128x16xf32, #tpu.memory_space<vmem>>, vector<1x16xf32>,
        %parallel_loop3A_309 = vector.shape_cast %parallel_loop3A_308 : vector<1x16xf32> to vector<16xf32>
        %parallel_loop3A_310 = arith.addf %parallel_loop3A_301, %parallel_loop3A_309 : vector<16xf32>
        %parallel_loop3A_311 = arith.constant 2.000000e-01 : f32
        %parallel_loop3A_312 = vector.broadcast %parallel_loop3A_311 : f32 to vector<16xf32>
        %parallel_loop3A_313 = arith.mulf %parallel_loop3A_312, %parallel_loop3A_310 : vector<16xf32>
        %parallel_loop3A_314 = arith.maximumf %parallel_loop3A_310, %parallel_loop3A_313 : vector<16xf32>
        %parallel_loop3A_315 = math.exp %parallel_loop3A_314 : vector<16xf32>
        %parallel_loop3A_316 = arith.constant 0 : i32
        %parallel_loop3A_317 = arith.constant 0 : i32
        %parallel_loop3A_318 = tpu.memref_slice %arg8[%parallel_loop3A_206, %parallel_loop3A_316, %parallel_loop3A_317] : memref<3x128x80xf32, #tpu.memory_space<vmem>> -> memref<1x128x80xf32, #tpu.memory_space<vmem>>
        %parallel_loop3A_319 = tpu.memref_squeeze %parallel_loop3A_318 : memref<1x128x80xf32, #tpu.memory_space<vmem>> -> memref<128x80xf32, #tpu.memory_space<vmem>>
        %parallel_loop3A_320 = arith.index_cast %parallel_loop3A_293 : i32 to index
        %parallel_loop3A_321 = arith.constant 64 : index
        %parallel_loop3A_322 = tpu.vector_load %parallel_loop3A_319[%parallel_loop3A_320, %parallel_loop3A_321] {strides = array<i32>} : memref<128x80xf32, #tpu.memory_space<vmem>>, vector<1x16xf32>,
        %parallel_loop3A_323 = vector.shape_cast %parallel_loop3A_322 : vector<1x16xf32> to vector<16xf32>
        %parallel_loop3A_324 = vector.shape_cast %parallel_loop3A_315 : vector<16xf32> to vector<1x16xf32>
        tpu.vector_store %parallel_loop3A_319[%parallel_loop3A_320, %parallel_loop3A_321], %parallel_loop3A_324 {strides = array<i32>} : memref<128x80xf32, #tpu.memory_space<vmem>>, vector<1x16xf32>,
        %parallel_loop3A_325 = arith.constant 0 : i32
        %parallel_loop3A_326 = vector.broadcast %parallel_loop3A_325 : i32 to vector<16xi32>
        %parallel_loop3A_327 = arith.addi %shift_right_logical3A_11, %parallel_loop3A_326 : vector<16xi32>
        %parallel_loop3A_328 = arith.constant 0 : i32
        %parallel_loop3A_329 = vector.broadcast %parallel_loop3A_328 : i32 to vector<16xi32>
        %parallel_loop3A_330 = arith.cmpi slt, %parallel_loop3A_327, %parallel_loop3A_329 : vector<16xi32>
        %parallel_loop3A_331 = arith.constant 16 : i32
        %parallel_loop3A_332 = vector.broadcast %parallel_loop3A_331 : i32 to vector<16xi32>
        %parallel_loop3A_333 = arith.addi %parallel_loop3A_327, %parallel_loop3A_332 : vector<16xi32>
        %parallel_loop3A_334 = arith.select %parallel_loop3A_330, %parallel_loop3A_333, %parallel_loop3A_327 : vector<16xi1>, vector<16xi32>
        %parallel_loop3A_335 = vector.shape_cast %parallel_loop3A_334 : vector<16xi32> to vector<16x1xi32>
        %parallel_loop3A_336 = vector.shape_cast %parallel_loop3A_335 : vector<16x1xi32> to vector<16xi32>
        %parallel_loop3A_337 = tpu.dynamic_gather %parallel_loop3A_315[%parallel_loop3A_336] in [0] : vector<16xf32>, vector<16xi32> -> vector<16xf32>
        %parallel_loop3A_338 = arith.constant 0 : i32
        %parallel_loop3A_339 = arith.constant 0 : i32
        %parallel_loop3A_340 = tpu.memref_slice %arg8[%parallel_loop3A_206, %parallel_loop3A_338, %parallel_loop3A_339] : memref<3x128x80xf32, #tpu.memory_space<vmem>> -> memref<1x128x80xf32, #tpu.memory_space<vmem>>
        %parallel_loop3A_341 = tpu.memref_squeeze %parallel_loop3A_340 : memref<1x128x80xf32, #tpu.memory_space<vmem>> -> memref<128x80xf32, #tpu.memory_space<vmem>>
        %parallel_loop3A_342 = arith.index_cast %parallel_loop3A_293 : i32 to index
        %parallel_loop3A_343 = arith.constant 0 : index
        %parallel_loop3A_344 = tpu.vector_load %parallel_loop3A_341[%parallel_loop3A_342, %parallel_loop3A_343] {strides = array<i32>} : memref<128x80xf32, #tpu.memory_space<vmem>>, vector<1x16xf32>,
        %parallel_loop3A_345 = vector.shape_cast %parallel_loop3A_344 : vector<1x16xf32> to vector<16xf32>
        %parallel_loop3A_346 = arith.mulf %parallel_loop3A_345, %parallel_loop3A_337 : vector<16xf32>
        %parallel_loop3A_347 = arith.constant 0 : i32
        %parallel_loop3A_348 = arith.constant 0 : i32
        %parallel_loop3A_349 = tpu.memref_slice %arg8[%parallel_loop3A_206, %parallel_loop3A_347, %parallel_loop3A_348] : memref<3x128x80xf32, #tpu.memory_space<vmem>> -> memref<1x128x80xf32, #tpu.memory_space<vmem>>
        %parallel_loop3A_350 = tpu.memref_squeeze %parallel_loop3A_349 : memref<1x128x80xf32, #tpu.memory_space<vmem>> -> memref<128x80xf32, #tpu.memory_space<vmem>>
        %parallel_loop3A_351 = arith.index_cast %parallel_loop3A_293 : i32 to index
        %parallel_loop3A_352 = arith.constant 0 : index
        %parallel_loop3A_353 = tpu.vector_load %parallel_loop3A_350[%parallel_loop3A_351, %parallel_loop3A_352] {strides = array<i32>} : memref<128x80xf32, #tpu.memory_space<vmem>>, vector<1x16xf32>,
        %parallel_loop3A_354 = vector.shape_cast %parallel_loop3A_353 : vector<1x16xf32> to vector<16xf32>
        %parallel_loop3A_355 = vector.shape_cast %parallel_loop3A_346 : vector<16xf32> to vector<1x16xf32>
        tpu.vector_store %parallel_loop3A_350[%parallel_loop3A_351, %parallel_loop3A_352], %parallel_loop3A_355 {strides = array<i32>} : memref<128x80xf32, #tpu.memory_space<vmem>>, vector<1x16xf32>,
        %parallel_loop3A_356 = arith.constant 2 : i32
        %parallel_loop3A_357 = vector.broadcast %parallel_loop3A_356 : i32 to vector<16xi32>
        %parallel_loop3A_358 = arith.addi %shift_right_logical3A_11, %parallel_loop3A_357 : vector<16xi32>
        %parallel_loop3A_359 = arith.constant 0 : i32
        %parallel_loop3A_360 = vector.broadcast %parallel_loop3A_359 : i32 to vector<16xi32>
        %parallel_loop3A_361 = arith.cmpi slt, %parallel_loop3A_358, %parallel_loop3A_360 : vector<16xi32>
        %parallel_loop3A_362 = arith.constant 16 : i32
        %parallel_loop3A_363 = vector.broadcast %parallel_loop3A_362 : i32 to vector<16xi32>
        %parallel_loop3A_364 = arith.addi %parallel_loop3A_358, %parallel_loop3A_363 : vector<16xi32>
        %parallel_loop3A_365 = arith.select %parallel_loop3A_361, %parallel_loop3A_364, %parallel_loop3A_358 : vector<16xi1>, vector<16xi32>
        %parallel_loop3A_366 = vector.shape_cast %parallel_loop3A_365 : vector<16xi32> to vector<16x1xi32>
        %parallel_loop3A_367 = vector.shape_cast %parallel_loop3A_366 : vector<16x1xi32> to vector<16xi32>
        %parallel_loop3A_368 = tpu.dynamic_gather %parallel_loop3A_315[%parallel_loop3A_367] in [0] : vector<16xf32>, vector<16xi32> -> vector<16xf32>
        %parallel_loop3A_369 = arith.constant 0 : i32
        %parallel_loop3A_370 = arith.constant 0 : i32
        %parallel_loop3A_371 = tpu.memref_slice %arg8[%parallel_loop3A_206, %parallel_loop3A_369, %parallel_loop3A_370] : memref<3x128x80xf32, #tpu.memory_space<vmem>> -> memref<1x128x80xf32, #tpu.memory_space<vmem>>
        %parallel_loop3A_372 = tpu.memref_squeeze %parallel_loop3A_371 : memref<1x128x80xf32, #tpu.memory_space<vmem>> -> memref<128x80xf32, #tpu.memory_space<vmem>>
        %parallel_loop3A_373 = arith.index_cast %parallel_loop3A_293 : i32 to index
        %parallel_loop3A_374 = arith.constant 16 : index
        %parallel_loop3A_375 = tpu.vector_load %parallel_loop3A_372[%parallel_loop3A_373, %parallel_loop3A_374] {strides = array<i32>} : memref<128x80xf32, #tpu.memory_space<vmem>>, vector<1x16xf32>,
        %parallel_loop3A_376 = vector.shape_cast %parallel_loop3A_375 : vector<1x16xf32> to vector<16xf32>
        %parallel_loop3A_377 = arith.mulf %parallel_loop3A_376, %parallel_loop3A_368 : vector<16xf32>
        %parallel_loop3A_378 = arith.constant 0 : i32
        %parallel_loop3A_379 = arith.constant 0 : i32
        %parallel_loop3A_380 = tpu.memref_slice %arg8[%parallel_loop3A_206, %parallel_loop3A_378, %parallel_loop3A_379] : memref<3x128x80xf32, #tpu.memory_space<vmem>> -> memref<1x128x80xf32, #tpu.memory_space<vmem>>
        %parallel_loop3A_381 = tpu.memref_squeeze %parallel_loop3A_380 : memref<1x128x80xf32, #tpu.memory_space<vmem>> -> memref<128x80xf32, #tpu.memory_space<vmem>>
        %parallel_loop3A_382 = arith.index_cast %parallel_loop3A_293 : i32 to index
        %parallel_loop3A_383 = arith.constant 16 : index
        %parallel_loop3A_384 = tpu.vector_load %parallel_loop3A_381[%parallel_loop3A_382, %parallel_loop3A_383] {strides = array<i32>} : memref<128x80xf32, #tpu.memory_space<vmem>>, vector<1x16xf32>,
        %parallel_loop3A_385 = vector.shape_cast %parallel_loop3A_384 : vector<1x16xf32> to vector<16xf32>
        %parallel_loop3A_386 = vector.shape_cast %parallel_loop3A_377 : vector<16xf32> to vector<1x16xf32>
        tpu.vector_store %parallel_loop3A_381[%parallel_loop3A_382, %parallel_loop3A_383], %parallel_loop3A_386 {strides = array<i32>} : memref<128x80xf32, #tpu.memory_space<vmem>>, vector<1x16xf32>,
        %parallel_loop3A_387 = arith.constant 4 : i32
        %parallel_loop3A_388 = vector.broadcast %parallel_loop3A_387 : i32 to vector<16xi32>
        %parallel_loop3A_389 = arith.addi %shift_right_logical3A_11, %parallel_loop3A_388 : vector<16xi32>
        %parallel_loop3A_390 = arith.constant 0 : i32
        %parallel_loop3A_391 = vector.broadcast %parallel_loop3A_390 : i32 to vector<16xi32>
        %parallel_loop3A_392 = arith.cmpi slt, %parallel_loop3A_389, %parallel_loop3A_391 : vector<16xi32>
        %parallel_loop3A_393 = arith.constant 16 : i32
        %parallel_loop3A_394 = vector.broadcast %parallel_loop3A_393 : i32 to vector<16xi32>
        %parallel_loop3A_395 = arith.addi %parallel_loop3A_389, %parallel_loop3A_394 : vector<16xi32>
        %parallel_loop3A_396 = arith.select %parallel_loop3A_392, %parallel_loop3A_395, %parallel_loop3A_389 : vector<16xi1>, vector<16xi32>
        %parallel_loop3A_397 = vector.shape_cast %parallel_loop3A_396 : vector<16xi32> to vector<16x1xi32>
        %parallel_loop3A_398 = vector.shape_cast %parallel_loop3A_397 : vector<16x1xi32> to vector<16xi32>
        %parallel_loop3A_399 = tpu.dynamic_gather %parallel_loop3A_315[%parallel_loop3A_398] in [0] : vector<16xf32>, vector<16xi32> -> vector<16xf32>
        %parallel_loop3A_400 = arith.constant 0 : i32
        %parallel_loop3A_401 = arith.constant 0 : i32
        %parallel_loop3A_402 = tpu.memref_slice %arg8[%parallel_loop3A_206, %parallel_loop3A_400, %parallel_loop3A_401] : memref<3x128x80xf32, #tpu.memory_space<vmem>> -> memref<1x128x80xf32, #tpu.memory_space<vmem>>
        %parallel_loop3A_403 = tpu.memref_squeeze %parallel_loop3A_402 : memref<1x128x80xf32, #tpu.memory_space<vmem>> -> memref<128x80xf32, #tpu.memory_space<vmem>>
        %parallel_loop3A_404 = arith.index_cast %parallel_loop3A_293 : i32 to index
        %parallel_loop3A_405 = arith.constant 32 : index
        %parallel_loop3A_406 = tpu.vector_load %parallel_loop3A_403[%parallel_loop3A_404, %parallel_loop3A_405] {strides = array<i32>} : memref<128x80xf32, #tpu.memory_space<vmem>>, vector<1x16xf32>,
        %parallel_loop3A_407 = vector.shape_cast %parallel_loop3A_406 : vector<1x16xf32> to vector<16xf32>
        %parallel_loop3A_408 = arith.mulf %parallel_loop3A_407, %parallel_loop3A_399 : vector<16xf32>
        %parallel_loop3A_409 = arith.constant 0 : i32
        %parallel_loop3A_410 = arith.constant 0 : i32
        %parallel_loop3A_411 = tpu.memref_slice %arg8[%parallel_loop3A_206, %parallel_loop3A_409, %parallel_loop3A_410] : memref<3x128x80xf32, #tpu.memory_space<vmem>> -> memref<1x128x80xf32, #tpu.memory_space<vmem>>
        %parallel_loop3A_412 = tpu.memref_squeeze %parallel_loop3A_411 : memref<1x128x80xf32, #tpu.memory_space<vmem>> -> memref<128x80xf32, #tpu.memory_space<vmem>>
        %parallel_loop3A_413 = arith.index_cast %parallel_loop3A_293 : i32 to index
        %parallel_loop3A_414 = arith.constant 32 : index
        %parallel_loop3A_415 = tpu.vector_load %parallel_loop3A_412[%parallel_loop3A_413, %parallel_loop3A_414] {strides = array<i32>} : memref<128x80xf32, #tpu.memory_space<vmem>>, vector<1x16xf32>,
        %parallel_loop3A_416 = vector.shape_cast %parallel_loop3A_415 : vector<1x16xf32> to vector<16xf32>
        %parallel_loop3A_417 = vector.shape_cast %parallel_loop3A_408 : vector<16xf32> to vector<1x16xf32>
        tpu.vector_store %parallel_loop3A_412[%parallel_loop3A_413, %parallel_loop3A_414], %parallel_loop3A_417 {strides = array<i32>} : memref<128x80xf32, #tpu.memory_space<vmem>>, vector<1x16xf32>,
        %parallel_loop3A_418 = arith.constant 6 : i32
        %parallel_loop3A_419 = vector.broadcast %parallel_loop3A_418 : i32 to vector<16xi32>
        %parallel_loop3A_420 = arith.addi %shift_right_logical3A_11, %parallel_loop3A_419 : vector<16xi32>
        %parallel_loop3A_421 = arith.constant 0 : i32
        %parallel_loop3A_422 = vector.broadcast %parallel_loop3A_421 : i32 to vector<16xi32>
        %parallel_loop3A_423 = arith.cmpi slt, %parallel_loop3A_420, %parallel_loop3A_422 : vector<16xi32>
        %parallel_loop3A_424 = arith.constant 16 : i32
        %parallel_loop3A_425 = vector.broadcast %parallel_loop3A_424 : i32 to vector<16xi32>
        %parallel_loop3A_426 = arith.addi %parallel_loop3A_420, %parallel_loop3A_425 : vector<16xi32>
        %parallel_loop3A_427 = arith.select %parallel_loop3A_423, %parallel_loop3A_426, %parallel_loop3A_420 : vector<16xi1>, vector<16xi32>
        %parallel_loop3A_428 = vector.shape_cast %parallel_loop3A_427 : vector<16xi32> to vector<16x1xi32>
        %parallel_loop3A_429 = vector.shape_cast %parallel_loop3A_428 : vector<16x1xi32> to vector<16xi32>
        %parallel_loop3A_430 = tpu.dynamic_gather %parallel_loop3A_315[%parallel_loop3A_429] in [0] : vector<16xf32>, vector<16xi32> -> vector<16xf32>
        %parallel_loop3A_431 = arith.constant 0 : i32
        %parallel_loop3A_432 = arith.constant 0 : i32
        %parallel_loop3A_433 = tpu.memref_slice %arg8[%parallel_loop3A_206, %parallel_loop3A_431, %parallel_loop3A_432] : memref<3x128x80xf32, #tpu.memory_space<vmem>> -> memref<1x128x80xf32, #tpu.memory_space<vmem>>
        %parallel_loop3A_434 = tpu.memref_squeeze %parallel_loop3A_433 : memref<1x128x80xf32, #tpu.memory_space<vmem>> -> memref<128x80xf32, #tpu.memory_space<vmem>>
        %parallel_loop3A_435 = arith.index_cast %parallel_loop3A_293 : i32 to index
        %parallel_loop3A_436 = arith.constant 48 : index
        %parallel_loop3A_437 = tpu.vector_load %parallel_loop3A_434[%parallel_loop3A_435, %parallel_loop3A_436] {strides = array<i32>} : memref<128x80xf32, #tpu.memory_space<vmem>>, vector<1x16xf32>,
        %parallel_loop3A_438 = vector.shape_cast %parallel_loop3A_437 : vector<1x16xf32> to vector<16xf32>
        %parallel_loop3A_439 = arith.mulf %parallel_loop3A_438, %parallel_loop3A_430 : vector<16xf32>
        %parallel_loop3A_440 = arith.constant 0 : i32
        %parallel_loop3A_441 = arith.constant 0 : i32
        %parallel_loop3A_442 = tpu.memref_slice %arg8[%parallel_loop3A_206, %parallel_loop3A_440, %parallel_loop3A_441] : memref<3x128x80xf32, #tpu.memory_space<vmem>> -> memref<1x128x80xf32, #tpu.memory_space<vmem>>
        %parallel_loop3A_443 = tpu.memref_squeeze %parallel_loop3A_442 : memref<1x128x80xf32, #tpu.memory_space<vmem>> -> memref<128x80xf32, #tpu.memory_space<vmem>>
        %parallel_loop3A_444 = arith.index_cast %parallel_loop3A_293 : i32 to index
        %parallel_loop3A_445 = arith.constant 48 : index
        %parallel_loop3A_446 = tpu.vector_load %parallel_loop3A_443[%parallel_loop3A_444, %parallel_loop3A_445] {strides = array<i32>} : memref<128x80xf32, #tpu.memory_space<vmem>>, vector<1x16xf32>,
        %parallel_loop3A_447 = vector.shape_cast %parallel_loop3A_446 : vector<1x16xf32> to vector<16xf32>
        %parallel_loop3A_448 = vector.shape_cast %parallel_loop3A_439 : vector<16xf32> to vector<1x16xf32>
        tpu.vector_store %parallel_loop3A_443[%parallel_loop3A_444, %parallel_loop3A_445], %parallel_loop3A_448 {strides = array<i32>} : memref<128x80xf32, #tpu.memory_space<vmem>>, vector<1x16xf32>,
      } {sc.loop_unroll_factor = 8 : i64, sc.parallel_access}
      %mul3A_208 = arith.constant 128 : i32
      %mul3A_209 = arith.muli %add3A_172, %mul3A_208 : i32
      %dma_start3A_210 = arith.constant 1 : i32
      %dma_start3A_211 = arith.constant 0 : i32
      %dma_start3A_212 = arith.constant 0 : i32
      %dma_start3A_213 = tpu.memref_slice %arg8[%dma_start3A_210, %dma_start3A_211, %dma_start3A_212] : memref<3x128x80xf32, #tpu.memory_space<vmem>> -> memref<1x128x80xf32, #tpu.memory_space<vmem>>
      %dma_start3A_214 = tpu.memref_squeeze %dma_start3A_213 : memref<1x128x80xf32, #tpu.memory_space<vmem>> -> memref<128x80xf32, #tpu.memory_space<vmem>>
      %dma_start3A_215 = tpu.memref_slice %arg13[%mul3A_209] : memref<10000xi32, #tpu.memory_space<vmem>> -> memref<128xi32, #tpu.memory_space<vmem>>
      %dma_start3A_216 = arith.constant 0 : i32
      %dma_start3A_217 = arith.constant 0 : i32
      %dma_start3A_218 = tpu.memref_slice %arg7[%dma_start3A_216, %dma_start3A_217] : memref<10112x80xf32, #tpu.memory_space<vmem_shared>> -> memref<10112x80xf32, #tpu.memory_space<vmem_shared>>
      tpu.enqueue_indirect_dma source(%dma_start3A_214 : memref<128x80xf32, #tpu.memory_space<vmem>>) target(%dma_start3A_218 : memref<10112x80xf32, #tpu.memory_space<vmem_shared>>) offsets(%dma_start3A_215 : memref<128xi32, #tpu.memory_space<vmem>>) semaphore(%arg18 : memref<!tpu.dma_semaphore, #tpu.memory_space<semaphore_mem>>) {add = true}
      %ge3A_219 = arith.constant 1 : i32
      %ge3A_220 = arith.cmpi sge, %add3A_172, %ge3A_219 : i32
      %convert_element_type3A_221 = arith.extui %ge3A_220 : i1 to i32
      %cond3A_222 = arith.constant 0 : i32
      %cond3A_223 = arith.cmpi ne, %convert_element_type3A_221, %cond3A_222 : i32
      scf.if %cond3A_223 {
        %dma_wait3A_293 = arith.constant 0 : i32
        %dma_wait3A_294 = arith.constant 0 : i32
        %dma_wait3A_295 = arith.constant 0 : i32
        %dma_wait3A_296 = tpu.memref_slice %arg8[%dma_wait3A_293, %dma_wait3A_294, %dma_wait3A_295] : memref<3x128x80xf32, #tpu.memory_space<vmem>> -> memref<1x128x80xf32, #tpu.memory_space<vmem>>
        %dma_wait3A_297 = tpu.memref_squeeze %dma_wait3A_296 : memref<1x128x80xf32, #tpu.memory_space<vmem>> -> memref<128x80xf32, #tpu.memory_space<vmem>>
        %dma_wait3A_298 = arith.constant 0 : i32
        %dma_wait3A_299 = arith.constant 0 : i32
        %dma_wait3A_300 = tpu.memref_slice %arg2[%dma_wait3A_298, %dma_wait3A_299] : memref<10000x80xf32, #tpu.memory_space<hbm>> -> memref<128x80xf32, #tpu.memory_space<hbm>>
        %dma_wait3A_301 = arith.constant 0 : i32
        %dma_wait3A_302 = arith.constant 0 : i32
        %dma_wait3A_303 = tpu.memref_slice %arg8[%dma_wait3A_293, %dma_wait3A_301, %dma_wait3A_302] : memref<3x128x80xf32, #tpu.memory_space<vmem>> -> memref<1x128x80xf32, #tpu.memory_space<vmem>>
        %dma_wait3A_304 = tpu.memref_squeeze %dma_wait3A_303 : memref<1x128x80xf32, #tpu.memory_space<vmem>> -> memref<128x80xf32, #tpu.memory_space<vmem>>
        %dma_wait3A_305 = arith.constant 0 : i32
        %dma_wait3A_306 = arith.constant 0 : i32
        %dma_wait3A_307 = tpu.memref_slice %arg2[%dma_wait3A_305, %dma_wait3A_306] : memref<10000x80xf32, #tpu.memory_space<hbm>> -> memref<128x80xf32, #tpu.memory_space<hbm>>
        tpu.wait_dma2 semaphore(%arg17 : memref<!tpu.dma_semaphore, #tpu.memory_space<semaphore_mem>>) src(%dma_wait3A_307 : memref<128x80xf32, #tpu.memory_space<hbm>>) dst(%dma_wait3A_304 : memref<128x80xf32, #tpu.memory_space<vmem>>)
      } else {
      }
      %add3A_224 = arith.constant 2 : i32
      %add3A_225 = arith.addi %add3A_172, %add3A_224 : i32
      %lt3A_226 = arith.constant 78 : i32
      %lt3A_227 = arith.cmpi slt, %add3A_225, %lt3A_226 : i32
      %convert_element_type3A_228 = arith.extui %lt3A_227 : i1 to i32
      %cond3A_229 = arith.constant 0 : i32
      %cond3A_230 = arith.cmpi ne, %convert_element_type3A_228, %cond3A_229 : i32
      scf.if %cond3A_230 {
        %add3A_293 = arith.constant 2 : i32
        %add3A_294 = arith.addi %add3A_172, %add3A_293 : i32
        %mul3A_295 = arith.constant 128 : i32
        %mul3A_296 = arith.muli %add3A_294, %mul3A_295 : i32
        %mul3A_297 = arith.constant 128 : i32
        %mul3A_298 = arith.muli %add3A_294, %mul3A_297 : i32
        %dma_start3A_299 = arith.constant 0 : i32
        %dma_start3A_300 = arith.constant 0 : i32
        %dma_start3A_301 = arith.constant 0 : i32
        %dma_start3A_302 = tpu.memref_slice %arg8[%dma_start3A_299, %dma_start3A_300, %dma_start3A_301] : memref<3x128x80xf32, #tpu.memory_space<vmem>> -> memref<1x128x80xf32, #tpu.memory_space<vmem>>
        %dma_start3A_303 = tpu.memref_squeeze %dma_start3A_302 : memref<1x128x80xf32, #tpu.memory_space<vmem>> -> memref<128x80xf32, #tpu.memory_space<vmem>>
        %dma_start3A_304 = tpu.memref_slice %arg12[%mul3A_296] : memref<10000xi32, #tpu.memory_space<vmem>> -> memref<128xi32, #tpu.memory_space<vmem>>
        %dma_start3A_305 = arith.constant 0 : i32
        %dma_start3A_306 = arith.constant 0 : i32
        %dma_start3A_307 = tpu.memref_slice %arg2[%dma_start3A_305, %dma_start3A_306] : memref<10000x80xf32, #tpu.memory_space<hbm>> -> memref<10000x80xf32, #tpu.memory_space<hbm>>
        tpu.enqueue_indirect_dma source(%dma_start3A_307 : memref<10000x80xf32, #tpu.memory_space<hbm>>) target(%dma_start3A_303 : memref<128x80xf32, #tpu.memory_space<vmem>>) offsets(%dma_start3A_304 : memref<128xi32, #tpu.memory_space<vmem>>) semaphore(%arg14 : memref<!tpu.dma_semaphore, #tpu.memory_space<semaphore_mem>>)
        %dma_start3A_308 = arith.constant 0 : i32
        %dma_start3A_309 = arith.constant 0 : i32
        %dma_start3A_310 = arith.constant 0 : i32
        %dma_start3A_311 = tpu.memref_slice %arg9[%dma_start3A_308, %dma_start3A_309, %dma_start3A_310] : memref<3x128x16xf32, #tpu.memory_space<vmem>> -> memref<1x128x16xf32, #tpu.memory_space<vmem>>
        %dma_start3A_312 = tpu.memref_squeeze %dma_start3A_311 : memref<1x128x16xf32, #tpu.memory_space<vmem>> -> memref<128x16xf32, #tpu.memory_space<vmem>>
        %dma_start3A_313 = tpu.memref_slice %arg13[%mul3A_298] : memref<10000xi32, #tpu.memory_space<vmem>> -> memref<128xi32, #tpu.memory_space<vmem>>
        %dma_start3A_314 = arith.constant 0 : i32
        %dma_start3A_315 = arith.constant 0 : i32
        %dma_start3A_316 = tpu.memref_slice %arg3[%dma_start3A_314, %dma_start3A_315] : memref<10000x16xf32, #tpu.memory_space<hbm>> -> memref<10000x16xf32, #tpu.memory_space<hbm>>
        tpu.enqueue_indirect_dma source(%dma_start3A_316 : memref<10000x16xf32, #tpu.memory_space<hbm>>) target(%dma_start3A_312 : memref<128x16xf32, #tpu.memory_space<vmem>>) offsets(%dma_start3A_313 : memref<128xi32, #tpu.memory_space<vmem>>) semaphore(%arg14 : memref<!tpu.dma_semaphore, #tpu.memory_space<semaphore_mem>>)
      } else {
      }
      %mul3A_231 = arith.constant 3 : i32
      %mul3A_232 = arith.muli %mul3A_231, %scan3A_110 : i32
      %add3A_233 = arith.constant 2 : i32
      %add3A_234 = arith.addi %mul3A_232, %add3A_233 : i32
      %dma_wait3A_235 = arith.constant 2 : i32
      %dma_wait3A_236 = arith.constant 0 : i32
      %dma_wait3A_237 = arith.constant 0 : i32
      %dma_wait3A_238 = tpu.memref_slice %arg8[%dma_wait3A_235, %dma_wait3A_236, %dma_wait3A_237] : memref<3x128x80xf32, #tpu.memory_space<vmem>> -> memref<1x128x80xf32, #tpu.memory_space<vmem>>
      %dma_wait3A_239 = tpu.memref_squeeze %dma_wait3A_238 : memref<1x128x80xf32, #tpu.memory_space<vmem>> -> memref<128x80xf32, #tpu.memory_space<vmem>>
      %dma_wait3A_240 = arith.constant 0 : i32
      %dma_wait3A_241 = arith.constant 0 : i32
      %dma_wait3A_242 = tpu.memref_slice %arg2[%dma_wait3A_240, %dma_wait3A_241] : memref<10000x80xf32, #tpu.memory_space<hbm>> -> memref<128x80xf32, #tpu.memory_space<hbm>>
      %dma_wait3A_243 = arith.constant 0 : i32
      %dma_wait3A_244 = arith.constant 0 : i32
      %dma_wait3A_245 = tpu.memref_slice %arg8[%dma_wait3A_235, %dma_wait3A_243, %dma_wait3A_244] : memref<3x128x80xf32, #tpu.memory_space<vmem>> -> memref<1x128x80xf32, #tpu.memory_space<vmem>>
      %dma_wait3A_246 = tpu.memref_squeeze %dma_wait3A_245 : memref<1x128x80xf32, #tpu.memory_space<vmem>> -> memref<128x80xf32, #tpu.memory_space<vmem>>
      %dma_wait3A_247 = arith.constant 0 : i32
      %dma_wait3A_248 = arith.constant 0 : i32
      %dma_wait3A_249 = tpu.memref_slice %arg2[%dma_wait3A_247, %dma_wait3A_248] : memref<10000x80xf32, #tpu.memory_space<hbm>> -> memref<128x80xf32, #tpu.memory_space<hbm>>
      tpu.wait_dma2 semaphore(%arg16 : memref<!tpu.dma_semaphore, #tpu.memory_space<semaphore_mem>>) src(%dma_wait3A_249 : memref<128x80xf32, #tpu.memory_space<hbm>>) dst(%dma_wait3A_246 : memref<128x80xf32, #tpu.memory_space<vmem>>)
      %dma_wait3A_250 = arith.constant 2 : i32
      %dma_wait3A_251 = arith.constant 0 : i32
      %dma_wait3A_252 = arith.constant 0 : i32
      %dma_wait3A_253 = tpu.memref_slice %arg9[%dma_wait3A_250, %dma_wait3A_251, %dma_wait3A_252] : memref<3x128x16xf32, #tpu.memory_space<vmem>> -> memref<1x128x16xf32, #tpu.memory_space<vmem>>
      %dma_wait3A_254 = tpu.memref_squeeze %dma_wait3A_253 : memref<1x128x16xf32, #tpu.memory_space<vmem>> -> memref<128x16xf32, #tpu.memory_space<vmem>>
      %dma_wait3A_255 = arith.constant 0 : i32
      %dma_wait3A_256 = arith.constant 0 : i32
      %dma_wait3A_257 = tpu.memref_slice %arg3[%dma_wait3A_255, %dma_wait3A_256] : memref<10000x16xf32, #tpu.memory_space<hbm>> -> memref<128x16xf32, #tpu.memory_space<hbm>>
      %dma_wait3A_258 = arith.constant 0 : i32
      %dma_wait3A_259 = arith.constant 0 : i32
      %dma_wait3A_260 = tpu.memref_slice %arg9[%dma_wait3A_250, %dma_wait3A_258, %dma_wait3A_259] : memref<3x128x16xf32, #tpu.memory_space<vmem>> -> memref<1x128x16xf32, #tpu.memory_space<vmem>>
      %dma_wait3A_261 = tpu.memref_squeeze %dma_wait3A_260 : memref<1x128x16xf32, #tpu.memory_space<vmem>> -> memref<128x16xf32, #tpu.memory_space<vmem>>
      %dma_wait3A_262 = arith.constant 0 : i32
      %dma_wait3A_263 = arith.constant 0 : i32
      %dma_wait3A_264 = tpu.memref_slice %arg3[%dma_wait3A_262, %dma_wait3A_263] : memref<10000x16xf32, #tpu.memory_space<hbm>> -> memref<128x16xf32, #tpu.memory_space<hbm>>
      tpu.wait_dma2 semaphore(%arg16 : memref<!tpu.dma_semaphore, #tpu.memory_space<semaphore_mem>>) src(%dma_wait3A_264 : memref<128x16xf32, #tpu.memory_space<hbm>>) dst(%dma_wait3A_261 : memref<128x16xf32, #tpu.memory_space<vmem>>)
      %parallel_loop3A_265 = arith.constant 0 : i32
      %parallel_loop3A_266 = arith.constant 128 : i32
      %parallel_loop3A_267 = arith.constant 1 : i32
      %parallel_loop3A_268 = arith.constant 2 : i32
      %parallel_loop3A_269 = arith.constant 2 : i32
      scf.for %parallel_loop3A_293 = %parallel_loop3A_265 to %parallel_loop3A_266 step %parallel_loop3A_267  : i32 {
        %parallel_loop3A_294 = arith.constant 0 : i32
        %parallel_loop3A_295 = arith.constant 0 : i32
        %parallel_loop3A_296 = tpu.memref_slice %arg8[%parallel_loop3A_268, %parallel_loop3A_294, %parallel_loop3A_295] : memref<3x128x80xf32, #tpu.memory_space<vmem>> -> memref<1x128x80xf32, #tpu.memory_space<vmem>>
        %parallel_loop3A_297 = tpu.memref_squeeze %parallel_loop3A_296 : memref<1x128x80xf32, #tpu.memory_space<vmem>> -> memref<128x80xf32, #tpu.memory_space<vmem>>
        %parallel_loop3A_298 = arith.index_cast %parallel_loop3A_293 : i32 to index
        %parallel_loop3A_299 = arith.constant 64 : index
        %parallel_loop3A_300 = tpu.vector_load %parallel_loop3A_297[%parallel_loop3A_298, %parallel_loop3A_299] {strides = array<i32>} : memref<128x80xf32, #tpu.memory_space<vmem>>, vector<1x16xf32>,
        %parallel_loop3A_301 = vector.shape_cast %parallel_loop3A_300 : vector<1x16xf32> to vector<16xf32>
        %parallel_loop3A_302 = arith.constant 0 : i32
        %parallel_loop3A_303 = arith.constant 0 : i32
        %parallel_loop3A_304 = tpu.memref_slice %arg9[%parallel_loop3A_269, %parallel_loop3A_302, %parallel_loop3A_303] : memref<3x128x16xf32, #tpu.memory_space<vmem>> -> memref<1x128x16xf32, #tpu.memory_space<vmem>>
        %parallel_loop3A_305 = tpu.memref_squeeze %parallel_loop3A_304 : memref<1x128x16xf32, #tpu.memory_space<vmem>> -> memref<128x16xf32, #tpu.memory_space<vmem>>
        %parallel_loop3A_306 = arith.index_cast %parallel_loop3A_293 : i32 to index
        %parallel_loop3A_307 = arith.constant 0 : index
        %parallel_loop3A_308 = tpu.vector_load %parallel_loop3A_305[%parallel_loop3A_306, %parallel_loop3A_307] {strides = array<i32>} : memref<128x16xf32, #tpu.memory_space<vmem>>, vector<1x16xf32>,
        %parallel_loop3A_309 = vector.shape_cast %parallel_loop3A_308 : vector<1x16xf32> to vector<16xf32>
        %parallel_loop3A_310 = arith.addf %parallel_loop3A_301, %parallel_loop3A_309 : vector<16xf32>
        %parallel_loop3A_311 = arith.constant 2.000000e-01 : f32
        %parallel_loop3A_312 = vector.broadcast %parallel_loop3A_311 : f32 to vector<16xf32>
        %parallel_loop3A_313 = arith.mulf %parallel_loop3A_312, %parallel_loop3A_310 : vector<16xf32>
        %parallel_loop3A_314 = arith.maximumf %parallel_loop3A_310, %parallel_loop3A_313 : vector<16xf32>
        %parallel_loop3A_315 = math.exp %parallel_loop3A_314 : vector<16xf32>
        %parallel_loop3A_316 = arith.constant 0 : i32
        %parallel_loop3A_317 = arith.constant 0 : i32
        %parallel_loop3A_318 = tpu.memref_slice %arg8[%parallel_loop3A_268, %parallel_loop3A_316, %parallel_loop3A_317] : memref<3x128x80xf32, #tpu.memory_space<vmem>> -> memref<1x128x80xf32, #tpu.memory_space<vmem>>
        %parallel_loop3A_319 = tpu.memref_squeeze %parallel_loop3A_318 : memref<1x128x80xf32, #tpu.memory_space<vmem>> -> memref<128x80xf32, #tpu.memory_space<vmem>>
        %parallel_loop3A_320 = arith.index_cast %parallel_loop3A_293 : i32 to index
        %parallel_loop3A_321 = arith.constant 64 : index
        %parallel_loop3A_322 = tpu.vector_load %parallel_loop3A_319[%parallel_loop3A_320, %parallel_loop3A_321] {strides = array<i32>} : memref<128x80xf32, #tpu.memory_space<vmem>>, vector<1x16xf32>,
        %parallel_loop3A_323 = vector.shape_cast %parallel_loop3A_322 : vector<1x16xf32> to vector<16xf32>
        %parallel_loop3A_324 = vector.shape_cast %parallel_loop3A_315 : vector<16xf32> to vector<1x16xf32>
        tpu.vector_store %parallel_loop3A_319[%parallel_loop3A_320, %parallel_loop3A_321], %parallel_loop3A_324 {strides = array<i32>} : memref<128x80xf32, #tpu.memory_space<vmem>>, vector<1x16xf32>,
        %parallel_loop3A_325 = arith.constant 0 : i32
        %parallel_loop3A_326 = vector.broadcast %parallel_loop3A_325 : i32 to vector<16xi32>
        %parallel_loop3A_327 = arith.addi %shift_right_logical3A_11, %parallel_loop3A_326 : vector<16xi32>
        %parallel_loop3A_328 = arith.constant 0 : i32
        %parallel_loop3A_329 = vector.broadcast %parallel_loop3A_328 : i32 to vector<16xi32>
        %parallel_loop3A_330 = arith.cmpi slt, %parallel_loop3A_327, %parallel_loop3A_329 : vector<16xi32>
        %parallel_loop3A_331 = arith.constant 16 : i32
        %parallel_loop3A_332 = vector.broadcast %parallel_loop3A_331 : i32 to vector<16xi32>
        %parallel_loop3A_333 = arith.addi %parallel_loop3A_327, %parallel_loop3A_332 : vector<16xi32>
        %parallel_loop3A_334 = arith.select %parallel_loop3A_330, %parallel_loop3A_333, %parallel_loop3A_327 : vector<16xi1>, vector<16xi32>
        %parallel_loop3A_335 = vector.shape_cast %parallel_loop3A_334 : vector<16xi32> to vector<16x1xi32>
        %parallel_loop3A_336 = vector.shape_cast %parallel_loop3A_335 : vector<16x1xi32> to vector<16xi32>
        %parallel_loop3A_337 = tpu.dynamic_gather %parallel_loop3A_315[%parallel_loop3A_336] in [0] : vector<16xf32>, vector<16xi32> -> vector<16xf32>
        %parallel_loop3A_338 = arith.constant 0 : i32
        %parallel_loop3A_339 = arith.constant 0 : i32
        %parallel_loop3A_340 = tpu.memref_slice %arg8[%parallel_loop3A_268, %parallel_loop3A_338, %parallel_loop3A_339] : memref<3x128x80xf32, #tpu.memory_space<vmem>> -> memref<1x128x80xf32, #tpu.memory_space<vmem>>
        %parallel_loop3A_341 = tpu.memref_squeeze %parallel_loop3A_340 : memref<1x128x80xf32, #tpu.memory_space<vmem>> -> memref<128x80xf32, #tpu.memory_space<vmem>>
        %parallel_loop3A_342 = arith.index_cast %parallel_loop3A_293 : i32 to index
        %parallel_loop3A_343 = arith.constant 0 : index
        %parallel_loop3A_344 = tpu.vector_load %parallel_loop3A_341[%parallel_loop3A_342, %parallel_loop3A_343] {strides = array<i32>} : memref<128x80xf32, #tpu.memory_space<vmem>>, vector<1x16xf32>,
        %parallel_loop3A_345 = vector.shape_cast %parallel_loop3A_344 : vector<1x16xf32> to vector<16xf32>
        %parallel_loop3A_346 = arith.mulf %parallel_loop3A_345, %parallel_loop3A_337 : vector<16xf32>
        %parallel_loop3A_347 = arith.constant 0 : i32
        %parallel_loop3A_348 = arith.constant 0 : i32
        %parallel_loop3A_349 = tpu.memref_slice %arg8[%parallel_loop3A_268, %parallel_loop3A_347, %parallel_loop3A_348] : memref<3x128x80xf32, #tpu.memory_space<vmem>> -> memref<1x128x80xf32, #tpu.memory_space<vmem>>
        %parallel_loop3A_350 = tpu.memref_squeeze %parallel_loop3A_349 : memref<1x128x80xf32, #tpu.memory_space<vmem>> -> memref<128x80xf32, #tpu.memory_space<vmem>>
        %parallel_loop3A_351 = arith.index_cast %parallel_loop3A_293 : i32 to index
        %parallel_loop3A_352 = arith.constant 0 : index
        %parallel_loop3A_353 = tpu.vector_load %parallel_loop3A_350[%parallel_loop3A_351, %parallel_loop3A_352] {strides = array<i32>} : memref<128x80xf32, #tpu.memory_space<vmem>>, vector<1x16xf32>,
        %parallel_loop3A_354 = vector.shape_cast %parallel_loop3A_353 : vector<1x16xf32> to vector<16xf32>
        %parallel_loop3A_355 = vector.shape_cast %parallel_loop3A_346 : vector<16xf32> to vector<1x16xf32>
        tpu.vector_store %parallel_loop3A_350[%parallel_loop3A_351, %parallel_loop3A_352], %parallel_loop3A_355 {strides = array<i32>} : memref<128x80xf32, #tpu.memory_space<vmem>>, vector<1x16xf32>,
        %parallel_loop3A_356 = arith.constant 2 : i32
        %parallel_loop3A_357 = vector.broadcast %parallel_loop3A_356 : i32 to vector<16xi32>
        %parallel_loop3A_358 = arith.addi %shift_right_logical3A_11, %parallel_loop3A_357 : vector<16xi32>
        %parallel_loop3A_359 = arith.constant 0 : i32
        %parallel_loop3A_360 = vector.broadcast %parallel_loop3A_359 : i32 to vector<16xi32>
        %parallel_loop3A_361 = arith.cmpi slt, %parallel_loop3A_358, %parallel_loop3A_360 : vector<16xi32>
        %parallel_loop3A_362 = arith.constant 16 : i32
        %parallel_loop3A_363 = vector.broadcast %parallel_loop3A_362 : i32 to vector<16xi32>
        %parallel_loop3A_364 = arith.addi %parallel_loop3A_358, %parallel_loop3A_363 : vector<16xi32>
        %parallel_loop3A_365 = arith.select %parallel_loop3A_361, %parallel_loop3A_364, %parallel_loop3A_358 : vector<16xi1>, vector<16xi32>
        %parallel_loop3A_366 = vector.shape_cast %parallel_loop3A_365 : vector<16xi32> to vector<16x1xi32>
        %parallel_loop3A_367 = vector.shape_cast %parallel_loop3A_366 : vector<16x1xi32> to vector<16xi32>
        %parallel_loop3A_368 = tpu.dynamic_gather %parallel_loop3A_315[%parallel_loop3A_367] in [0] : vector<16xf32>, vector<16xi32> -> vector<16xf32>
        %parallel_loop3A_369 = arith.constant 0 : i32
        %parallel_loop3A_370 = arith.constant 0 : i32
        %parallel_loop3A_371 = tpu.memref_slice %arg8[%parallel_loop3A_268, %parallel_loop3A_369, %parallel_loop3A_370] : memref<3x128x80xf32, #tpu.memory_space<vmem>> -> memref<1x128x80xf32, #tpu.memory_space<vmem>>
        %parallel_loop3A_372 = tpu.memref_squeeze %parallel_loop3A_371 : memref<1x128x80xf32, #tpu.memory_space<vmem>> -> memref<128x80xf32, #tpu.memory_space<vmem>>
        %parallel_loop3A_373 = arith.index_cast %parallel_loop3A_293 : i32 to index
        %parallel_loop3A_374 = arith.constant 16 : index
        %parallel_loop3A_375 = tpu.vector_load %parallel_loop3A_372[%parallel_loop3A_373, %parallel_loop3A_374] {strides = array<i32>} : memref<128x80xf32, #tpu.memory_space<vmem>>, vector<1x16xf32>,
        %parallel_loop3A_376 = vector.shape_cast %parallel_loop3A_375 : vector<1x16xf32> to vector<16xf32>
        %parallel_loop3A_377 = arith.mulf %parallel_loop3A_376, %parallel_loop3A_368 : vector<16xf32>
        %parallel_loop3A_378 = arith.constant 0 : i32
        %parallel_loop3A_379 = arith.constant 0 : i32
        %parallel_loop3A_380 = tpu.memref_slice %arg8[%parallel_loop3A_268, %parallel_loop3A_378, %parallel_loop3A_379] : memref<3x128x80xf32, #tpu.memory_space<vmem>> -> memref<1x128x80xf32, #tpu.memory_space<vmem>>
        %parallel_loop3A_381 = tpu.memref_squeeze %parallel_loop3A_380 : memref<1x128x80xf32, #tpu.memory_space<vmem>> -> memref<128x80xf32, #tpu.memory_space<vmem>>
        %parallel_loop3A_382 = arith.index_cast %parallel_loop3A_293 : i32 to index
        %parallel_loop3A_383 = arith.constant 16 : index
        %parallel_loop3A_384 = tpu.vector_load %parallel_loop3A_381[%parallel_loop3A_382, %parallel_loop3A_383] {strides = array<i32>} : memref<128x80xf32, #tpu.memory_space<vmem>>, vector<1x16xf32>,
        %parallel_loop3A_385 = vector.shape_cast %parallel_loop3A_384 : vector<1x16xf32> to vector<16xf32>
        %parallel_loop3A_386 = vector.shape_cast %parallel_loop3A_377 : vector<16xf32> to vector<1x16xf32>
        tpu.vector_store %parallel_loop3A_381[%parallel_loop3A_382, %parallel_loop3A_383], %parallel_loop3A_386 {strides = array<i32>} : memref<128x80xf32, #tpu.memory_space<vmem>>, vector<1x16xf32>,
        %parallel_loop3A_387 = arith.constant 4 : i32
        %parallel_loop3A_388 = vector.broadcast %parallel_loop3A_387 : i32 to vector<16xi32>
        %parallel_loop3A_389 = arith.addi %shift_right_logical3A_11, %parallel_loop3A_388 : vector<16xi32>
        %parallel_loop3A_390 = arith.constant 0 : i32
        %parallel_loop3A_391 = vector.broadcast %parallel_loop3A_390 : i32 to vector<16xi32>
        %parallel_loop3A_392 = arith.cmpi slt, %parallel_loop3A_389, %parallel_loop3A_391 : vector<16xi32>
        %parallel_loop3A_393 = arith.constant 16 : i32
        %parallel_loop3A_394 = vector.broadcast %parallel_loop3A_393 : i32 to vector<16xi32>
        %parallel_loop3A_395 = arith.addi %parallel_loop3A_389, %parallel_loop3A_394 : vector<16xi32>
        %parallel_loop3A_396 = arith.select %parallel_loop3A_392, %parallel_loop3A_395, %parallel_loop3A_389 : vector<16xi1>, vector<16xi32>
        %parallel_loop3A_397 = vector.shape_cast %parallel_loop3A_396 : vector<16xi32> to vector<16x1xi32>
        %parallel_loop3A_398 = vector.shape_cast %parallel_loop3A_397 : vector<16x1xi32> to vector<16xi32>
        %parallel_loop3A_399 = tpu.dynamic_gather %parallel_loop3A_315[%parallel_loop3A_398] in [0] : vector<16xf32>, vector<16xi32> -> vector<16xf32>
        %parallel_loop3A_400 = arith.constant 0 : i32
        %parallel_loop3A_401 = arith.constant 0 : i32
        %parallel_loop3A_402 = tpu.memref_slice %arg8[%parallel_loop3A_268, %parallel_loop3A_400, %parallel_loop3A_401] : memref<3x128x80xf32, #tpu.memory_space<vmem>> -> memref<1x128x80xf32, #tpu.memory_space<vmem>>
        %parallel_loop3A_403 = tpu.memref_squeeze %parallel_loop3A_402 : memref<1x128x80xf32, #tpu.memory_space<vmem>> -> memref<128x80xf32, #tpu.memory_space<vmem>>
        %parallel_loop3A_404 = arith.index_cast %parallel_loop3A_293 : i32 to index
        %parallel_loop3A_405 = arith.constant 32 : index
        %parallel_loop3A_406 = tpu.vector_load %parallel_loop3A_403[%parallel_loop3A_404, %parallel_loop3A_405] {strides = array<i32>} : memref<128x80xf32, #tpu.memory_space<vmem>>, vector<1x16xf32>,
        %parallel_loop3A_407 = vector.shape_cast %parallel_loop3A_406 : vector<1x16xf32> to vector<16xf32>
        %parallel_loop3A_408 = arith.mulf %parallel_loop3A_407, %parallel_loop3A_399 : vector<16xf32>
        %parallel_loop3A_409 = arith.constant 0 : i32
        %parallel_loop3A_410 = arith.constant 0 : i32
        %parallel_loop3A_411 = tpu.memref_slice %arg8[%parallel_loop3A_268, %parallel_loop3A_409, %parallel_loop3A_410] : memref<3x128x80xf32, #tpu.memory_space<vmem>> -> memref<1x128x80xf32, #tpu.memory_space<vmem>>
        %parallel_loop3A_412 = tpu.memref_squeeze %parallel_loop3A_411 : memref<1x128x80xf32, #tpu.memory_space<vmem>> -> memref<128x80xf32, #tpu.memory_space<vmem>>
        %parallel_loop3A_413 = arith.index_cast %parallel_loop3A_293 : i32 to index
        %parallel_loop3A_414 = arith.constant 32 : index
        %parallel_loop3A_415 = tpu.vector_load %parallel_loop3A_412[%parallel_loop3A_413, %parallel_loop3A_414] {strides = array<i32>} : memref<128x80xf32, #tpu.memory_space<vmem>>, vector<1x16xf32>,
        %parallel_loop3A_416 = vector.shape_cast %parallel_loop3A_415 : vector<1x16xf32> to vector<16xf32>
        %parallel_loop3A_417 = vector.shape_cast %parallel_loop3A_408 : vector<16xf32> to vector<1x16xf32>
        tpu.vector_store %parallel_loop3A_412[%parallel_loop3A_413, %parallel_loop3A_414], %parallel_loop3A_417 {strides = array<i32>} : memref<128x80xf32, #tpu.memory_space<vmem>>, vector<1x16xf32>,
        %parallel_loop3A_418 = arith.constant 6 : i32
        %parallel_loop3A_419 = vector.broadcast %parallel_loop3A_418 : i32 to vector<16xi32>
        %parallel_loop3A_420 = arith.addi %shift_right_logical3A_11, %parallel_loop3A_419 : vector<16xi32>
        %parallel_loop3A_421 = arith.constant 0 : i32
        %parallel_loop3A_422 = vector.broadcast %parallel_loop3A_421 : i32 to vector<16xi32>
        %parallel_loop3A_423 = arith.cmpi slt, %parallel_loop3A_420, %parallel_loop3A_422 : vector<16xi32>
        %parallel_loop3A_424 = arith.constant 16 : i32
        %parallel_loop3A_425 = vector.broadcast %parallel_loop3A_424 : i32 to vector<16xi32>
        %parallel_loop3A_426 = arith.addi %parallel_loop3A_420, %parallel_loop3A_425 : vector<16xi32>
        %parallel_loop3A_427 = arith.select %parallel_loop3A_423, %parallel_loop3A_426, %parallel_loop3A_420 : vector<16xi1>, vector<16xi32>
        %parallel_loop3A_428 = vector.shape_cast %parallel_loop3A_427 : vector<16xi32> to vector<16x1xi32>
        %parallel_loop3A_429 = vector.shape_cast %parallel_loop3A_428 : vector<16x1xi32> to vector<16xi32>
        %parallel_loop3A_430 = tpu.dynamic_gather %parallel_loop3A_315[%parallel_loop3A_429] in [0] : vector<16xf32>, vector<16xi32> -> vector<16xf32>
        %parallel_loop3A_431 = arith.constant 0 : i32
        %parallel_loop3A_432 = arith.constant 0 : i32
        %parallel_loop3A_433 = tpu.memref_slice %arg8[%parallel_loop3A_268, %parallel_loop3A_431, %parallel_loop3A_432] : memref<3x128x80xf32, #tpu.memory_space<vmem>> -> memref<1x128x80xf32, #tpu.memory_space<vmem>>
        %parallel_loop3A_434 = tpu.memref_squeeze %parallel_loop3A_433 : memref<1x128x80xf32, #tpu.memory_space<vmem>> -> memref<128x80xf32, #tpu.memory_space<vmem>>
        %parallel_loop3A_435 = arith.index_cast %parallel_loop3A_293 : i32 to index
        %parallel_loop3A_436 = arith.constant 48 : index
        %parallel_loop3A_437 = tpu.vector_load %parallel_loop3A_434[%parallel_loop3A_435, %parallel_loop3A_436] {strides = array<i32>} : memref<128x80xf32, #tpu.memory_space<vmem>>, vector<1x16xf32>,
        %parallel_loop3A_438 = vector.shape_cast %parallel_loop3A_437 : vector<1x16xf32> to vector<16xf32>
        %parallel_loop3A_439 = arith.mulf %parallel_loop3A_438, %parallel_loop3A_430 : vector<16xf32>
        %parallel_loop3A_440 = arith.constant 0 : i32
        %parallel_loop3A_441 = arith.constant 0 : i32
        %parallel_loop3A_442 = tpu.memref_slice %arg8[%parallel_loop3A_268, %parallel_loop3A_440, %parallel_loop3A_441] : memref<3x128x80xf32, #tpu.memory_space<vmem>> -> memref<1x128x80xf32, #tpu.memory_space<vmem>>
        %parallel_loop3A_443 = tpu.memref_squeeze %parallel_loop3A_442 : memref<1x128x80xf32, #tpu.memory_space<vmem>> -> memref<128x80xf32, #tpu.memory_space<vmem>>
        %parallel_loop3A_444 = arith.index_cast %parallel_loop3A_293 : i32 to index
        %parallel_loop3A_445 = arith.constant 48 : index
        %parallel_loop3A_446 = tpu.vector_load %parallel_loop3A_443[%parallel_loop3A_444, %parallel_loop3A_445] {strides = array<i32>} : memref<128x80xf32, #tpu.memory_space<vmem>>, vector<1x16xf32>,
        %parallel_loop3A_447 = vector.shape_cast %parallel_loop3A_446 : vector<1x16xf32> to vector<16xf32>
        %parallel_loop3A_448 = vector.shape_cast %parallel_loop3A_439 : vector<16xf32> to vector<1x16xf32>
        tpu.vector_store %parallel_loop3A_443[%parallel_loop3A_444, %parallel_loop3A_445], %parallel_loop3A_448 {strides = array<i32>} : memref<128x80xf32, #tpu.memory_space<vmem>>, vector<1x16xf32>,
      } {sc.loop_unroll_factor = 8 : i64, sc.parallel_access}
      %mul3A_270 = arith.constant 128 : i32
      %mul3A_271 = arith.muli %add3A_234, %mul3A_270 : i32
      %dma_start3A_272 = arith.constant 2 : i32
      %dma_start3A_273 = arith.constant 0 : i32
      %dma_start3A_274 = arith.constant 0 : i32
      %dma_start3A_275 = tpu.memref_slice %arg8[%dma_start3A_272, %dma_start3A_273, %dma_start3A_274] : memref<3x128x80xf32, #tpu.memory_space<vmem>> -> memref<1x128x80xf32, #tpu.memory_space<vmem>>
      %dma_start3A_276 = tpu.memref_squeeze %dma_start3A_275 : memref<1x128x80xf32, #tpu.memory_space<vmem>> -> memref<128x80xf32, #tpu.memory_space<vmem>>
      %dma_start3A_277 = tpu.memref_slice %arg13[%mul3A_271] : memref<10000xi32, #tpu.memory_space<vmem>> -> memref<128xi32, #tpu.memory_space<vmem>>
      %dma_start3A_278 = arith.constant 0 : i32
      %dma_start3A_279 = arith.constant 0 : i32
      %dma_start3A_280 = tpu.memref_slice %arg7[%dma_start3A_278, %dma_start3A_279] : memref<10112x80xf32, #tpu.memory_space<vmem_shared>> -> memref<10112x80xf32, #tpu.memory_space<vmem_shared>>
      tpu.enqueue_indirect_dma source(%dma_start3A_276 : memref<128x80xf32, #tpu.memory_space<vmem>>) target(%dma_start3A_280 : memref<10112x80xf32, #tpu.memory_space<vmem_shared>>) offsets(%dma_start3A_277 : memref<128xi32, #tpu.memory_space<vmem>>) semaphore(%arg19 : memref<!tpu.dma_semaphore, #tpu.memory_space<semaphore_mem>>) {add = true}
      %ge3A_281 = arith.constant 1 : i32
      %ge3A_282 = arith.cmpi sge, %add3A_234, %ge3A_281 : i32
      %convert_element_type3A_283 = arith.extui %ge3A_282 : i1 to i32
      %cond3A_284 = arith.constant 0 : i32
      %cond3A_285 = arith.cmpi ne, %convert_element_type3A_283, %cond3A_284 : i32
      scf.if %cond3A_285 {
        %dma_wait3A_293 = arith.constant 1 : i32
        %dma_wait3A_294 = arith.constant 0 : i32
        %dma_wait3A_295 = arith.constant 0 : i32
        %dma_wait3A_296 = tpu.memref_slice %arg8[%dma_wait3A_293, %dma_wait3A_294, %dma_wait3A_295] : memref<3x128x80xf32, #tpu.memory_space<vmem>> -> memref<1x128x80xf32, #tpu.memory_space<vmem>>
        %dma_wait3A_297 = tpu.memref_squeeze %dma_wait3A_296 : memref<1x128x80xf32, #tpu.memory_space<vmem>> -> memref<128x80xf32, #tpu.memory_space<vmem>>
        %dma_wait3A_298 = arith.constant 0 : i32
        %dma_wait3A_299 = arith.constant 0 : i32
        %dma_wait3A_300 = tpu.memref_slice %arg2[%dma_wait3A_298, %dma_wait3A_299] : memref<10000x80xf32, #tpu.memory_space<hbm>> -> memref<128x80xf32, #tpu.memory_space<hbm>>
        %dma_wait3A_301 = arith.constant 0 : i32
        %dma_wait3A_302 = arith.constant 0 : i32
        %dma_wait3A_303 = tpu.memref_slice %arg8[%dma_wait3A_293, %dma_wait3A_301, %dma_wait3A_302] : memref<3x128x80xf32, #tpu.memory_space<vmem>> -> memref<1x128x80xf32, #tpu.memory_space<vmem>>
        %dma_wait3A_304 = tpu.memref_squeeze %dma_wait3A_303 : memref<1x128x80xf32, #tpu.memory_space<vmem>> -> memref<128x80xf32, #tpu.memory_space<vmem>>
        %dma_wait3A_305 = arith.constant 0 : i32
        %dma_wait3A_306 = arith.constant 0 : i32
        %dma_wait3A_307 = tpu.memref_slice %arg2[%dma_wait3A_305, %dma_wait3A_306] : memref<10000x80xf32, #tpu.memory_space<hbm>> -> memref<128x80xf32, #tpu.memory_space<hbm>>
        tpu.wait_dma2 semaphore(%arg18 : memref<!tpu.dma_semaphore, #tpu.memory_space<semaphore_mem>>) src(%dma_wait3A_307 : memref<128x80xf32, #tpu.memory_space<hbm>>) dst(%dma_wait3A_304 : memref<128x80xf32, #tpu.memory_space<vmem>>)
      } else {
      }
      %add3A_286 = arith.constant 2 : i32
      %add3A_287 = arith.addi %add3A_234, %add3A_286 : i32
      %lt3A_288 = arith.constant 78 : i32
      %lt3A_289 = arith.cmpi slt, %add3A_287, %lt3A_288 : i32
      %convert_element_type3A_290 = arith.extui %lt3A_289 : i1 to i32
      %cond3A_291 = arith.constant 0 : i32
      %cond3A_292 = arith.cmpi ne, %convert_element_type3A_290, %cond3A_291 : i32
      scf.if %cond3A_292 {
        %add3A_293 = arith.constant 2 : i32
        %add3A_294 = arith.addi %add3A_234, %add3A_293 : i32
        %mul3A_295 = arith.constant 128 : i32
        %mul3A_296 = arith.muli %add3A_294, %mul3A_295 : i32
        %mul3A_297 = arith.constant 128 : i32
        %mul3A_298 = arith.muli %add3A_294, %mul3A_297 : i32
        %dma_start3A_299 = arith.constant 1 : i32
        %dma_start3A_300 = arith.constant 0 : i32
        %dma_start3A_301 = arith.constant 0 : i32
        %dma_start3A_302 = tpu.memref_slice %arg8[%dma_start3A_299, %dma_start3A_300, %dma_start3A_301] : memref<3x128x80xf32, #tpu.memory_space<vmem>> -> memref<1x128x80xf32, #tpu.memory_space<vmem>>
        %dma_start3A_303 = tpu.memref_squeeze %dma_start3A_302 : memref<1x128x80xf32, #tpu.memory_space<vmem>> -> memref<128x80xf32, #tpu.memory_space<vmem>>
        %dma_start3A_304 = tpu.memref_slice %arg12[%mul3A_296] : memref<10000xi32, #tpu.memory_space<vmem>> -> memref<128xi32, #tpu.memory_space<vmem>>
        %dma_start3A_305 = arith.constant 0 : i32
        %dma_start3A_306 = arith.constant 0 : i32
        %dma_start3A_307 = tpu.memref_slice %arg2[%dma_start3A_305, %dma_start3A_306] : memref<10000x80xf32, #tpu.memory_space<hbm>> -> memref<10000x80xf32, #tpu.memory_space<hbm>>
        tpu.enqueue_indirect_dma source(%dma_start3A_307 : memref<10000x80xf32, #tpu.memory_space<hbm>>) target(%dma_start3A_303 : memref<128x80xf32, #tpu.memory_space<vmem>>) offsets(%dma_start3A_304 : memref<128xi32, #tpu.memory_space<vmem>>) semaphore(%arg15 : memref<!tpu.dma_semaphore, #tpu.memory_space<semaphore_mem>>)
        %dma_start3A_308 = arith.constant 1 : i32
        %dma_start3A_309 = arith.constant 0 : i32
        %dma_start3A_310 = arith.constant 0 : i32
        %dma_start3A_311 = tpu.memref_slice %arg9[%dma_start3A_308, %dma_start3A_309, %dma_start3A_310] : memref<3x128x16xf32, #tpu.memory_space<vmem>> -> memref<1x128x16xf32, #tpu.memory_space<vmem>>
        %dma_start3A_312 = tpu.memref_squeeze %dma_start3A_311 : memref<1x128x16xf32, #tpu.memory_space<vmem>> -> memref<128x16xf32, #tpu.memory_space<vmem>>
        %dma_start3A_313 = tpu.memref_slice %arg13[%mul3A_298] : memref<10000xi32, #tpu.memory_space<vmem>> -> memref<128xi32, #tpu.memory_space<vmem>>
        %dma_start3A_314 = arith.constant 0 : i32
        %dma_start3A_315 = arith.constant 0 : i32
        %dma_start3A_316 = tpu.memref_slice %arg3[%dma_start3A_314, %dma_start3A_315] : memref<10000x16xf32, #tpu.memory_space<hbm>> -> memref<10000x16xf32, #tpu.memory_space<hbm>>
        tpu.enqueue_indirect_dma source(%dma_start3A_316 : memref<10000x16xf32, #tpu.memory_space<hbm>>) target(%dma_start3A_312 : memref<128x16xf32, #tpu.memory_space<vmem>>) offsets(%dma_start3A_313 : memref<128xi32, #tpu.memory_space<vmem>>) semaphore(%arg15 : memref<!tpu.dma_semaphore, #tpu.memory_space<semaphore_mem>>)
      } else {
      }
    }
    %scan3A_65 = arith.constant 26 : i32
    %dma_wait3A = arith.constant 0 : i32
    %dma_wait3A_66 = arith.constant 0 : i32
    %dma_wait3A_67 = tpu.memref_slice %arg2[%dma_wait3A, %dma_wait3A_66] : memref<10000x80xf32, #tpu.memory_space<hbm>> -> memref<16x80xf32, #tpu.memory_space<hbm>>
    %dma_wait3A_68 = arith.constant 0 : i32
    %dma_wait3A_69 = arith.constant 0 : i32
    %dma_wait3A_70 = tpu.memref_slice %arg2[%dma_wait3A_68, %dma_wait3A_69] : memref<10000x80xf32, #tpu.memory_space<hbm>> -> memref<16x80xf32, #tpu.memory_space<hbm>>
    tpu.wait_dma2 semaphore(%arg20 : memref<!tpu.dma_semaphore, #tpu.memory_space<semaphore_mem>>) src(%dma_wait3A_70 : memref<16x80xf32, #tpu.memory_space<hbm>>) dst(%arg10 : memref<16x80xf32, #tpu.memory_space<vmem>>)
    %dma_wait3A_71 = arith.constant 0 : i32
    %dma_wait3A_72 = arith.constant 0 : i32
    %dma_wait3A_73 = tpu.memref_slice %arg3[%dma_wait3A_71, %dma_wait3A_72] : memref<10000x16xf32, #tpu.memory_space<hbm>> -> memref<16x16xf32, #tpu.memory_space<hbm>>
    %dma_wait3A_74 = arith.constant 0 : i32
    %dma_wait3A_75 = arith.constant 0 : i32
    %dma_wait3A_76 = tpu.memref_slice %arg3[%dma_wait3A_74, %dma_wait3A_75] : memref<10000x16xf32, #tpu.memory_space<hbm>> -> memref<16x16xf32, #tpu.memory_space<hbm>>
    tpu.wait_dma2 semaphore(%arg20 : memref<!tpu.dma_semaphore, #tpu.memory_space<semaphore_mem>>) src(%dma_wait3A_76 : memref<16x16xf32, #tpu.memory_space<hbm>>) dst(%arg11 : memref<16x16xf32, #tpu.memory_space<vmem>>)
    %parallel_loop3A = arith.constant 0 : i32
    %parallel_loop3A_77 = arith.constant 16 : i32
    %parallel_loop3A_78 = arith.constant 1 : i32
    scf.for %parallel_loop3A_110 = %parallel_loop3A to %parallel_loop3A_77 step %parallel_loop3A_78  : i32 {
      %parallel_loop3A_111 = arith.index_cast %parallel_loop3A_110 : i32 to index
      %parallel_loop3A_112 = arith.constant 64 : index
      %parallel_loop3A_113 = tpu.vector_load %arg10[%parallel_loop3A_111, %parallel_loop3A_112] {strides = array<i32>} : memref<16x80xf32, #tpu.memory_space<vmem>>, vector<1x16xf32>,
      %parallel_loop3A_114 = vector.shape_cast %parallel_loop3A_113 : vector<1x16xf32> to vector<16xf32>
      %parallel_loop3A_115 = arith.index_cast %parallel_loop3A_110 : i32 to index
      %parallel_loop3A_116 = arith.constant 0 : index
      %parallel_loop3A_117 = tpu.vector_load %arg11[%parallel_loop3A_115, %parallel_loop3A_116] {strides = array<i32>} : memref<16x16xf32, #tpu.memory_space<vmem>>, vector<1x16xf32>,
      %parallel_loop3A_118 = vector.shape_cast %parallel_loop3A_117 : vector<1x16xf32> to vector<16xf32>
      %parallel_loop3A_119 = arith.addf %parallel_loop3A_114, %parallel_loop3A_118 : vector<16xf32>
      %parallel_loop3A_120 = arith.constant 2.000000e-01 : f32
      %parallel_loop3A_121 = vector.broadcast %parallel_loop3A_120 : f32 to vector<16xf32>
      %parallel_loop3A_122 = arith.mulf %parallel_loop3A_121, %parallel_loop3A_119 : vector<16xf32>
      %parallel_loop3A_123 = arith.maximumf %parallel_loop3A_119, %parallel_loop3A_122 : vector<16xf32>
      %parallel_loop3A_124 = math.exp %parallel_loop3A_123 : vector<16xf32>
      %parallel_loop3A_125 = arith.index_cast %parallel_loop3A_110 : i32 to index
      %parallel_loop3A_126 = arith.constant 64 : index
      %parallel_loop3A_127 = tpu.vector_load %arg10[%parallel_loop3A_125, %parallel_loop3A_126] {strides = array<i32>} : memref<16x80xf32, #tpu.memory_space<vmem>>, vector<1x16xf32>,
      %parallel_loop3A_128 = vector.shape_cast %parallel_loop3A_127 : vector<1x16xf32> to vector<16xf32>
      %parallel_loop3A_129 = vector.shape_cast %parallel_loop3A_124 : vector<16xf32> to vector<1x16xf32>
      tpu.vector_store %arg10[%parallel_loop3A_125, %parallel_loop3A_126], %parallel_loop3A_129 {strides = array<i32>} : memref<16x80xf32, #tpu.memory_space<vmem>>, vector<1x16xf32>,
      %parallel_loop3A_130 = arith.constant 0 : i32
      %parallel_loop3A_131 = vector.broadcast %parallel_loop3A_130 : i32 to vector<16xi32>
      %parallel_loop3A_132 = arith.addi %shift_right_logical3A_11, %parallel_loop3A_131 : vector<16xi32>
      %parallel_loop3A_133 = arith.constant 0 : i32
      %parallel_loop3A_134 = vector.broadcast %parallel_loop3A_133 : i32 to vector<16xi32>
      %parallel_loop3A_135 = arith.cmpi slt, %parallel_loop3A_132, %parallel_loop3A_134 : vector<16xi32>
      %parallel_loop3A_136 = arith.constant 16 : i32
      %parallel_loop3A_137 = vector.broadcast %parallel_loop3A_136 : i32 to vector<16xi32>
      %parallel_loop3A_138 = arith.addi %parallel_loop3A_132, %parallel_loop3A_137 : vector<16xi32>
      %parallel_loop3A_139 = arith.select %parallel_loop3A_135, %parallel_loop3A_138, %parallel_loop3A_132 : vector<16xi1>, vector<16xi32>
      %parallel_loop3A_140 = vector.shape_cast %parallel_loop3A_139 : vector<16xi32> to vector<16x1xi32>
      %parallel_loop3A_141 = vector.shape_cast %parallel_loop3A_140 : vector<16x1xi32> to vector<16xi32>
      %parallel_loop3A_142 = tpu.dynamic_gather %parallel_loop3A_124[%parallel_loop3A_141] in [0] : vector<16xf32>, vector<16xi32> -> vector<16xf32>
      %parallel_loop3A_143 = arith.index_cast %parallel_loop3A_110 : i32 to index
      %parallel_loop3A_144 = arith.constant 0 : index
      %parallel_loop3A_145 = tpu.vector_load %arg10[%parallel_loop3A_143, %parallel_loop3A_144] {strides = array<i32>} : memref<16x80xf32, #tpu.memory_space<vmem>>, vector<1x16xf32>,
      %parallel_loop3A_146 = vector.shape_cast %parallel_loop3A_145 : vector<1x16xf32> to vector<16xf32>
      %parallel_loop3A_147 = arith.mulf %parallel_loop3A_146, %parallel_loop3A_142 : vector<16xf32>
      %parallel_loop3A_148 = arith.index_cast %parallel_loop3A_110 : i32 to index
      %parallel_loop3A_149 = arith.constant 0 : index
      %parallel_loop3A_150 = tpu.vector_load %arg10[%parallel_loop3A_148, %parallel_loop3A_149] {strides = array<i32>} : memref<16x80xf32, #tpu.memory_space<vmem>>, vector<1x16xf32>,
      %parallel_loop3A_151 = vector.shape_cast %parallel_loop3A_150 : vector<1x16xf32> to vector<16xf32>
      %parallel_loop3A_152 = vector.shape_cast %parallel_loop3A_147 : vector<16xf32> to vector<1x16xf32>
      tpu.vector_store %arg10[%parallel_loop3A_148, %parallel_loop3A_149], %parallel_loop3A_152 {strides = array<i32>} : memref<16x80xf32, #tpu.memory_space<vmem>>, vector<1x16xf32>,
      %parallel_loop3A_153 = arith.constant 2 : i32
      %parallel_loop3A_154 = vector.broadcast %parallel_loop3A_153 : i32 to vector<16xi32>
      %parallel_loop3A_155 = arith.addi %shift_right_logical3A_11, %parallel_loop3A_154 : vector<16xi32>
      %parallel_loop3A_156 = arith.constant 0 : i32
      %parallel_loop3A_157 = vector.broadcast %parallel_loop3A_156 : i32 to vector<16xi32>
      %parallel_loop3A_158 = arith.cmpi slt, %parallel_loop3A_155, %parallel_loop3A_157 : vector<16xi32>
      %parallel_loop3A_159 = arith.constant 16 : i32
      %parallel_loop3A_160 = vector.broadcast %parallel_loop3A_159 : i32 to vector<16xi32>
      %parallel_loop3A_161 = arith.addi %parallel_loop3A_155, %parallel_loop3A_160 : vector<16xi32>
      %parallel_loop3A_162 = arith.select %parallel_loop3A_158, %parallel_loop3A_161, %parallel_loop3A_155 : vector<16xi1>, vector<16xi32>
      %parallel_loop3A_163 = vector.shape_cast %parallel_loop3A_162 : vector<16xi32> to vector<16x1xi32>
      %parallel_loop3A_164 = vector.shape_cast %parallel_loop3A_163 : vector<16x1xi32> to vector<16xi32>
      %parallel_loop3A_165 = tpu.dynamic_gather %parallel_loop3A_124[%parallel_loop3A_164] in [0] : vector<16xf32>, vector<16xi32> -> vector<16xf32>
      %parallel_loop3A_166 = arith.index_cast %parallel_loop3A_110 : i32 to index
      %parallel_loop3A_167 = arith.constant 16 : index
      %parallel_loop3A_168 = tpu.vector_load %arg10[%parallel_loop3A_166, %parallel_loop3A_167] {strides = array<i32>} : memref<16x80xf32, #tpu.memory_space<vmem>>, vector<1x16xf32>,
      %parallel_loop3A_169 = vector.shape_cast %parallel_loop3A_168 : vector<1x16xf32> to vector<16xf32>
      %parallel_loop3A_170 = arith.mulf %parallel_loop3A_169, %parallel_loop3A_165 : vector<16xf32>
      %parallel_loop3A_171 = arith.index_cast %parallel_loop3A_110 : i32 to index
      %parallel_loop3A_172 = arith.constant 16 : index
      %parallel_loop3A_173 = tpu.vector_load %arg10[%parallel_loop3A_171, %parallel_loop3A_172] {strides = array<i32>} : memref<16x80xf32, #tpu.memory_space<vmem>>, vector<1x16xf32>,
      %parallel_loop3A_174 = vector.shape_cast %parallel_loop3A_173 : vector<1x16xf32> to vector<16xf32>
      %parallel_loop3A_175 = vector.shape_cast %parallel_loop3A_170 : vector<16xf32> to vector<1x16xf32>
      tpu.vector_store %arg10[%parallel_loop3A_171, %parallel_loop3A_172], %parallel_loop3A_175 {strides = array<i32>} : memref<16x80xf32, #tpu.memory_space<vmem>>, vector<1x16xf32>,
      %parallel_loop3A_176 = arith.constant 4 : i32
      %parallel_loop3A_177 = vector.broadcast %parallel_loop3A_176 : i32 to vector<16xi32>
      %parallel_loop3A_178 = arith.addi %shift_right_logical3A_11, %parallel_loop3A_177 : vector<16xi32>
      %parallel_loop3A_179 = arith.constant 0 : i32
      %parallel_loop3A_180 = vector.broadcast %parallel_loop3A_179 : i32 to vector<16xi32>
      %parallel_loop3A_181 = arith.cmpi slt, %parallel_loop3A_178, %parallel_loop3A_180 : vector<16xi32>
      %parallel_loop3A_182 = arith.constant 16 : i32
      %parallel_loop3A_183 = vector.broadcast %parallel_loop3A_182 : i32 to vector<16xi32>
      %parallel_loop3A_184 = arith.addi %parallel_loop3A_178, %parallel_loop3A_183 : vector<16xi32>
      %parallel_loop3A_185 = arith.select %parallel_loop3A_181, %parallel_loop3A_184, %parallel_loop3A_178 : vector<16xi1>, vector<16xi32>
      %parallel_loop3A_186 = vector.shape_cast %parallel_loop3A_185 : vector<16xi32> to vector<16x1xi32>
      %parallel_loop3A_187 = vector.shape_cast %parallel_loop3A_186 : vector<16x1xi32> to vector<16xi32>
      %parallel_loop3A_188 = tpu.dynamic_gather %parallel_loop3A_124[%parallel_loop3A_187] in [0] : vector<16xf32>, vector<16xi32> -> vector<16xf32>
      %parallel_loop3A_189 = arith.index_cast %parallel_loop3A_110 : i32 to index
      %parallel_loop3A_190 = arith.constant 32 : index
      %parallel_loop3A_191 = tpu.vector_load %arg10[%parallel_loop3A_189, %parallel_loop3A_190] {strides = array<i32>} : memref<16x80xf32, #tpu.memory_space<vmem>>, vector<1x16xf32>,
      %parallel_loop3A_192 = vector.shape_cast %parallel_loop3A_191 : vector<1x16xf32> to vector<16xf32>
      %parallel_loop3A_193 = arith.mulf %parallel_loop3A_192, %parallel_loop3A_188 : vector<16xf32>
      %parallel_loop3A_194 = arith.index_cast %parallel_loop3A_110 : i32 to index
      %parallel_loop3A_195 = arith.constant 32 : index
      %parallel_loop3A_196 = tpu.vector_load %arg10[%parallel_loop3A_194, %parallel_loop3A_195] {strides = array<i32>} : memref<16x80xf32, #tpu.memory_space<vmem>>, vector<1x16xf32>,
      %parallel_loop3A_197 = vector.shape_cast %parallel_loop3A_196 : vector<1x16xf32> to vector<16xf32>
      %parallel_loop3A_198 = vector.shape_cast %parallel_loop3A_193 : vector<16xf32> to vector<1x16xf32>
      tpu.vector_store %arg10[%parallel_loop3A_194, %parallel_loop3A_195], %parallel_loop3A_198 {strides = array<i32>} : memref<16x80xf32, #tpu.memory_space<vmem>>, vector<1x16xf32>,
      %parallel_loop3A_199 = arith.constant 6 : i32
      %parallel_loop3A_200 = vector.broadcast %parallel_loop3A_199 : i32 to vector<16xi32>
      %parallel_loop3A_201 = arith.addi %shift_right_logical3A_11, %parallel_loop3A_200 : vector<16xi32>
      %parallel_loop3A_202 = arith.constant 0 : i32
      %parallel_loop3A_203 = vector.broadcast %parallel_loop3A_202 : i32 to vector<16xi32>
      %parallel_loop3A_204 = arith.cmpi slt, %parallel_loop3A_201, %parallel_loop3A_203 : vector<16xi32>
      %parallel_loop3A_205 = arith.constant 16 : i32
      %parallel_loop3A_206 = vector.broadcast %parallel_loop3A_205 : i32 to vector<16xi32>
      %parallel_loop3A_207 = arith.addi %parallel_loop3A_201, %parallel_loop3A_206 : vector<16xi32>
      %parallel_loop3A_208 = arith.select %parallel_loop3A_204, %parallel_loop3A_207, %parallel_loop3A_201 : vector<16xi1>, vector<16xi32>
      %parallel_loop3A_209 = vector.shape_cast %parallel_loop3A_208 : vector<16xi32> to vector<16x1xi32>
      %parallel_loop3A_210 = vector.shape_cast %parallel_loop3A_209 : vector<16x1xi32> to vector<16xi32>
      %parallel_loop3A_211 = tpu.dynamic_gather %parallel_loop3A_124[%parallel_loop3A_210] in [0] : vector<16xf32>, vector<16xi32> -> vector<16xf32>
      %parallel_loop3A_212 = arith.index_cast %parallel_loop3A_110 : i32 to index
      %parallel_loop3A_213 = arith.constant 48 : index
      %parallel_loop3A_214 = tpu.vector_load %arg10[%parallel_loop3A_212, %parallel_loop3A_213] {strides = array<i32>} : memref<16x80xf32, #tpu.memory_space<vmem>>, vector<1x16xf32>,
      %parallel_loop3A_215 = vector.shape_cast %parallel_loop3A_214 : vector<1x16xf32> to vector<16xf32>
      %parallel_loop3A_216 = arith.mulf %parallel_loop3A_215, %parallel_loop3A_211 : vector<16xf32>
      %parallel_loop3A_217 = arith.index_cast %parallel_loop3A_110 : i32 to index
      %parallel_loop3A_218 = arith.constant 48 : index
      %parallel_loop3A_219 = tpu.vector_load %arg10[%parallel_loop3A_217, %parallel_loop3A_218] {strides = array<i32>} : memref<16x80xf32, #tpu.memory_space<vmem>>, vector<1x16xf32>,
      %parallel_loop3A_220 = vector.shape_cast %parallel_loop3A_219 : vector<1x16xf32> to vector<16xf32>
      %parallel_loop3A_221 = vector.shape_cast %parallel_loop3A_216 : vector<16xf32> to vector<1x16xf32>
      tpu.vector_store %arg10[%parallel_loop3A_217, %parallel_loop3A_218], %parallel_loop3A_221 {strides = array<i32>} : memref<16x80xf32, #tpu.memory_space<vmem>>, vector<1x16xf32>,
    } {sc.loop_unroll_factor = 8 : i64, sc.parallel_access}
    %dma_start3A_79 = arith.constant 9984 : i32
    %dma_start3A_80 = tpu.memref_slice %arg13[%dma_start3A_79] : memref<10000xi32, #tpu.memory_space<vmem>> -> memref<16xi32, #tpu.memory_space<vmem>>
    %dma_start3A_81 = arith.constant 0 : i32
    %dma_start3A_82 = arith.constant 0 : i32
    %dma_start3A_83 = tpu.memref_slice %arg7[%dma_start3A_81, %dma_start3A_82] : memref<10112x80xf32, #tpu.memory_space<vmem_shared>> -> memref<10112x80xf32, #tpu.memory_space<vmem_shared>>
    tpu.enqueue_indirect_dma source(%arg10 : memref<16x80xf32, #tpu.memory_space<vmem>>) target(%dma_start3A_83 : memref<10112x80xf32, #tpu.memory_space<vmem_shared>>) offsets(%dma_start3A_80 : memref<16xi32, #tpu.memory_space<vmem>>) semaphore(%arg20 : memref<!tpu.dma_semaphore, #tpu.memory_space<semaphore_mem>>) {add = true}
    %dma_wait3A_84 = arith.constant 0 : i32
    %dma_wait3A_85 = arith.constant 0 : i32
    %dma_wait3A_86 = tpu.memref_slice %arg2[%dma_wait3A_84, %dma_wait3A_85] : memref<10000x80xf32, #tpu.memory_space<hbm>> -> memref<16x80xf32, #tpu.memory_space<hbm>>
    %dma_wait3A_87 = arith.constant 0 : i32
    %dma_wait3A_88 = arith.constant 0 : i32
    %dma_wait3A_89 = tpu.memref_slice %arg2[%dma_wait3A_87, %dma_wait3A_88] : memref<10000x80xf32, #tpu.memory_space<hbm>> -> memref<16x80xf32, #tpu.memory_space<hbm>>
    tpu.wait_dma2 semaphore(%arg20 : memref<!tpu.dma_semaphore, #tpu.memory_space<semaphore_mem>>) src(%dma_wait3A_89 : memref<16x80xf32, #tpu.memory_space<hbm>>) dst(%arg10 : memref<16x80xf32, #tpu.memory_space<vmem>>)
    %dma_wait3A_90 = arith.constant 2 : i32
    %dma_wait3A_91 = arith.constant 0 : i32
    %dma_wait3A_92 = arith.constant 0 : i32
    %dma_wait3A_93 = tpu.memref_slice %arg8[%dma_wait3A_90, %dma_wait3A_91, %dma_wait3A_92] : memref<3x128x80xf32, #tpu.memory_space<vmem>> -> memref<1x128x80xf32, #tpu.memory_space<vmem>>
    %dma_wait3A_94 = tpu.memref_squeeze %dma_wait3A_93 : memref<1x128x80xf32, #tpu.memory_space<vmem>> -> memref<128x80xf32, #tpu.memory_space<vmem>>
    %dma_wait3A_95 = arith.constant 0 : i32
    %dma_wait3A_96 = arith.constant 0 : i32
    %dma_wait3A_97 = tpu.memref_slice %arg2[%dma_wait3A_95, %dma_wait3A_96] : memref<10000x80xf32, #tpu.memory_space<hbm>> -> memref<128x80xf32, #tpu.memory_space<hbm>>
    %dma_wait3A_98 = arith.constant 0 : i32
    %dma_wait3A_99 = arith.constant 0 : i32
    %dma_wait3A_100 = tpu.memref_slice %arg8[%dma_wait3A_90, %dma_wait3A_98, %dma_wait3A_99] : memref<3x128x80xf32, #tpu.memory_space<vmem>> -> memref<1x128x80xf32, #tpu.memory_space<vmem>>
    %dma_wait3A_101 = tpu.memref_squeeze %dma_wait3A_100 : memref<1x128x80xf32, #tpu.memory_space<vmem>> -> memref<128x80xf32, #tpu.memory_space<vmem>>
    %dma_wait3A_102 = arith.constant 0 : i32
    %dma_wait3A_103 = arith.constant 0 : i32
    %dma_wait3A_104 = tpu.memref_slice %arg2[%dma_wait3A_102, %dma_wait3A_103] : memref<10000x80xf32, #tpu.memory_space<hbm>> -> memref<128x80xf32, #tpu.memory_space<hbm>>
    tpu.wait_dma2 semaphore(%arg19 : memref<!tpu.dma_semaphore, #tpu.memory_space<semaphore_mem>>) src(%dma_wait3A_104 : memref<128x80xf32, #tpu.memory_space<hbm>>) dst(%dma_wait3A_101 : memref<128x80xf32, #tpu.memory_space<vmem>>)
    %barrier3A_105 = arith.constant 0 : index
    tpu.barrier barrier_id(%barrier3A_105)
    %mul3A_106 = arith.constant 632 : i32
    %mul3A_107 = arith.muli %arg1, %mul3A_106 : i32
    %mul3A_108 = arith.constant 632 : i32
    %mul3A_109 = arith.muli %arg1, %mul3A_108 : i32
    "tpu.region"() ({
      %run_scoped3A_110 = tpu.sem_alloc : memref<!tpu.dma_semaphore, #tpu.memory_space<semaphore_mem>>
      %dma_start3A_111 = arith.constant 0 : i32
      %dma_start3A_112 = tpu.memref_slice %arg6[%arg0, %mul3A_109, %dma_start3A_111] : memref<2x10112x80xf32, #tpu.memory_space<hbm>> -> memref<1x632x80xf32, #tpu.memory_space<hbm>>
      %dma_start3A_113 = tpu.memref_squeeze %dma_start3A_112 : memref<1x632x80xf32, #tpu.memory_space<hbm>> -> memref<632x80xf32, #tpu.memory_space<hbm>>
      %dma_start3A_114 = arith.constant 0 : i32
      %dma_start3A_115 = tpu.memref_slice %arg7[%mul3A_107, %dma_start3A_114] : memref<10112x80xf32, #tpu.memory_space<vmem_shared>> -> memref<632x80xf32, #tpu.memory_space<vmem_shared>>
      tpu.enqueue_dma source(%dma_start3A_115 : memref<632x80xf32, #tpu.memory_space<vmem_shared>>) target(%dma_start3A_113 : memref<632x80xf32, #tpu.memory_space<hbm>>) target_semaphore(%run_scoped3A_110 : memref<!tpu.dma_semaphore, #tpu.memory_space<semaphore_mem>>)
      %dma_wait3A_116 = arith.constant 0 : i32
      %dma_wait3A_117 = tpu.memref_slice %arg6[%arg0, %mul3A_109, %dma_wait3A_116] : memref<2x10112x80xf32, #tpu.memory_space<hbm>> -> memref<1x632x80xf32, #tpu.memory_space<hbm>>
      %dma_wait3A_118 = tpu.memref_squeeze %dma_wait3A_117 : memref<1x632x80xf32, #tpu.memory_space<hbm>> -> memref<632x80xf32, #tpu.memory_space<hbm>>
      %dma_wait3A_119 = arith.constant 0 : i32
      %dma_wait3A_120 = tpu.memref_slice %arg7[%mul3A_107, %dma_wait3A_119] : memref<10112x80xf32, #tpu.memory_space<vmem_shared>> -> memref<632x80xf32, #tpu.memory_space<vmem_shared>>
      tpu.wait_dma2 semaphore(%run_scoped3A_110 : memref<!tpu.dma_semaphore, #tpu.memory_space<semaphore_mem>>) src(%dma_wait3A_120 : memref<632x80xf32, #tpu.memory_space<vmem_shared>>) dst(%dma_wait3A_118 : memref<632x80xf32, #tpu.memory_space<hbm>>)
      tpu.yield
    }) : () -> ()
    return
  }
}

module attributes {stable_mosaic.version = 14 : i64} {
  func.func @_prep_body(%arg0: i32, %arg1: memref<2000x128xf32, #tpu.memory_space<vmem>>, %arg2: memref<128x64xf32, #tpu.memory_space<vmem>>, %arg3: memref<64x8xf32, #tpu.memory_space<vmem>>, %arg4: memref<64x8xf32, #tpu.memory_space<vmem>>, %arg5: memref<2000x80xf32, #tpu.memory_space<vmem>>, %arg6: memref<2000x16xf32, #tpu.memory_space<vmem>>) attributes {dimension_semantics = [#tpu.dimension_semantics<arbitrary>], iteration_bounds = array<i64: 5>, scalar_prefetch = 0 : i64, scratch_operands = 0 : i64, tpu.core_type = #tpu.core_type<tc>, window_params = [{transform_indices = @transform_0, window_bounds = array<i64: 2000, 128>}, {pipeline_mode = #tpu.pipeline_mode<synchronous>, transform_indices = @transform_1, window_bounds = array<i64: 128, 64>}, {pipeline_mode = #tpu.pipeline_mode<synchronous>, transform_indices = @transform_2, window_bounds = array<i64: 64, 8>}, {pipeline_mode = #tpu.pipeline_mode<synchronous>, transform_indices = @transform_3, window_bounds = array<i64: 64, 8>}, {transform_indices = @transform_4, window_bounds = array<i64: 2000, 80>}, {transform_indices = @transform_5, window_bounds = array<i64: 2000, 16>}]} {
    %get3A = arith.constant 0 : index
    %get3A_0 = arith.constant 0 : index
    %get3A_1 = vector.load %arg1[%get3A, %get3A_0] : memref<2000x128xf32, #tpu.memory_space<vmem>>, vector<2000x128xf32>
    %get3A_2 = arith.constant 0 : index
    %get3A_3 = arith.constant 0 : index
    %get3A_4 = vector.load %arg2[%get3A_2, %get3A_3] : memref<128x64xf32, #tpu.memory_space<vmem>>, vector<128x64xf32>
    %dot_general3A = arith.constant dense<0.000000e+00> : vector<2000x64xf32>
    %dot_general3A_5 = tpu.matmul %get3A_1, %get3A_4, %dot_general3A {dimension_numbers = #tpu.dot_dimension_numbers<[1], [0], [0], [1], [0, 0, 1, 1], [], []>, transpose_lhs_hint = false} : vector<2000x128xf32>, vector<128x64xf32>, vector<2000x64xf32> -> vector<2000x64xf32>
    %get3A_6 = arith.constant 0 : index
    %get3A_7 = arith.constant 0 : index
    %get3A_8 = vector.load %arg3[%get3A_6, %get3A_7] : memref<64x8xf32, #tpu.memory_space<vmem>>, vector<64x8xf32>
    %dot_general3A_9 = arith.constant dense<0.000000e+00> : vector<2000x8xf32>
    %dot_general3A_10 = tpu.matmul %dot_general3A_5, %get3A_8, %dot_general3A_9 {dimension_numbers = #tpu.dot_dimension_numbers<[1], [0], [0], [1], [0, 0, 1, 1], [], []>, transpose_lhs_hint = false} : vector<2000x64xf32>, vector<64x8xf32>, vector<2000x8xf32> -> vector<2000x8xf32>
    %get3A_11 = arith.constant 0 : index
    %get3A_12 = arith.constant 0 : index
    %get3A_13 = vector.load %arg4[%get3A_11, %get3A_12] : memref<64x8xf32, #tpu.memory_space<vmem>>, vector<64x8xf32>
    %dot_general3A_14 = arith.constant dense<0.000000e+00> : vector<2000x8xf32>
    %dot_general3A_15 = tpu.matmul %dot_general3A_5, %get3A_13, %dot_general3A_14 {dimension_numbers = #tpu.dot_dimension_numbers<[1], [0], [0], [1], [0, 0, 1, 1], [], []>, transpose_lhs_hint = false} : vector<2000x64xf32>, vector<64x8xf32>, vector<2000x8xf32> -> vector<2000x8xf32>
    %broadcast_in_dim3A = arith.constant 0.000000e+00 : f32
    %broadcast_in_dim3A_16 = vector.broadcast %broadcast_in_dim3A : f32 to vector<2000x8xf32>
    %concatenate3A = tpu.concatenate %dot_general3A_5, %dot_general3A_10, %broadcast_in_dim3A_16 in 1 : vector<2000x64xf32>, vector<2000x8xf32>, vector<2000x8xf32> -> vector<2000x80xf32>
    %swap3A = arith.constant 0 : index
    %swap3A_17 = arith.constant 0 : index
    %swap3A_18 = vector.load %arg5[%swap3A, %swap3A_17] : memref<2000x80xf32, #tpu.memory_space<vmem>>, vector<2000x80xf32>
    tpu.vector_store %arg5[%swap3A, %swap3A_17], %concatenate3A {strides = array<i32>} : memref<2000x80xf32, #tpu.memory_space<vmem>>, vector<2000x80xf32>,
    %concatenate3A_19 = tpu.concatenate %dot_general3A_15, %broadcast_in_dim3A_16 in 1 : vector<2000x8xf32>, vector<2000x8xf32> -> vector<2000x16xf32>
    %swap3A_20 = arith.constant 0 : index
    %swap3A_21 = arith.constant 0 : index
    %swap3A_22 = vector.load %arg6[%swap3A_20, %swap3A_21] : memref<2000x16xf32, #tpu.memory_space<vmem>>, vector<2000x16xf32>
    tpu.vector_store %arg6[%swap3A_20, %swap3A_21], %concatenate3A_19 {strides = array<i32>} : memref<2000x16xf32, #tpu.memory_space<vmem>>, vector<2000x16xf32>,
    return
  }
  func.func @transform_0(%arg0: i32) -> (i32, i32) {
    %c0_i32 = arith.constant 0 : i32
    %c0_i32_0 = arith.constant 0 : i32
    return %arg0, %c0_i32 : i32, i32
  }
  func.func @transform_1(%arg0: i32) -> (i32, i32) {
    %c0_i32 = arith.constant 0 : i32
    %c0_i32_0 = arith.constant 0 : i32
    %c0_i32_1 = arith.constant 0 : i32
    return %c0_i32, %c0_i32_0 : i32, i32
  }
  func.func @transform_2(%arg0: i32) -> (i32, i32) {
    %c0_i32 = arith.constant 0 : i32
    %c0_i32_0 = arith.constant 0 : i32
    %c0_i32_1 = arith.constant 0 : i32
    return %c0_i32, %c0_i32_0 : i32, i32
  }
  func.func @transform_3(%arg0: i32) -> (i32, i32) {
    %c0_i32 = arith.constant 0 : i32
    %c0_i32_0 = arith.constant 0 : i32
    %c0_i32_1 = arith.constant 0 : i32
    return %c0_i32, %c0_i32_0 : i32, i32
  }
  func.func @transform_4(%arg0: i32) -> (i32, i32) {
    %c0_i32 = arith.constant 0 : i32
    %c0_i32_0 = arith.constant 0 : i32
    return %arg0, %c0_i32 : i32, i32
  }
  func.func @transform_5(%arg0: i32) -> (i32, i32) {
    %c0_i32 = arith.constant 0 : i32
    %c0_i32_0 = arith.constant 0 : i32
    return %arg0, %c0_i32 : i32, i32
  }
}

module attributes {stable_mosaic.version = 14 : i64} {
  func.func @_fin_body(%arg0: i32, %arg1: memref<2x2000x80xf32, #tpu.memory_space<vmem>>, %arg2: memref<2000x80xf32, #tpu.memory_space<vmem>>, %arg3: memref<2000x16xf32, #tpu.memory_space<vmem>>, %arg4: memref<8x64xf32, #tpu.memory_space<vmem>>, %arg5: memref<1x64xf32, #tpu.memory_space<vmem>>, %arg6: memref<64x40xf32, #tpu.memory_space<vmem>>, %arg7: memref<1x40xf32, #tpu.memory_space<vmem>>, %arg8: memref<2000x40xf32, #tpu.memory_space<vmem>>) attributes {dimension_semantics = [#tpu.dimension_semantics<arbitrary>], iteration_bounds = array<i64: 5>, scalar_prefetch = 0 : i64, scratch_operands = 0 : i64, tpu.core_type = #tpu.core_type<tc>, window_params = [{transform_indices = @transform_0, window_bounds = array<i64: 2, 2000, 80>}, {transform_indices = @transform_1, window_bounds = array<i64: 2000, 80>}, {transform_indices = @transform_2, window_bounds = array<i64: 2000, 16>}, {pipeline_mode = #tpu.pipeline_mode<synchronous>, transform_indices = @transform_3, window_bounds = array<i64: 8, 64>}, {pipeline_mode = #tpu.pipeline_mode<synchronous>, transform_indices = @transform_4, window_bounds = array<i64: 1, 64>}, {pipeline_mode = #tpu.pipeline_mode<synchronous>, transform_indices = @transform_5, window_bounds = array<i64: 64, 40>}, {pipeline_mode = #tpu.pipeline_mode<synchronous>, transform_indices = @transform_6, window_bounds = array<i64: 1, 40>}, {transform_indices = @transform_7, window_bounds = array<i64: 2000, 40>}]} {
    %get3A = arith.constant 0 : index
    %get3A_0 = arith.constant 0 : index
    %get3A_1 = arith.constant 0 : index
    %get3A_2 = vector.load %arg1[%get3A, %get3A_0, %get3A_1] : memref<2x2000x80xf32, #tpu.memory_space<vmem>>, vector<1x2000x80xf32>
    %get3A_3 = vector.shape_cast %get3A_2 : vector<1x2000x80xf32> to vector<2000x80xf32>
    %get3A_4 = arith.constant 1 : index
    %get3A_5 = arith.constant 0 : index
    %get3A_6 = arith.constant 0 : index
    %get3A_7 = vector.load %arg1[%get3A_4, %get3A_5, %get3A_6] : memref<2x2000x80xf32, #tpu.memory_space<vmem>>, vector<1x2000x80xf32>
    %get3A_8 = vector.shape_cast %get3A_7 : vector<1x2000x80xf32> to vector<2000x80xf32>
    %add3A = arith.addf %get3A_3, %get3A_8 : vector<2000x80xf32>
    %get3A_9 = arith.constant 0 : index
    %get3A_10 = arith.constant 0 : index
    %get3A_11 = vector.load %arg2[%get3A_9, %get3A_10] : memref<2000x80xf32, #tpu.memory_space<vmem>>, vector<2000x64xf32>
    %get3A_12 = arith.constant 0 : index
    %get3A_13 = arith.constant 64 : index
    %get3A_14 = vector.load %arg2[%get3A_12, %get3A_13] : memref<2000x80xf32, #tpu.memory_space<vmem>>, vector<2000x8xf32>
    %get3A_15 = arith.constant 0 : index
    %get3A_16 = arith.constant 0 : index
    %get3A_17 = vector.load %arg3[%get3A_15, %get3A_16] : memref<2000x16xf32, #tpu.memory_space<vmem>>, vector<2000x8xf32>
    %add3A_18 = arith.addf %get3A_14, %get3A_17 : vector<2000x8xf32>
    %ge3A = arith.constant 0.000000e+00 : f32
    %ge3A_19 = vector.broadcast %ge3A : f32 to vector<2000x8xf32>
    %ge3A_20 = arith.cmpf oge, %add3A_18, %ge3A_19 : vector<2000x8xf32>
    %mul3A = arith.constant 2.000000e-01 : f32
    %mul3A_21 = vector.broadcast %mul3A : f32 to vector<2000x8xf32>
    %mul3A_22 = arith.mulf %mul3A_21, %add3A_18 : vector<2000x8xf32>
    %select_n3A = arith.select %ge3A_20, %add3A_18, %mul3A_22 : vector<2000x8xi1>, vector<2000x8xf32>
    %exp3A = math.exp %select_n3A : vector<2000x8xf32>
    %get3A_23 = arith.constant 0 : index
    %get3A_24 = arith.constant 0 : index
    %get3A_25 = vector.load %arg4[%get3A_23, %get3A_24] : memref<8x64xf32, #tpu.memory_space<vmem>>, vector<8x64xf32>
    %dot_general3A = arith.constant dense<0.000000e+00> : vector<2000x64xf32>
    %dot_general3A_26 = tpu.matmul %exp3A, %get3A_25, %dot_general3A {dimension_numbers = #tpu.dot_dimension_numbers<[1], [0], [0], [1], [0, 0, 1, 1], [], []>, transpose_lhs_hint = false} : vector<2000x8xf32>, vector<8x64xf32>, vector<2000x64xf32> -> vector<2000x64xf32>
    %slice3A = vector.extract_strided_slice %add3A {offsets = [0, 0], sizes = [2000, 64], strides = [1, 1]} : vector<2000x80xf32> to vector<2000x64xf32>
    %mul3A_27 = arith.mulf %dot_general3A_26, %get3A_11 : vector<2000x64xf32>
    %add3A_28 = arith.addf %slice3A, %mul3A_27 : vector<2000x64xf32>
    %slice3A_29 = vector.extract_strided_slice %add3A {offsets = [0, 64], sizes = [2000, 8], strides = [1, 1]} : vector<2000x80xf32> to vector<2000x8xf32>
    %add3A_30 = arith.addf %slice3A_29, %exp3A : vector<2000x8xf32>
    %get3A_31 = arith.constant 0 : index
    %get3A_32 = arith.constant 0 : index
    %get3A_33 = vector.load %arg4[%get3A_31, %get3A_32] : memref<8x64xf32, #tpu.memory_space<vmem>>, vector<8x64xf32>
    %dot_general3A_34 = arith.constant dense<0.000000e+00> : vector<2000x64xf32>
    %dot_general3A_35 = tpu.matmul %add3A_30, %get3A_33, %dot_general3A_34 {dimension_numbers = #tpu.dot_dimension_numbers<[1], [0], [0], [1], [0, 0, 1, 1], [], []>, transpose_lhs_hint = false} : vector<2000x8xf32>, vector<8x64xf32>, vector<2000x64xf32> -> vector<2000x64xf32>
    %add3A_36 = arith.constant 1.000000e-16 : f32
    %add3A_37 = vector.broadcast %add3A_36 : f32 to vector<2000x64xf32>
    %add3A_38 = arith.addf %dot_general3A_35, %add3A_37 : vector<2000x64xf32>
    %div3A = arith.divf %add3A_28, %add3A_38 : vector<2000x64xf32>
    %get3A_39 = arith.constant 0 : index
    %get3A_40 = arith.constant 0 : index
    %get3A_41 = vector.load %arg5[%get3A_39, %get3A_40] : memref<1x64xf32, #tpu.memory_space<vmem>>, vector<1x64xf32>
    %add3A_42 = vector.broadcast %get3A_41 : vector<1x64xf32> to vector<2000x64xf32>
    %add3A_43 = arith.addf %div3A, %add3A_42 : vector<2000x64xf32>
    %max3A = arith.constant 0.000000e+00 : f32
    %max3A_44 = vector.broadcast %max3A : f32 to vector<2000x64xf32>
    %max3A_45 = arith.maximumf %add3A_43, %max3A_44 : vector<2000x64xf32>
    %get3A_46 = arith.constant 0 : index
    %get3A_47 = arith.constant 0 : index
    %get3A_48 = vector.load %arg6[%get3A_46, %get3A_47] : memref<64x40xf32, #tpu.memory_space<vmem>>, vector<64x40xf32>
    %dot_general3A_49 = arith.constant dense<0.000000e+00> : vector<2000x40xf32>
    %dot_general3A_50 = tpu.matmul %max3A_45, %get3A_48, %dot_general3A_49 {dimension_numbers = #tpu.dot_dimension_numbers<[1], [0], [0], [1], [0, 0, 1, 1], [], []>, transpose_lhs_hint = false} : vector<2000x64xf32>, vector<64x40xf32>, vector<2000x40xf32> -> vector<2000x40xf32>
    %get3A_51 = arith.constant 0 : index
    %get3A_52 = arith.constant 0 : index
    %get3A_53 = vector.load %arg7[%get3A_51, %get3A_52] : memref<1x40xf32, #tpu.memory_space<vmem>>, vector<1x40xf32>
    %add3A_54 = vector.broadcast %get3A_53 : vector<1x40xf32> to vector<2000x40xf32>
    %add3A_55 = arith.addf %dot_general3A_50, %add3A_54 : vector<2000x40xf32>
    %swap3A = arith.constant 0 : index
    %swap3A_56 = arith.constant 0 : index
    %swap3A_57 = vector.load %arg8[%swap3A, %swap3A_56] : memref<2000x40xf32, #tpu.memory_space<vmem>>, vector<2000x40xf32>
    tpu.vector_store %arg8[%swap3A, %swap3A_56], %add3A_55 {strides = array<i32>} : memref<2000x40xf32, #tpu.memory_space<vmem>>, vector<2000x40xf32>,
    return
  }
  func.func @transform_0(%arg0: i32) -> (i32, i32, i32) {
    %c0_i32 = arith.constant 0 : i32
    %c0_i32_0 = arith.constant 0 : i32
    %c0_i32_1 = arith.constant 0 : i32
    return %c0_i32, %arg0, %c0_i32_0 : i32, i32, i32
  }
  func.func @transform_1(%arg0: i32) -> (i32, i32) {
    %c0_i32 = arith.constant 0 : i32
    %c0_i32_0 = arith.constant 0 : i32
    return %arg0, %c0_i32 : i32, i32
  }
  func.func @transform_2(%arg0: i32) -> (i32, i32) {
    %c0_i32 = arith.constant 0 : i32
    %c0_i32_0 = arith.constant 0 : i32
    return %arg0, %c0_i32 : i32, i32
  }
  func.func @transform_3(%arg0: i32) -> (i32, i32) {
    %c0_i32 = arith.constant 0 : i32
    %c0_i32_0 = arith.constant 0 : i32
    %c0_i32_1 = arith.constant 0 : i32
    return %c0_i32, %c0_i32_0 : i32, i32
  }
  func.func @transform_4(%arg0: i32) -> (i32, i32) {
    %c0_i32 = arith.constant 0 : i32
    %c0_i32_0 = arith.constant 0 : i32
    %c0_i32_1 = arith.constant 0 : i32
    return %c0_i32, %c0_i32_0 : i32, i32
  }
  func.func @transform_5(%arg0: i32) -> (i32, i32) {
    %c0_i32 = arith.constant 0 : i32
    %c0_i32_0 = arith.constant 0 : i32
    %c0_i32_1 = arith.constant 0 : i32
    return %c0_i32, %c0_i32_0 : i32, i32
  }
  func.func @transform_6(%arg0: i32) -> (i32, i32) {
    %c0_i32 = arith.constant 0 : i32
    %c0_i32_0 = arith.constant 0 : i32
    %c0_i32_1 = arith.constant 0 : i32
    return %c0_i32, %c0_i32_0 : i32, i32
  }
  func.func @transform_7(%arg0: i32) -> (i32, i32) {
    %c0_i32 = arith.constant 0 : i32
    %c0_i32_0 = arith.constant 0 : i32
    return %arg0, %c0_i32 : i32, i32
  }
}

</mosaic_0001>

<sc_bundles>
// kernel: kernel.5.cloned.1.call-start
scs
__scs_entry_jumppad:
0x0: {  	(pc) =	sbr.rel $0x88, $3  }
0x1: {  	(tag) =	ssettag $0x0;
	lr =	simm.s32 $0x1  }
0x2: {  	[smem:$0x3F99] =	sst lr;
	_ =	strace $0xD0000000  }
0x3: {  	_ = 	snop  }
0x4: {  	_ = 	snop  }
0x5: {  	_ = 	snop  }
0x6: {  	_ = 	snop  }
0x7: {  	_ = 	snop  }
__scs_overlays_trampoline_lowered:
0x8: {  	[smem:$0x3FA8] =	sst s0  }
0x9: {  	[smem:$0x3FA9] =	sst s1  }
0xa: {  	[smem:$0x3FAA] =	sst s2  }
0xb: {  	[smem:$0x3FAB] =	sst s3  }
0xc: {  	[smem:$0x3FAC] =	sst s4  }
0xd: {  	[smem:$0x3FAD] =	sst s5  }
0xe: {  	[smem:$0x3FAE] =	sst s6  }
0xf: {  	[smem:$0x3FAF] =	sst s7  }
0x10: {  	[smem:$0x3FB0] =	sst s8  }
0x11: {  	[smem:$0x3FB1] =	sst s9;
	s0 =	simm.s32 @!p0 $0x0  }
0x12: {  	s1 =	sld [smem:$0x3F97];
	s0 =	simm.s32 @p0 $0x1  }
0x13: {  	[smem:$0x3FB2] =	sst s0;
	s0 =	simm.s32 @!p1 $0x0  }
0x14: {  	s2 =	sld [smem:$0x3F96];
	s0 =	simm.s32 @p1 $0x1  }
0x15: {  	[smem:$0x3FB3] =	sst s0;
	s0 =	simm.s32 @!p2 $0x0  }
0x16: {  	s3 =	sld [smem:$0x3FDB];
	s0 =	simm.s32 @p2 $0x1  }
0x17: {  	s4 =	simm.s32 $0x1BF5;
	[smem:$0x3FB5] =	sst s0  }
0x18: {  	s0 =	sld [smem:$0x3F98];
	_ =	swait.ge [sflag:s4], $0x0  }
0x19: {  	s7 =	sld [smem:$0x3F99]  }
0x1a: {  	s8 =	sadd.s32 $0xFFFFE003, lr  }
0x1b: {  	s9 =	sadd.s32 $0xFFFFFEF7, lr;
	s5 =	simm.s32 $0xFFFFFFFF;
	p2 =	slt.u32 s8, $0xFFFFF086  }
0x1c: {  	p1 =	slt.u32 s9, $0xF7A;
	s5 =	simm.s32 @!p2 $0x0  }
0x1d: {  	s5 =	simm.s32 @p1 $0x1;
	p0 =	seq.s32 s7, s2  }
0x1e: {  	s7 =	smul.u32 @!p0 $0xF7A, s2;
	p2 =	seq.s32 @!p0 s5, $0x0  }
0x1f: {  	s9 =	smul.u32 $0xF7A, s1;
	s8 =	simm.s32 @!p0 $0x1BF5;
	p2 =	por !p2, p0  }
0x20: {  	[sflag:s8] =	ssyncset.s32 @!p0 $0xFFFFF086;
	s6 =	sadd.s32 @!p0 s3, s7;
	s7 =	simm.s32 @!p0 $0x108  }
0x21: {  	s3 =	sadd.s32 s3, s9;
	s6 =	sadd.s32 @!p0 $0x88, s6;
	s7 =	simm.s32 @p2 $0x1082  }
0x22: {  	[simem:s7], [sflag:s8] =	dma.local @!p0 [hbm:s6], $0xF7A  }
0x23: {  	s9 =	sor.u32 $0xD0000000, s2;
	s6 =	simm.s32 $0x108;
	_ =	swait.ge @!p0 [sflag:s8], $0x0  }
0x24: {  	s3 =	sadd.s32 $0x88, s3;
	s6 =	simm.s32 @!p1 $0x1082;
	[sflag:s4] =	ssyncset.s32 $0xFFFFF086  }
0x25: {  	[simem:s6], [sflag:s4] =	dma.local [hbm:s3], $0xF7A  }
0x26: {  	[smem:$0x3F99] =	sst s1;
	(tag) =	ssettag s2;
	_ =	strace s9  }
0x27: {  	s1 =	sld [smem:$0x3FA9]  }
0x28: {  	s2 =	sld [smem:$0x3FAA]  }
0x29: {  	s4 =	sld [smem:$0x3FAC]  }
0x2a: {  	p0 =	seq.s32 s5, $0x0;
	s5 =	sld [smem:$0x3FAD]  }
0x2b: {  	s6 =	sld [smem:$0x3FAE]  }
0x2c: {  	s7 =	sld [smem:$0x3FAF]  }
0x2d: {  	s3 =	simm.s32 $0x108;
	s8 =	sld [smem:$0x3FB0]  }
0x2e: {  	s3 =	simm.s32 @!p0 $0x1082;
	s9 =	sld [smem:$0x3FB1]  }
0x2f: {  	lr =	sadd.s32 s0, s3;
	s0 =	sld [smem:$0x3FA8]  }
0x30: {  	s3 =	sld [smem:$0x3FAB]  }
0x31: {  	[smem:$0x3FB4] =	sst s10  }
0x32: {  	s10 =	sld [smem:$0x3FB2];
	_ =	sdelay $0x3  }
0x33: {  	p0 =	seq.s32 s10, $0x1;
	s10 =	sld [smem:$0x3FB4];
	_ =	sdelay $0x3  }
0x34: {  	[smem:$0x3FB4] =	sst s10  }
0x35: {  	s10 =	sld [smem:$0x3FB3];
	_ =	sdelay $0x3  }
0x36: {  	p1 =	seq.s32 s10, $0x1;
	s10 =	sld [smem:$0x3FB4];
	_ =	sdelay $0x3  }
0x37: {  	[smem:$0x3FB4] =	sst s10  }
0x38: {  	s10 =	sld [smem:$0x3FB5]  }
0x39: {  	_ = 	snop;
	(pc) =	sbr.ind lr, $3  }
0x3a: {  	_ = 	snop  }
0x3b: {  	_ = 	snop  }
0x3c: {  	p2 =	seq.s32 s10, $0x1;
	s10 =	sld [smem:$0x3FB4]  }
0x3d: {  	_ =	shalt  }
0x3e: {  	_ =	shalt  }
0x3f: {  	_ =	shalt  }
0x40: {  	_ =	shalt  }
0x41: {  	_ =	shalt  }
0x42: {  	_ =	shalt  }
0x43: {  	_ =	shalt  }
0x44: {  	_ =	shalt  }
0x45: {  	_ =	shalt  }
0x46: {  	_ =	shalt  }
0x47: {  	_ =	shalt  }
0x48: {  	_ =	shalt  }
0x49: {  	_ =	shalt  }
0x4a: {  	_ =	shalt  }
0x4b: {  	_ =	shalt  }
0x4c: {  	_ =	shalt  }
0x4d: {  	_ =	shalt  }
0x4e: {  	_ =	shalt  }
0x4f: {  	_ =	shalt  }
0x50: {  	_ =	shalt  }
0x51: {  	_ =	shalt  }
0x52: {  	_ =	shalt  }
0x53: {  	_ =	shalt  }
0x54: {  	_ =	shalt  }
0x55: {  	_ =	shalt  }
0x56: {  	_ =	shalt  }
0x57: {  	_ =	shalt  }
0x58: {  	_ =	shalt  }
0x59: {  	_ =	shalt  }
0x5a: {  	_ =	shalt  }
0x5b: {  	_ =	shalt  }
0x5c: {  	_ =	shalt  }
0x5d: {  	_ =	shalt  }
0x5e: {  	_ =	shalt  }
0x5f: {  	_ =	shalt  }
0x60: {  	_ =	shalt  }
0x61: {  	_ =	shalt  }
0x62: {  	_ =	shalt  }
0x63: {  	_ =	shalt  }
0x64: {  	_ =	shalt  }
0x65: {  	_ =	shalt  }
0x66: {  	_ =	shalt  }
0x67: {  	_ =	shalt  }
0x68: {  	_ =	shalt  }
0x69: {  	_ =	shalt  }
0x6a: {  	_ =	shalt  }
0x6b: {  	_ =	shalt  }
0x6c: {  	_ =	shalt  }
0x6d: {  	_ =	shalt  }
0x6e: {  	_ =	shalt  }
0x6f: {  	_ =	shalt  }
0x70: {  	_ =	shalt  }
0x71: {  	_ =	shalt  }
0x72: {  	_ =	shalt  }
0x73: {  	_ =	shalt  }
0x74: {  	_ =	shalt  }
0x75: {  	_ =	shalt  }
0x76: {  	_ =	shalt  }
0x77: {  	_ =	shalt  }
0x78: {  	_ =	shalt  }
0x79: {  	_ =	shalt  }
0x7a: {  	_ =	shalt  }
0x7b: {  	_ =	shalt  }
0x7c: {  	_ =	shalt  }
0x7d: {  	_ =	shalt  }
0x7e: {  	_ =	shalt  }
0x7f: {  	_ =	shalt  }
0x80: {  	_ =	shalt  }
0x81: {  	_ =	shalt  }
0x82: {  	_ =	shalt  }
0x83: {  	_ =	shalt  }
0x84: {  	_ =	shalt  }
0x85: {  	_ =	shalt  }
0x86: {  	_ =	shalt  }
0x87: {  	_ =	shalt  }
.Lfunc_end0:
.L_simem_size_0:
called_computation_lowered:
.L_overlay_start_0:
0x88: {  	s2 =	sld [smem:$0x3FD9]  }
0x89: {  	s3 =	sld [smem:$0x3FFE];
	_ =	sdelay $0x1  }
0x8a: {  	s1 =	srdreg.scid  }
0x8b: {  	s0 =	sand.u32 $0x1, s1  }
0x8c: {  	s17 =	sshll.u32 s0, $0xA;
	s2 =	sadd.s32 s3, s2  }
0x8d: {  	s2 =	sadd.s32 s2, s17  }
0x8e: {  	[smem:$0x3FC0] =	sst s2  }
0x8f: {  	_ = 	snop  }
0x90: {  	s2 =	sld [smem:$0x3FD0];
	(tm) =	ssettm $0x1  }
0x91: {  	s18 =	sld [smem:$0x3FFB];
	_ =	sdelay $0x3  }
0x92: {  	_ =	strace s18  }
0x93: {  	s3 =	sld [smem:$0x3FFC];
	_ =	sdelay $0x3  }
0x94: {  	_ =	strace s3  }
0x95: {  	s3 =	sld [smem:$0x3FFD];
	_ =	sdelay $0x3  }
0x96: {  	_ =	strace s3  }
0x97: {  	_ =	strace $0x8FFFFFFF  }
0x98: {  	s19 =	sld [smem:$0x3FDB];
	_ =	sdelay $0x1  }
0x99: {  	s4 =	simm.s32 $_scs_section_size  }
0x9a: {  	s5 =	simm.s32 $_size__tile_overlayer_lowered;
	s6 =	simm.s32 $_tile_overlayer_lowered  }
0x9b: {  	s22 =	simm.s32 $0x1BFF;
	s21 =	sshll.u32 s6, $0x1;
	s3 =	sadd.s32 s4, s19  }
0x9c: {  	s7 =	simm.s32 $0x0;
	s20 =	sshll.u32 s5, $0x1;
	s5 =	sadd.s32 s21, s3  }
0x9d: {  	[timem:s7], [sflag:s22] =	dma.local [hbm:s5], s20  }
0x9e: {  	_ =	swait.ge [sflag:s22], s20  }
0x9f: {  	s4 =	ssub.s32 $0x0, s20;
	[sflag:s22] =	ssyncset.done $0x0  }
0xa0: {  	[sflag:s22] =	ssyncadd.s32 s4;
	_ =	sdelay $0x1  }
0xa1: {  	s23 =	simm.s32 $0x1B8B  }
0xa2: {  	_ =	swait.ge [sflag:s23], $0x1  }
0xa3: {  	[sflag:s23] =	ssyncset.done $0x0  }
0xa4: {  	s25 =	simm.s32 $0x1B8E;
	s24 =	sld [smem:$0x3FFE];
	[sflag:s23] =	ssyncadd.s32 $0xFFFFFFFF  }
0xa5: {  	s26 =	simm.s32 $execute0_lowered;
	[smem:$0x3FD2] =	sst s25  }
0xa6: {  	s5 =	sshll.u32 s26, $0x1;
	_ =	strace $0x80000046;
	[dreg:$0x1] =	wrdreg $0xFFFFFFFF  }
0xa7: {  	s28 =	simm.s32 $_size_execute0_lowered;
	s3 =	sadd.s32 s3, s5;
	[dreg:$0x0] =	wrdreg $0x0  }
0xa8: {  	s5 =	sshll.u32 s28, $0x1;
	[dreg:$0x2] =	wrdreg s3  }
0xa9: {  	[dreg:$0x3] =	wrdreg s5  }
0xaa: {  	[dreg:$0x4] =	wrdreg $0xC0  }
0xab: {  	_ =	task [dreg:s7], $0x5FFFF  }
0xac: {  	[dreg:$0x1] =	wrdreg $0xFFFFFFFF  }
0xad: {  	[dreg:$0x0] =	wrdreg $0x60  }
0xae: {  	[dreg:$0x2] =	wrdreg s24  }
0xaf: {  	[dreg:$0x3] =	wrdreg s2  }
0xb0: {  	[dreg:$0x4] =	wrdreg $0x0  }
0xb1: {  	[dreg:$0x5] =	wrdreg $0x9  }
0xb2: {  	_ =	task.clear_ibuf [dreg:s7], $0x6FFFF;
	_ =	strace $0x90000046  }
0xb3: {  	s29 =	simm.s32 $0x9;
	_ =	strace $0x80000048  }
0xb4: {  	_ =	swait.ge [sflag:s29], $0x1  }
0xb5: {  	[sflag:s29] =	ssyncadd.s32 $0xFFFFFFFF  }
0xb6: {  	_ =	strace $0x90000048  }
0xb7: {  	_ =	sfence  }
0xb8: {  	s30 =	sld [smem:$0x0];
	_ =	sdelay $0x2  }
0xb9: {  	s31 =	sshll.u32 s1, $0xD;
	s1 =	sshrl.u32 s1, $0x2  }
0xba: {  	s3 =	sand.u32 $0x4000, s31;
	s1 =	sadd.s32 s1, s30  }
0xbb: {  	s0 =	sor.u32 s3, s0;
	s1 =	sshll.u32 s1, $0x11  }
0xbc: {  	s0 =	sor.u32 s1, s0  }
0xbd: {  	s0 =	sadd.s32 $0x8F2B, s0  }
0xbe: {  	[sflag:s0] =	ssyncadd.remote.s32 $0x1  }
0xbf: {  	_ =	sfence.sel $0xFFFF  }
0xc0: {  	[dreg:$0x0] =	wrdreg $0xFFFFFFFF;
	(pc) =	sbr.abs _section_cstart, $3  }
0xc1: {  	[dreg:$0x1] =	wrdreg $0xFFFFFFFF  }
0xc2: {  	_ =	task.clear_ibuf [dreg:s7], $0x2FFFF;
	_ =	strace $0x9FFFFFFF  }
0xc3: {  	(tm) =	ssettm $0x7FFFFFFF  }
tec
execute0_lowered:
.L_overlay_start_1:
0x0: {  	(tag) =	ssettag $0x1  }
0x1: {  	s0 =	srdreg.scid  }
0x2: {  	s10 =	stileid.u32;
	s1 =	rddreg [dreg:$0x0]  }
0x3: {  	s2 =	rddreg [dreg:$0x1];
	s5 =	simm.s32 $0x0;
	s13 =	simm.s32 $0x8  }
0x4: {  	s16 =	simm.s32 $0x10;
	s11 =	simm.s32 $0x1A990;
	s21 =	simm.s32 $0x80  }
0x5: {  	s22 =	simm.s32 $0xC580;
	s28 =	simm.s32 $0x14580;
	s29 =	simm.s32 $0x1  }
0x6: {  	s30 =	simm.s32 $0x11580;
	s31 =	simm.s32 $0x14D80;
	s17 =	simm.s32 $0x3  }
0x7: {  	s20 =	simm.s32 $0x5;
	s23 =	simm.s32 $0x7;
	s24 =	simm.s32 $0x6  }
0x8: {  	s0 =	sand.u32 $0x1, s0;
	s3 =	sshll.u32 s10, $0x1;
	s6 =	smul.u32 $0xC580, s10  }
0x9: {  	[smem:$0x7FF] =	sst s5;
	s5 =	sadd.s32 $0x1200, s1;
	s25 =	sshll.u32 s10, $0x6  }
0xa: {  	s10 =	simm.s32 $0x15580;
	s4 =	sor.u32 s0, s3;
	s3 =	rddreg [dreg:$0x2]  }
0xb: {  	s7 =	smul.u32 $0xC5800, s0;
	_ =	strace $0x80000047;
	s0 =	ssub.s32 $0x2, s0  }
0xc: {  	s4 =	smul.u32 $0x2710, s4;
	s8 =	sshrl.u32 s6, $0x3;
	s9 =	sshrl.u32 s0, $0x1  }
0xd: {  	s7 =	sadd.s32 s6, s7;
	s8 =	sadd.s32 s8, s1;
	s0 =	ssub.s32 s0, s9  }
0xe: {  	s6 =	sadd.s32 s6, s3;
	s4 =	sshrl.u32 s4, $0x3;
	s7 =	sshrl.u32 s7, $0x3  }
0xf: {  	s8 =	sadd.s32 $0x2D400, s8;
	s0 =	smax.u32 s0, $0x1;
	s12 =	sshrl.u32 s6, $0x3  }
0x10: {  	s4 =	sadd.s32 s4, s1;
	s1 =	sadd.s32 s7, s1;
	[dreg:$0x4] =	wrdreg s8  }
0x11: {  	s7 =	sor.u32 $0x1C08, s25;
	[dreg:$0x8] =	wrdreg s0;
	s26 =	sadd.s32 $0x19A00, s4  }
0x12: {  	v0 =	vlaneseq.u32;
	s25 =	simm.s32 $0xED80;
	s4 =	sadd.s32 $0x23640, s4;
	[dreg:$0x5] =	wrdreg s26  }
0x13: {  	v0 =	vshrl.u32 v0, $0x3;
	s0 =	simm.s32 $0x4;
	s1 =	sadd.s32 $0x46000, s1;
	[dreg:$0x6] =	wrdreg s4  }
0x14: {  	v1 =	vor.u32 $0x2, v0;
	v2 =	vor.u32 $0x4, v0;
	v3 =	vor.u32 $0x6, v0;
	[dreg:$0x7] =	wrdreg s1;
	s1 =	simm.s32 $0x2;
	s26 =	simm.s32 $0x0  }
.LBB2_1:
0x15: {  	s4 =	rddreg [dreg:$0x4]  }
0x16: {  	[spmem:s12], [sflag:s7] =	dma.local [hbm:s4], $0x18B0  }
0x17: {  	_ =	swait.ge [sflag:s13], $0x18B0  }
0x18: {  	s18 =	simm.s32 $0x0;
	[sflag:s13] =	ssyncset.done $0x0  }
0x19: {  	s8 =	simm.s32 $0x15B80;
	s6 =	rddreg [dreg:$0x5];
	[sflag:s13] =	ssyncadd.s32 $0xFFFFE750  }
0x1a: {  	[tilespmem:s8], [sflag:$0x8] =	stream.linear.gather [hbm4b:s6+s18], $0x2710, $0x38;
	[tilespmem:$0x1A9A0] =	vst v63  }
0x1b: {  	_ =	swait.ge [sflag:s13], $0x2710  }
0x1c: {  	[sflag:s13] =	ssyncset.done $0x0  }
0x1d: {  	s9 =	simm.s32 $0x18290;
	s19 =	rddreg [dreg:$0x6];
	[sflag:s13] =	ssyncadd.s32 $0xFFFFD8F0  }
0x1e: {  	[tilespmem:s9], [sflag:$0x8] =	stream.linear.gather [hbm4b:s19+s18], $0x2710, $0x38;
	[tilespmem:$0x1A9A0] =	vst v63  }
0x1f: {  	_ =	swait.ge [sflag:s13], $0x2710  }
0x20: {  	[sflag:s13] =	ssyncset.done $0x0  }
0x21: {  	[sflag:s13] =	ssyncadd.s32 $0xFFFFD8F0  }
0x22: {  	s6 =	simm.s32 $0x18280;
	[bflag:$0x0] =	sbarrier.arrive $0xFFFF  }
0x23: {  	[tilespmem:s10], [sflag:$0x7] =	stream.indirect.gather [hbm4b:s5+s16], $0x50, s6, s16, $0xb8;
	[tilespmem:$0x1A9A0] =	vst v63  }
0x24: {  	s14 =	simm.s32 $0x15A80  }
0x25: {  	[tilespmem:s14], [sflag:$0x7] =	stream.indirect.gather [hbm4b:s2+s16], $0x10, s11, s16, $0xb8;
	[tilespmem:$0x1A9A0] =	vst v63  }
0x26: {  	_ = 	snop  }
0x27: {  	[tilespmem:s22], [sflag:$0x1] =	stream.indirect.gather [hbm4b:s5+s21], $0x50, s8, s21, $0xb8;
	[tilespmem:$0x1A9A0] =	vst v63  }
0x28: {  	s15 =	simm.s32 $0x13D80  }
0x29: {  	[tilespmem:s15], [sflag:$0x1] =	stream.indirect.gather [hbm4b:s2+s21], $0x10, s9, s21, $0xb8;
	[tilespmem:$0x1A9A0] =	vst v63  }
0x2a: {  	s18 =	simm.s32 $0x15C00  }
0x2b: {  	[tilespmem:s25], [sflag:$0x2] =	stream.indirect.gather [hbm4b:s5+s21], $0x50, s18, s21, $0xb8;
	[tilespmem:$0x1A9A0] =	vst v63  }
0x2c: {  	s19 =	simm.s32 $0x18310;
	s14 =	simm.s32 $0x0  }
0x2d: {  	[tilespmem:s28], [sflag:$0x2] =	stream.indirect.gather [hbm4b:s2+s21], $0x10, s19, s21, $0xb8;
	[tilespmem:$0x1A9A0] =	vst v63  }
.LBB2_2:
0x2e: {  	_ =	swait.ge [sflag:s29], $0x2800  }
0x2f: {  	[sflag:s29] =	ssyncset.done $0x0  }
0x30: {  	[sflag:s29] =	ssyncadd.s32 $0xFFFFD800  }
0x31: {  	_ =	swait.ge [sflag:s29], $0x800  }
0x32: {  	[sflag:s29] =	ssyncset.done $0x0  }
0x33: {  	s15 =	simm.s32 $0xC6C0;
	[sflag:s29] =	ssyncadd.s32 $0xFFFFF800  }
0x34: {  	s4 =	simm.s32 $0x13DC0;
	v4 =	vld [tilespmem:s15+$0x130]  }
0x35: {  	v5 =	vld [tilespmem:s4+$0x30]  }
0x36: {  	v6 =	vld [tilespmem:s4+$0xFFFFFFC0]  }
0x37: {  	v7 =	vld [tilespmem:s15+$0xFFFFFF50]  }
0x38: {  	v8 =	vld [tilespmem:s4+$0xFFFFFFD0]  }
0x39: {  	v9 =	vld [tilespmem:s15+$0xFFFFFFA0]  }
0x3a: {  	v10 =	vld [tilespmem:s4+$0xFFFFFFE0]  }
0x3b: {  	v11 =	vld [tilespmem:s4+$0xFFFFFFF0]  }
0x3c: {  	v4 =	vadd.f32 v5, v4;
	v5 =	vld [tilespmem:s15+$0xFFFFFFF0]  }
0x3d: {  	v13 =	vld [tilespmem:s15+$0x40]  }
0x3e: {  	v14 =	vld [tilespmem:s4+$0x0];
	v7 =	vadd.f32 v8, v7;
	v12 =	vmul.f32 $2.000000030e-01, v4  }
0x3f: {  	v8 =	vld [tilespmem:s15+$0x90]  }
0x40: {  	v9 =	vadd.f32 v10, v9;
	v10 =	vld [tilespmem:s4+$0x10];
	v4 =	vmax.f32 v4, v12;
	v12 =	vmul.f32 $2.000000030e-01, v7  }
0x41: {  	v4 =	vmul.f32 $1.442695020e+00, v4;
	v5 =	vadd.f32 v11, v5;
	v11 =	vld [tilespmem:s15+$0xE0]  }
0x42: {  	v7 =	vmax.f32 v7, v12;
	v12 =	vld [tilespmem:s15+$0xFFFFFF00]  }
0x43: {  	v13 =	vadd.f32 v14, v13;
	v15 =	vmul.f32 $2.000000030e-01, v9;
	(erf) = vpow2.f32 v4;
	v4 =	vld [tilespmem:s4+$0x20]  }
0x44: {  	v16 =	vmul.f32 $2.000000030e-01, v5;
	v7 =	vmul.f32 $1.442695020e+00, v7  }
0x45: {  	v25 =	vld [tilespmem:s15+$0xFFFFFEC0];
	v14 =	vmul.f32 $2.000000030e-01, v13;
	v9 =	vmax.f32 v9, v15;
	v8 =	vadd.f32 v10, v8  }
0x46: {  	v36 =	vld [tilespmem:s15+$0xFFFFFED0];
	v9 =	vmul.f32 $1.442695020e+00, v9;
	v5 =	vmax.f32 v5, v16;
	(erf) = vpow2.f32 v7  }
0x47: {  	v39 =	vld [tilespmem:s15+$0xFFFFFEE0];
	v10 =	vmul.f32 $2.000000030e-01, v8;
	v5 =	vmul.f32 $1.442695020e+00, v5;
	v6 =	vadd.f32 v6, v12  }
0x48: {  	v40 =	vld [tilespmem:s15+$0xFFFFFEF0];
	v7 =	vmax.f32 v13, v14;
	(erf) = vpow2.f32 v9;
	v4 =	vadd.f32 v4, v11  }
0x49: {  	v42 =	vld [tilespmem:s15+$0xFFFFFF10];
	(erf) = vpow2.f32 v5;
	v5 =	vmax.f32 v8, v10;
	v10 =	vmul.f32 $2.000000030e-01, v6  }
0x4a: {  	v7 =	vmul.f32 $1.442695020e+00, v7;
	v9 =	vld [tilespmem:s15+$0x120];
	v8 =	vmul.f32 $2.000000030e-01, v4  }
0x4b: {  	v43 =	vld [tilespmem:s15+$0xFFFFFF20];
	v5 =	vmul.f32 $1.442695020e+00, v5;
	v6 =	vmax.f32 v6, v10  }
0x4c: {  	v45 =	vld [tilespmem:s15+$0xFFFFFF30];
	v44 =	vpop (erf);
	(erf) = vpow2.f32 v7;
	v4 =	vmax.f32 v4, v8;
	v6 =	vmul.f32 $1.442695020e+00, v6  }
0x4d: {  	v46 =	vld [tilespmem:s15+$0xFFFFFF40];
	v7 =	vperm.xlane v44, v3;
	v8 =	vmul.f32 $1.442695020e+00, v4  }
0x4e: {  	v51 =	vld [tilespmem:s15+$0xFFFFFF60];
	(erf) = vpow2.f32 v5;
	v4 =	vperm.xlane v44, v0  }
0x4f: {  	v52 =	vld [tilespmem:s15+$0xFFFFFF70];
	v5 =	vperm.xlane v44, v1;
	v28 =	vpop (erf);
	v27 =	vmul.f32 v9, v7  }
0x50: {  	v53 =	vld [tilespmem:s15+$0xFFFFFF80];
	(erf) = vpow2.f32 v8;
	v47 =	vperm.xlane v28, v0  }
0x51: {  	v17 =	vld [tilespmem:s15+$0x10];
	v48 =	vperm.xlane v28, v1;
	v54 =	vperm.xlane v28, v2  }
0x52: {  	v22 =	vld [tilespmem:s15+$0x20];
	v32 =	vpop (erf);
	v55 =	vperm.xlane v28, v3;
	(erf) = vpow2.f32 v6  }
0x53: {  	v26 =	vld [tilespmem:s15+$0x30];
	v56 =	vperm.xlane v32, v0;
	v57 =	vperm.xlane v32, v1  }
0x54: {  	v29 =	vld [tilespmem:s15+$0x50];
	v58 =	vperm.xlane v32, v2;
	v16 =	vperm.xlane v32, v3;
	v11 =	vpop (erf)  }
0x55: {  	v31 =	vld [tilespmem:s15+$0x60];
	v23 =	vperm.xlane v11, v0;
	v13 =	vperm.xlane v11, v1  }
0x56: {  	v37 =	vld [tilespmem:s15+$0x70];
	[tilespmem:s15+$0xFFFFFFF0] =	vst v11;
	v20 =	vperm.xlane v11, v2;
	v11 =	vperm.xlane v11, v3;
	v15 =	vpop (erf)  }
0x57: {  	v35 =	vld [tilespmem:s15+$0x80];
	v21 =	vperm.xlane v15, v0;
	v14 =	vperm.xlane v15, v1  }
0x58: {  	v38 =	vld [tilespmem:s15+$0xA0];
	[tilespmem:s15+$0x40] =	vst v15;
	v30 =	vpop (erf);
	v19 =	vperm.xlane v15, v2;
	v15 =	vperm.xlane v15, v3  }
0x59: {  	v12 =	vld [tilespmem:s15+$0x0];
	[tilespmem:s15+$0xFFFFFF50] =	vst v28;
	v24 =	vperm.xlane v30, v0;
	v18 =	vperm.xlane v30, v1  }
0x5a: {  	v10 =	vld [tilespmem:s15+$0xFFFFFFE0];
	[tilespmem:s15+$0x90] =	vst v30;
	v33 =	vperm.xlane v30, v2;
	v30 =	vperm.xlane v30, v3;
	v41 =	vpop (erf)  }
0x5b: {  	v7 =	vld [tilespmem:s15+$0xFFFFFFC0];
	[tilespmem:s15+$0xFFFFFFA0] =	vst v32;
	v34 =	vperm.xlane v41, v0;
	v28 =	vperm.xlane v41, v1  }
0x5c: {  	v8 =	vld [tilespmem:s15+$0xFFFFFF90];
	[tilespmem:s15+$0x120] =	vst v27;
	v49 =	vpop (erf);
	v32 =	vperm.xlane v41, v2;
	v27 =	vperm.xlane v41, v3  }
0x5d: {  	v9 =	vld [tilespmem:s15+$0xFFFFFFD0];
	v50 =	vperm.xlane v49, v0;
	v59 =	vperm.xlane v49, v1  }
0x5e: {  	v6 =	vld [tilespmem:s15+$0xFFFFFFB0];
	[tilespmem:s15+$0xE0] =	vst v41;
	v60 =	vperm.xlane v49, v2;
	v61 =	vperm.xlane v49, v3  }
0x5f: {  	v41 =	vld [tilespmem:s15+$0xB0];
	[tilespmem:s15+$0xFFFFFF00] =	vst v49;
	v49 =	vmul.f32 v43, v48;
	v50 =	vmul.f32 v25, v50  }
0x60: {  	[tilespmem:s15+$0x130] =	vst v44;
	v43 =	vld [tilespmem:s15+$0x110];
	v25 =	vperm.xlane v44, v2;
	v44 =	vmul.f32 v36, v59  }
0x61: {  	v48 =	vmul.f32 v46, v55;
	v59 =	vmul.f32 v39, v60;
	v36 =	vld [tilespmem:s15+$0xC0];
	[tilespmem:s15+$0xFFFFFEC0] =	vst v50  }
0x62: {  	v46 =	vmul.f32 v52, v57;
	v60 =	vmul.f32 v40, v61;
	v39 =	vld [tilespmem:s15+$0xD0];
	[tilespmem:s15+$0xFFFFFED0] =	vst v44  }
0x63: {  	v40 =	vld [tilespmem:s15+$0xF0];
	v50 =	vmul.f32 v42, v47;
	v47 =	vmul.f32 v45, v54;
	[tilespmem:s15+$0xFFFFFEE0] =	vst v59  }
0x64: {  	s18 =	simm.s32 $0x0;
	s6 =	simm.s32 $0xC940;
	v45 =	vmul.f32 v51, v56;
	v42 =	vld [tilespmem:s15+$0x100];
	[tilespmem:s15+$0xFFFFFEF0] =	vst v60;
	v44 =	vmul.f32 v53, v58  }
.LBB2_3:
0x65: {  	v51 =	vld [tilespmem:s6+$0x130];
	[tilespmem:s15+$0xFFFFFF10] =	vst v50;
	v8 =	vmul.f32 v8, v16;
	v6 =	vmul.f32 v6, v23;
	s4 =	sadd.s32 $0x80, s4  }
0x66: {  	s18 =	sadd.s32 $0x8, s18;
	v7 =	vmul.f32 v7, v13;
	v9 =	vmul.f32 v9, v20;
	v16 =	vld [tilespmem:s4+$0x30];
	[tilespmem:s15+$0xFFFFFF20] =	vst v49  }
0x67: {  	v10 =	vmul.f32 v10, v11;
	v11 =	vmul.f32 v12, v21;
	p0 =	slt.u32 s18, $0x78;
	v13 =	vld [tilespmem:s4+$0xFFFFFFC0];
	[tilespmem:s15+$0xFFFFFF30] =	vst v47  }
0x68: {  	v14 =	vmul.f32 v17, v14;
	v17 =	vmul.f32 v22, v19;
	v12 =	vld [tilespmem:s6+$0xFFFFFF50];
	[tilespmem:s15+$0xFFFFFF40] =	vst v48  }
0x69: {  	v15 =	vmul.f32 v26, v15;
	v20 =	vmul.f32 v29, v24;
	v19 =	vld [tilespmem:s4+$0xFFFFFFD0];
	[tilespmem:s15+$0xFFFFFF60] =	vst v45  }
0x6a: {  	v18 =	vmul.f32 v31, v18;
	v22 =	vmul.f32 v37, v33;
	v21 =	vld [tilespmem:s6+$0xFFFFFFA0];
	[tilespmem:s15+$0xFFFFFF70] =	vst v46  }
0x6b: {  	v24 =	vmul.f32 v35, v30;
	v26 =	vmul.f32 v38, v34;
	v23 =	vld [tilespmem:s4+$0xFFFFFFE0];
	v16 =	vadd.f32 v16, v51;
	[tilespmem:s15+$0xFFFFFF80] =	vst v44  }
0x6c: {  	v29 =	vld [tilespmem:s6+$0xFFFFFFF0];
	[tilespmem:s15+$0xFFFFFF90] =	vst v8;
	v8 =	vmul.f32 v41, v28;
	v28 =	vmul.f32 v36, v32  }
0x6d: {  	v30 =	vld [tilespmem:s4+$0xFFFFFFF0];
	v31 =	vmul.f32 $2.000000030e-01, v16;
	[tilespmem:s15+$0xFFFFFFB0] =	vst v6;
	v6 =	vmul.f32 v39, v27  }
0x6e: {  	v4 =	vmul.f32 v40, v4;
	v5 =	vmul.f32 v42, v5;
	v12 =	vadd.f32 v19, v12;
	v19 =	vld [tilespmem:s6+$0x40];
	[tilespmem:s15+$0xFFFFFFC0] =	vst v7  }
0x6f: {  	v7 =	vld [tilespmem:s4+$0x0];
	v16 =	vmax.f32 v16, v31;
	[tilespmem:s15+$0xFFFFFFD0] =	vst v9;
	v9 =	vmul.f32 v43, v25  }
0x70: {  	v25 =	vmul.f32 $2.000000030e-01, v12;
	v21 =	vadd.f32 v23, v21;
	v23 =	vld [tilespmem:s6+$0x90];
	v16 =	vmul.f32 $1.442695020e+00, v16;
	[tilespmem:s15+$0xFFFFFFE0] =	vst v10  }
0x71: {  	v10 =	vld [tilespmem:s4+$0x10];
	[tilespmem:s15+$0x0] =	vst v11  }
0x72: {  	v11 =	vmul.f32 $2.000000030e-01, v21;
	v27 =	vadd.f32 v30, v29;
	v29 =	vld [tilespmem:s6+$0xE0];
	(erf) = vpow2.f32 v16;
	[tilespmem:s15+$0x10] =	vst v14  }
0x73: {  	v12 =	vmax.f32 v12, v25;
	v14 =	vld [tilespmem:s4+$0x20];
	[tilespmem:s15+$0x20] =	vst v17  }
0x74: {  	v16 =	vld [tilespmem:s6+$0xFFFFFF00];
	v11 =	vmax.f32 v21, v11;
	v17 =	vmul.f32 $2.000000030e-01, v27;
	v7 =	vadd.f32 v7, v19;
	[tilespmem:s15+$0x30] =	vst v15  }
0x75: {  	v12 =	vmul.f32 $1.442695020e+00, v12;
	v25 =	vld [tilespmem:s6+$0xFFFFFEC0];
	v11 =	vmul.f32 $1.442695020e+00, v11;
	[tilespmem:s15+$0x50] =	vst v20  }
0x76: {  	v36 =	vld [tilespmem:s6+$0xFFFFFED0];
	v15 =	vmax.f32 v27, v17;
	v17 =	vmul.f32 $2.000000030e-01, v7;
	v10 =	vadd.f32 v10, v23;
	[tilespmem:s15+$0x60] =	vst v18  }
0x77: {  	v39 =	vld [tilespmem:s6+$0xFFFFFEE0];
	v15 =	vmul.f32 $1.442695020e+00, v15;
	(erf) = vpow2.f32 v12;
	[tilespmem:s15+$0x70] =	vst v22  }
0x78: {  	v40 =	vld [tilespmem:s6+$0xFFFFFEF0];
	v7 =	vmax.f32 v7, v17;
	v12 =	vmul.f32 $2.000000030e-01, v10;
	v14 =	vadd.f32 v14, v29;
	[tilespmem:s15+$0x80] =	vst v24  }
0x79: {  	v13 =	vadd.f32 v13, v16;
	v7 =	vmul.f32 $1.442695020e+00, v7;
	v16 =	vld [tilespmem:s6+$0x120];
	(erf) = vpow2.f32 v11;
	[tilespmem:s15+$0xA0] =	vst v26  }
0x7a: {  	v42 =	vld [tilespmem:s6+$0xFFFFFF10];
	v10 =	vmax.f32 v10, v12;
	v11 =	vmul.f32 $2.000000030e-01, v14;
	(erf) = vpow2.f32 v15;
	[tilespmem:s15+$0xB0] =	vst v8  }
0x7b: {  	v8 =	vmul.f32 $2.000000030e-01, v13;
	v43 =	vld [tilespmem:s6+$0xFFFFFF20];
	v10 =	vmul.f32 $1.442695020e+00, v10;
	v44 =	vpop (erf);
	[tilespmem:s15+$0xC0] =	vst v28  }
0x7c: {  	v45 =	vld [tilespmem:s6+$0xFFFFFF30];
	v11 =	vmax.f32 v14, v11;
	v12 =	vperm.xlane v44, v3;
	(erf) = vpow2.f32 v7;
	[tilespmem:s15+$0xD0] =	vst v6  }
0x7d: {  	v6 =	vmax.f32 v13, v8;
	v46 =	vld [tilespmem:s6+$0xFFFFFF40];
	v7 =	vmul.f32 $1.442695020e+00, v11;
	(erf) = vpow2.f32 v10;
	[tilespmem:s15+$0xF0] =	vst v4  }
0x7e: {  	v10 =	vmul.f32 $1.442695020e+00, v6;
	v51 =	vld [tilespmem:s6+$0xFFFFFF60];
	v8 =	vmul.f32 v16, v12;
	[tilespmem:s15+$0x100] =	vst v5  }
0x7f: {  	v4 =	vperm.xlane v44, v0;
	v52 =	vld [tilespmem:s6+$0xFFFFFF70];
	(erf) = vpow2.f32 v7;
	[tilespmem:s15+$0x110] =	vst v9;
	s15 =	smov.u32 s6  }
0x80: {  	v5 =	vperm.xlane v44, v1;
	v53 =	vld [tilespmem:s6+$0xFFFFFF80];
	[tilespmem:s6+$0x120] =	vst v8;
	(erf) = vpow2.f32 v10;
	v6 =	vpop (erf)  }
0x81: {  	[tilespmem:s6+$0xFFFFFF50] =	vst v6;
	v47 =	vperm.xlane v6, v0;
	v48 =	vperm.xlane v6, v1;
	v8 =	vld [tilespmem:s6+$0xFFFFFF90]  }
0x82: {  	v54 =	vperm.xlane v6, v2;
	v55 =	vperm.xlane v6, v3;
	v6 =	vld [tilespmem:s6+$0xFFFFFFB0];
	[tilespmem:s6+$0x130] =	vst v44;
	v9 =	vpop (erf)  }
0x83: {  	[tilespmem:s6+$0xFFFFFFA0] =	vst v9;
	v56 =	vperm.xlane v9, v0;
	v57 =	vperm.xlane v9, v1;
	v7 =	vld [tilespmem:s6+$0xFFFFFFC0];
	v11 =	vpop (erf)  }
0x84: {  	v58 =	vperm.xlane v9, v2;
	v16 =	vperm.xlane v9, v3;
	[tilespmem:s6+$0xFFFFFFF0] =	vst v11;
	v9 =	vld [tilespmem:s6+$0xFFFFFFD0]  }
0x85: {  	v23 =	vperm.xlane v11, v0;
	v13 =	vperm.xlane v11, v1;
	v10 =	vld [tilespmem:s6+$0xFFFFFFE0];
	v15 =	vpop (erf)  }
0x86: {  	v20 =	vperm.xlane v11, v2;
	v11 =	vperm.xlane v11, v3;
	[tilespmem:s6+$0x40] =	vst v15;
	v12 =	vld [tilespmem:s6+$0x0];
	v27 =	vpop (erf)  }
0x87: {  	v21 =	vperm.xlane v15, v0;
	v14 =	vperm.xlane v15, v1;
	v17 =	vld [tilespmem:s6+$0x10];
	[tilespmem:s6+$0x90] =	vst v27  }
0x88: {  	v19 =	vperm.xlane v15, v2;
	v15 =	vperm.xlane v15, v3;
	v22 =	vld [tilespmem:s6+$0x20];
	v41 =	vpop (erf)  }
0x89: {  	v24 =	vperm.xlane v27, v0;
	v18 =	vperm.xlane v27, v1;
	v26 =	vld [tilespmem:s6+$0x30];
	[tilespmem:s6+$0xE0] =	vst v41;
	v28 =	vpop (erf)  }
0x8a: {  	[tilespmem:s6+$0xFFFFFF00] =	vst v28;
	v49 =	vperm.xlane v28, v0;
	v50 =	vperm.xlane v28, v1;
	v29 =	vld [tilespmem:s6+$0x50]  }
0x8b: {  	v59 =	vperm.xlane v28, v2;
	v60 =	vperm.xlane v28, v3;
	v31 =	vld [tilespmem:s6+$0x60]  }
0x8c: {  	v33 =	vperm.xlane v27, v2;
	v30 =	vperm.xlane v27, v3;
	v37 =	vld [tilespmem:s6+$0x70]  }
0x8d: {  	v34 =	vperm.xlane v41, v0;
	v28 =	vperm.xlane v41, v1;
	v35 =	vld [tilespmem:s6+$0x80]  }
0x8e: {  	v32 =	vperm.xlane v41, v2;
	v27 =	vperm.xlane v41, v3;
	v38 =	vld [tilespmem:s6+$0xA0]  }
0x8f: {  	v49 =	vmul.f32 v25, v49;
	v25 =	vperm.xlane v44, v2;
	v41 =	vld [tilespmem:s6+$0xB0]  }
.Ltmp0:
0x90: {  	v44 =	vmul.f32 v36, v50;
	v59 =	vmul.f32 v39, v59;
	v36 =	vld [tilespmem:s6+$0xC0];
	(pc) =	sbr.rel @p0 .LBB2_3-.Ltmp0, $4  }
0x91: {  	v60 =	vmul.f32 v40, v60;
	v50 =	vmul.f32 v42, v47;
	[tilespmem:s6+$0xFFFFFEC0] =	vst v49;
	v39 =	vld [tilespmem:s6+$0xD0]  }
0x92: {  	v47 =	vmul.f32 v45, v54;
	v49 =	vmul.f32 v43, v48;
	[tilespmem:s6+$0xFFFFFED0] =	vst v44;
	v40 =	vld [tilespmem:s6+$0xF0]  }
0x93: {  	v45 =	vmul.f32 v51, v56;
	v48 =	vmul.f32 v46, v55;
	[tilespmem:s6+$0xFFFFFEE0] =	vst v59;
	v42 =	vld [tilespmem:s6+$0x100]  }
0x94: {  	v46 =	vmul.f32 v52, v57;
	v44 =	vmul.f32 v53, v58;
	s6 =	sadd.s32 $0x280, s6;
	[tilespmem:s15+$0xFFFFFEF0] =	vst v60;
	v43 =	vld [tilespmem:s15+$0x110]  }
0x95: {  	[tilespmem:s15+$0xFFFFFF10] =	vst v50  }
0x96: {  	[tilespmem:s15+$0xFFFFFF20] =	vst v49  }
0x97: {  	[tilespmem:s15+$0xFFFFFF30] =	vst v47  }
0x98: {  	[tilespmem:s15+$0xFFFFFF40] =	vst v48  }
0x99: {  	[tilespmem:s15+$0xFFFFFF60] =	vst v45  }
0x9a: {  	v8 =	vmul.f32 v8, v16;
	[tilespmem:s15+$0xFFFFFF70] =	vst v46  }
0x9b: {  	v6 =	vmul.f32 v6, v23;
	[tilespmem:s15+$0xFFFFFF80] =	vst v44  }
0x9c: {  	v7 =	vmul.f32 v7, v13;
	[tilespmem:s15+$0xFFFFFF90] =	vst v8  }
0x9d: {  	v8 =	vmul.f32 v9, v20;
	[tilespmem:s15+$0xFFFFFFB0] =	vst v6  }
0x9e: {  	v6 =	vmul.f32 v10, v11;
	[tilespmem:s15+$0xFFFFFFC0] =	vst v7  }
0x9f: {  	v7 =	vmul.f32 v12, v21;
	[tilespmem:s15+$0xFFFFFFD0] =	vst v8  }
0xa0: {  	v4 =	vmul.f32 v40, v4;
	[tilespmem:s15+$0xFFFFFFE0] =	vst v6  }
0xa1: {  	v5 =	vmul.f32 v42, v5;
	[tilespmem:s15+$0x0] =	vst v7  }
0xa2: {  	v8 =	vmul.f32 v17, v14;
	[tilespmem:s15+$0xF0] =	vst v4  }
0xa3: {  	v6 =	vmul.f32 v22, v19;
	[tilespmem:s15+$0x100] =	vst v5  }
0xa4: {  	v7 =	vmul.f32 v26, v15;
	[tilespmem:s15+$0x10] =	vst v8  }
0xa5: {  	v8 =	vmul.f32 v29, v24;
	[tilespmem:s15+$0x20] =	vst v6  }
0xa6: {  	v6 =	vmul.f32 v31, v18;
	[tilespmem:s15+$0x30] =	vst v7  }
0xa7: {  	v7 =	vmul.f32 v37, v33;
	[tilespmem:s15+$0x50] =	vst v8  }
0xa8: {  	v8 =	vmul.f32 v35, v30;
	[tilespmem:s15+$0x60] =	vst v6  }
0xa9: {  	v6 =	vmul.f32 v38, v34;
	[tilespmem:s15+$0x70] =	vst v7  }
0xaa: {  	v7 =	vmul.f32 v41, v28;
	[tilespmem:s15+$0x80] =	vst v8  }
0xab: {  	[tilespmem:s15+$0xA0] =	vst v6;
	v6 =	vmul.f32 v39, v27  }
0xac: {  	s4 =	smul.u32 $0x600, s14;
	v8 =	vmul.f32 v36, v32;
	[tilespmem:s15+$0xB0] =	vst v7  }
0xad: {  	[tilespmem:s15+$0xD0] =	vst v6;
	v6 =	vmul.f32 v43, v25  }
0xae: {  	p0 =	seq.s32 s14, $0x0;
	s4 =	sshra.s32 s4, $0x2;
	[tilespmem:s15+$0xC0] =	vst v8  }
0xaf: {  	s18 =	smul.u32 $0x3, s14;
	s8 =	simm.s32 @!p0 $0x6;
	s6 =	sadd.s32 $0x18290, s4;
	[tilespmem:s15+$0x110] =	vst v6  }
0xb0: {  	[spmem:s3] =	stream.indirect.scatter.add.f32 [tilespmem:s22], [sflag:$0x4], $0x50, s6, s21, $0xb8;
	[tilespmem:$0x1A9A0] =	vst v63  }
0xb1: {  	s6 =	sadd.s32 $0x2, s18;
	_ =	swait.ge @!p0 [sflag:s8], $0x2800  }
0xb2: {  	s15 =	sshll.u32 s6, $0x7;
	[sflag:s8] =	ssyncset.done @!p0 $0x0  }
0xb3: {  	s6 =	sadd.s32 $0x15B80, s15;
	[sflag:s8] =	ssyncadd.s32 @!p0 $0xFFFFD800  }
0xb4: {  	[tilespmem:s30], [sflag:$0x3] =	stream.indirect.gather [hbm4b:s5+s21], $0x50, s6, s21, $0xb8;
	[tilespmem:$0x1A9A0] =	vst v63  }
0xb5: {  	s19 =	sadd.s32 $0x18290, s15  }
0xb6: {  	[tilespmem:s31], [sflag:$0x3] =	stream.indirect.gather [hbm4b:s2+s21], $0x10, s19, s21, $0xb8;
	[tilespmem:$0x1A9A0] =	vst v63  }
0xb7: {  	_ =	swait.ge [sflag:s1], $0x2800  }
0xb8: {  	[sflag:s1] =	ssyncset.done $0x0  }
0xb9: {  	[sflag:s1] =	ssyncadd.s32 $0xFFFFD800  }
0xba: {  	_ =	swait.ge [sflag:s1], $0x800  }
0xbb: {  	[sflag:s1] =	ssyncset.done $0x0  }
0xbc: {  	s18 =	simm.s32 $0xEFF0;
	[sflag:s1] =	ssyncadd.s32 $0xFFFFF800  }
0xbd: {  	s19 =	simm.s32 $0x145F0;
	v4 =	vld [tilespmem:s18+$0x0]  }
0xbe: {  	v5 =	vld [tilespmem:s19+$0x0]  }
0xbf: {  	v6 =	vld [tilespmem:s19+$0xFFFFFF90]  }
0xc0: {  	v7 =	vld [tilespmem:s18+$0xFFFFFE20]  }
0xc1: {  	v8 =	vld [tilespmem:s19+$0xFFFFFFA0]  }
0xc2: {  	v9 =	vld [tilespmem:s18+$0xFFFFFE70]  }
0xc3: {  	v10 =	vld [tilespmem:s19+$0xFFFFFFB0]  }
0xc4: {  	v11 =	vld [tilespmem:s19+$0xFFFFFFC0]  }
0xc5: {  	v4 =	vadd.f32 v5, v4;
	v5 =	vld [tilespmem:s18+$0xFFFFFEC0]  }
0xc6: {  	v13 =	vld [tilespmem:s18+$0xFFFFFF10]  }
0xc7: {  	v14 =	vld [tilespmem:s19+$0xFFFFFFD0];
	v7 =	vadd.f32 v8, v7;
	v12 =	vmul.f32 $2.000000030e-01, v4  }
0xc8: {  	v8 =	vld [tilespmem:s18+$0xFFFFFF60]  }
0xc9: {  	v9 =	vadd.f32 v10, v9;
	v10 =	vld [tilespmem:s19+$0xFFFFFFE0];
	v4 =	vmax.f32 v4, v12;
	v12 =	vmul.f32 $2.000000030e-01, v7  }
0xca: {  	v4 =	vmul.f32 $1.442695020e+00, v4;
	v5 =	vadd.f32 v11, v5;
	v11 =	vld [tilespmem:s18+$0xFFFFFFB0]  }
0xcb: {  	v7 =	vmax.f32 v7, v12;
	v12 =	vld [tilespmem:s18+$0xFFFFFDD0]  }
0xcc: {  	v13 =	vadd.f32 v14, v13;
	v15 =	vmul.f32 $2.000000030e-01, v9;
	(erf) = vpow2.f32 v4;
	v4 =	vld [tilespmem:s19+$0xFFFFFFF0]  }
0xcd: {  	v16 =	vmul.f32 $2.000000030e-01, v5;
	v7 =	vmul.f32 $1.442695020e+00, v7  }
0xce: {  	v26 =	vld [tilespmem:s18+$0xFFFFFD90];
	v14 =	vmul.f32 $2.000000030e-01, v13;
	v9 =	vmax.f32 v9, v15;
	v8 =	vadd.f32 v10, v8  }
0xcf: {  	v36 =	vld [tilespmem:s18+$0xFFFFFDA0];
	v9 =	vmul.f32 $1.442695020e+00, v9;
	v5 =	vmax.f32 v5, v16;
	(erf) = vpow2.f32 v7  }
0xd0: {  	v39 =	vld [tilespmem:s18+$0xFFFFFDB0];
	v10 =	vmul.f32 $2.000000030e-01, v8;
	v5 =	vmul.f32 $1.442695020e+00, v5;
	v6 =	vadd.f32 v6, v12  }
0xd1: {  	v40 =	vld [tilespmem:s18+$0xFFFFFDC0];
	v7 =	vmax.f32 v13, v14;
	(erf) = vpow2.f32 v9;
	v4 =	vadd.f32 v4, v11  }
0xd2: {  	v42 =	vld [tilespmem:s18+$0xFFFFFDE0];
	(erf) = vpow2.f32 v5;
	v5 =	vmax.f32 v8, v10;
	v10 =	vmul.f32 $2.000000030e-01, v6  }
0xd3: {  	v7 =	vmul.f32 $1.442695020e+00, v7;
	v9 =	vld [tilespmem:s18+$0xFFFFFFF0];
	v8 =	vmul.f32 $2.000000030e-01, v4  }
0xd4: {  	v43 =	vld [tilespmem:s18+$0xFFFFFDF0];
	v5 =	vmul.f32 $1.442695020e+00, v5;
	v6 =	vmax.f32 v6, v10  }
0xd5: {  	v45 =	vld [tilespmem:s18+$0xFFFFFE00];
	v44 =	vpop (erf);
	(erf) = vpow2.f32 v7;
	v4 =	vmax.f32 v4, v8;
	v6 =	vmul.f32 $1.442695020e+00, v6  }
0xd6: {  	v46 =	vld [tilespmem:s18+$0xFFFFFE10];
	v7 =	vperm.xlane v44, v3;
	v8 =	vmul.f32 $1.442695020e+00, v4  }
0xd7: {  	v51 =	vld [tilespmem:s18+$0xFFFFFE30];
	(erf) = vpow2.f32 v5;
	v4 =	vperm.xlane v44, v0  }
0xd8: {  	v52 =	vld [tilespmem:s18+$0xFFFFFE40];
	v5 =	vperm.xlane v44, v1;
	v28 =	vpop (erf);
	v27 =	vmul.f32 v9, v7  }
0xd9: {  	v53 =	vld [tilespmem:s18+$0xFFFFFE50];
	(erf) = vpow2.f32 v8;
	v47 =	vperm.xlane v28, v0  }
0xda: {  	v17 =	vld [tilespmem:s18+$0xFFFFFEE0];
	v48 =	vperm.xlane v28, v1;
	v54 =	vperm.xlane v28, v2  }
0xdb: {  	v22 =	vld [tilespmem:s18+$0xFFFFFEF0];
	v32 =	vpop (erf);
	v55 =	vperm.xlane v28, v3;
	(erf) = vpow2.f32 v6  }
0xdc: {  	v25 =	vld [tilespmem:s18+$0xFFFFFF00];
	v56 =	vperm.xlane v32, v0;
	v57 =	vperm.xlane v32, v1  }
0xdd: {  	v29 =	vld [tilespmem:s18+$0xFFFFFF20];
	v58 =	vperm.xlane v32, v2;
	v16 =	vperm.xlane v32, v3;
	v11 =	vpop (erf)  }
0xde: {  	v31 =	vld [tilespmem:s18+$0xFFFFFF30];
	v23 =	vperm.xlane v11, v0;
	v13 =	vperm.xlane v11, v1  }
0xdf: {  	v37 =	vld [tilespmem:s18+$0xFFFFFF40];
	[tilespmem:s18+$0xFFFFFEC0] =	vst v11;
	v20 =	vperm.xlane v11, v2;
	v11 =	vperm.xlane v11, v3;
	v15 =	vpop (erf)  }
0xe0: {  	v35 =	vld [tilespmem:s18+$0xFFFFFF50];
	v21 =	vperm.xlane v15, v0;
	v14 =	vperm.xlane v15, v1  }
0xe1: {  	v38 =	vld [tilespmem:s18+$0xFFFFFF70];
	[tilespmem:s18+$0xFFFFFF10] =	vst v15;
	v30 =	vpop (erf);
	v19 =	vperm.xlane v15, v2;
	v15 =	vperm.xlane v15, v3  }
0xe2: {  	v12 =	vld [tilespmem:s18+$0xFFFFFED0];
	[tilespmem:s18+$0xFFFFFE20] =	vst v28;
	v24 =	vperm.xlane v30, v0;
	v18 =	vperm.xlane v30, v1  }
0xe3: {  	v10 =	vld [tilespmem:s18+$0xFFFFFEB0];
	[tilespmem:s18+$0xFFFFFF60] =	vst v30;
	v33 =	vperm.xlane v30, v2;
	v30 =	vperm.xlane v30, v3;
	v41 =	vpop (erf)  }
0xe4: {  	v7 =	vld [tilespmem:s18+$0xFFFFFE90];
	[tilespmem:s18+$0xFFFFFE70] =	vst v32;
	v34 =	vperm.xlane v41, v0;
	v28 =	vperm.xlane v41, v1  }
0xe5: {  	v8 =	vld [tilespmem:s18+$0xFFFFFE60];
	[tilespmem:s18+$0xFFFFFFF0] =	vst v27;
	v49 =	vpop (erf);
	v32 =	vperm.xlane v41, v2;
	v27 =	vperm.xlane v41, v3  }
0xe6: {  	v9 =	vld [tilespmem:s18+$0xFFFFFEA0];
	v50 =	vperm.xlane v49, v0;
	v59 =	vperm.xlane v49, v1  }
0xe7: {  	v6 =	vld [tilespmem:s18+$0xFFFFFE80];
	[tilespmem:s18+$0xFFFFFFB0] =	vst v41;
	v60 =	vperm.xlane v49, v2;
	v61 =	vperm.xlane v49, v3  }
0xe8: {  	v41 =	vld [tilespmem:s18+$0xFFFFFF80];
	[tilespmem:s18+$0xFFFFFDD0] =	vst v49;
	v49 =	vmul.f32 v43, v48;
	v50 =	vmul.f32 v26, v50  }
0xe9: {  	[tilespmem:s18+$0x0] =	vst v44;
	v43 =	vld [tilespmem:s18+$0xFFFFFFE0];
	v26 =	vperm.xlane v44, v2;
	v44 =	vmul.f32 v36, v59  }
0xea: {  	v48 =	vmul.f32 v46, v55;
	v59 =	vmul.f32 v39, v60;
	v36 =	vld [tilespmem:s18+$0xFFFFFF90];
	[tilespmem:s18+$0xFFFFFD90] =	vst v50  }
0xeb: {  	v46 =	vmul.f32 v52, v57;
	v60 =	vmul.f32 v40, v61;
	v39 =	vld [tilespmem:s18+$0xFFFFFFA0];
	[tilespmem:s18+$0xFFFFFDA0] =	vst v44  }
0xec: {  	v40 =	vld [tilespmem:s18+$0xFFFFFFC0];
	v50 =	vmul.f32 v42, v47;
	v47 =	vmul.f32 v45, v54;
	[tilespmem:s18+$0xFFFFFDB0] =	vst v59  }
0xed: {  	s8 =	simm.s32 $0xF270;
	s6 =	simm.s32 $0x0;
	v45 =	vmul.f32 v51, v56;
	v42 =	vld [tilespmem:s18+$0xFFFFFFD0];
	[tilespmem:s18+$0xFFFFFDC0] =	vst v60;
	v44 =	vmul.f32 v53, v58  }
.LBB2_5:
0xee: {  	v51 =	vld [tilespmem:s8+$0x0];
	[tilespmem:s18+$0xFFFFFDE0] =	vst v50;
	v8 =	vmul.f32 v8, v16;
	v6 =	vmul.f32 v6, v23;
	s19 =	sadd.s32 $0x80, s19  }
0xef: {  	s6 =	sadd.s32 $0x8, s6;
	v7 =	vmul.f32 v7, v13;
	v9 =	vmul.f32 v9, v20;
	v16 =	vld [tilespmem:s19+$0x0];
	[tilespmem:s18+$0xFFFFFDF0] =	vst v49  }
0xf0: {  	v10 =	vmul.f32 v10, v11;
	v11 =	vmul.f32 v12, v21;
	p0 =	slt.u32 s6, $0x78;
	v13 =	vld [tilespmem:s19+$0xFFFFFF90];
	[tilespmem:s18+$0xFFFFFE00] =	vst v47  }
0xf1: {  	v14 =	vmul.f32 v17, v14;
	v17 =	vmul.f32 v22, v19;
	v12 =	vld [tilespmem:s8+$0xFFFFFE20];
	[tilespmem:s18+$0xFFFFFE10] =	vst v48  }
0xf2: {  	v15 =	vmul.f32 v25, v15;
	v20 =	vmul.f32 v29, v24;
	v19 =	vld [tilespmem:s19+$0xFFFFFFA0];
	[tilespmem:s18+$0xFFFFFE30] =	vst v45  }
0xf3: {  	v18 =	vmul.f32 v31, v18;
	v22 =	vmul.f32 v37, v33;
	v21 =	vld [tilespmem:s8+$0xFFFFFE70];
	[tilespmem:s18+$0xFFFFFE40] =	vst v46  }
0xf4: {  	v24 =	vmul.f32 v35, v30;
	v25 =	vmul.f32 v38, v34;
	v23 =	vld [tilespmem:s19+$0xFFFFFFB0];
	v16 =	vadd.f32 v16, v51;
	[tilespmem:s18+$0xFFFFFE50] =	vst v44  }
0xf5: {  	v29 =	vld [tilespmem:s8+$0xFFFFFEC0];
	[tilespmem:s18+$0xFFFFFE60] =	vst v8;
	v8 =	vmul.f32 v41, v28;
	v28 =	vmul.f32 v36, v32  }
0xf6: {  	v30 =	vld [tilespmem:s19+$0xFFFFFFC0];
	v31 =	vmul.f32 $2.000000030e-01, v16;
	[tilespmem:s18+$0xFFFFFE80] =	vst v6;
	v6 =	vmul.f32 v39, v27  }
0xf7: {  	v4 =	vmul.f32 v40, v4;
	v5 =	vmul.f32 v42, v5;
	v12 =	vadd.f32 v19, v12;
	v19 =	vld [tilespmem:s8+$0xFFFFFF10];
	[tilespmem:s18+$0xFFFFFE90] =	vst v7  }
0xf8: {  	v7 =	vld [tilespmem:s19+$0xFFFFFFD0];
	v16 =	vmax.f32 v16, v31;
	[tilespmem:s18+$0xFFFFFEA0] =	vst v9;
	v9 =	vmul.f32 v43, v26  }
0xf9: {  	v26 =	vmul.f32 $2.000000030e-01, v12;
	v21 =	vadd.f32 v23, v21;
	v23 =	vld [tilespmem:s8+$0xFFFFFF60];
	v16 =	vmul.f32 $1.442695020e+00, v16;
	[tilespmem:s18+$0xFFFFFEB0] =	vst v10  }
0xfa: {  	v10 =	vld [tilespmem:s19+$0xFFFFFFE0];
	[tilespmem:s18+$0xFFFFFED0] =	vst v11  }
0xfb: {  	v11 =	vmul.f32 $2.000000030e-01, v21;
	v27 =	vadd.f32 v30, v29;
	v29 =	vld [tilespmem:s8+$0xFFFFFFB0];
	(erf) = vpow2.f32 v16;
	[tilespmem:s18+$0xFFFFFEE0] =	vst v14  }
0xfc: {  	v12 =	vmax.f32 v12, v26;
	v14 =	vld [tilespmem:s19+$0xFFFFFFF0];
	[tilespmem:s18+$0xFFFFFEF0] =	vst v17  }
0xfd: {  	v16 =	vld [tilespmem:s8+$0xFFFFFDD0];
	v11 =	vmax.f32 v21, v11;
	v17 =	vmul.f32 $2.000000030e-01, v27;
	v7 =	vadd.f32 v7, v19;
	[tilespmem:s18+$0xFFFFFF00] =	vst v15  }
0xfe: {  	v12 =	vmul.f32 $1.442695020e+00, v12;
	v26 =	vld [tilespmem:s8+$0xFFFFFD90];
	v11 =	vmul.f32 $1.442695020e+00, v11;
	[tilespmem:s18+$0xFFFFFF20] =	vst v20  }
0xff: {  	v36 =	vld [tilespmem:s8+$0xFFFFFDA0];
	v15 =	vmax.f32 v27, v17;
	v17 =	vmul.f32 $2.000000030e-01, v7;
	v10 =	vadd.f32 v10, v23;
	[tilespmem:s18+$0xFFFFFF30] =	vst v18  }
0x100: {  	v39 =	vld [tilespmem:s8+$0xFFFFFDB0];
	v15 =	vmul.f32 $1.442695020e+00, v15;
	(erf) = vpow2.f32 v12;
	[tilespmem:s18+$0xFFFFFF40] =	vst v22  }
0x101: {  	v40 =	vld [tilespmem:s8+$0xFFFFFDC0];
	v7 =	vmax.f32 v7, v17;
	v12 =	vmul.f32 $2.000000030e-01, v10;
	v14 =	vadd.f32 v14, v29;
	[tilespmem:s18+$0xFFFFFF50] =	vst v24  }
0x102: {  	v13 =	vadd.f32 v13, v16;
	v7 =	vmul.f32 $1.442695020e+00, v7;
	v16 =	vld [tilespmem:s8+$0xFFFFFFF0];
	(erf) = vpow2.f32 v11;
	[tilespmem:s18+$0xFFFFFF70] =	vst v25  }
0x103: {  	v42 =	vld [tilespmem:s8+$0xFFFFFDE0];
	v10 =	vmax.f32 v10, v12;
	v11 =	vmul.f32 $2.000000030e-01, v14;
	(erf) = vpow2.f32 v15;
	[tilespmem:s18+$0xFFFFFF80] =	vst v8  }
0x104: {  	v8 =	vmul.f32 $2.000000030e-01, v13;
	v43 =	vld [tilespmem:s8+$0xFFFFFDF0];
	v10 =	vmul.f32 $1.442695020e+00, v10;
	v44 =	vpop (erf);
	[tilespmem:s18+$0xFFFFFF90] =	vst v28  }
0x105: {  	v45 =	vld [tilespmem:s8+$0xFFFFFE00];
	v11 =	vmax.f32 v14, v11;
	v12 =	vperm.xlane v44, v3;
	(erf) = vpow2.f32 v7;
	[tilespmem:s18+$0xFFFFFFA0] =	vst v6  }
0x106: {  	v6 =	vmax.f32 v13, v8;
	v46 =	vld [tilespmem:s8+$0xFFFFFE10];
	v7 =	vmul.f32 $1.442695020e+00, v11;
	(erf) = vpow2.f32 v10;
	[tilespmem:s18+$0xFFFFFFC0] =	vst v4  }
0x107: {  	v10 =	vmul.f32 $1.442695020e+00, v6;
	v51 =	vld [tilespmem:s8+$0xFFFFFE30];
	v8 =	vmul.f32 v16, v12;
	[tilespmem:s18+$0xFFFFFFD0] =	vst v5  }
0x108: {  	v4 =	vperm.xlane v44, v0;
	v52 =	vld [tilespmem:s8+$0xFFFFFE40];
	(erf) = vpow2.f32 v7;
	[tilespmem:s18+$0xFFFFFFE0] =	vst v9;
	s18 =	smov.u32 s8  }
0x109: {  	v5 =	vperm.xlane v44, v1;
	v53 =	vld [tilespmem:s8+$0xFFFFFE50];
	[tilespmem:s8+$0xFFFFFFF0] =	vst v8;
	(erf) = vpow2.f32 v10;
	v6 =	vpop (erf)  }
0x10a: {  	[tilespmem:s8+$0xFFFFFE20] =	vst v6;
	v47 =	vperm.xlane v6, v0;
	v48 =	vperm.xlane v6, v1;
	v8 =	vld [tilespmem:s8+$0xFFFFFE60]  }
0x10b: {  	v54 =	vperm.xlane v6, v2;
	v55 =	vperm.xlane v6, v3;
	v6 =	vld [tilespmem:s8+$0xFFFFFE80];
	[tilespmem:s8+$0x0] =	vst v44;
	v9 =	vpop (erf)  }
0x10c: {  	[tilespmem:s8+$0xFFFFFE70] =	vst v9;
	v56 =	vperm.xlane v9, v0;
	v57 =	vperm.xlane v9, v1;
	v7 =	vld [tilespmem:s8+$0xFFFFFE90];
	v11 =	vpop (erf)  }
0x10d: {  	v58 =	vperm.xlane v9, v2;
	v16 =	vperm.xlane v9, v3;
	[tilespmem:s8+$0xFFFFFEC0] =	vst v11;
	v9 =	vld [tilespmem:s8+$0xFFFFFEA0]  }
0x10e: {  	v23 =	vperm.xlane v11, v0;
	v13 =	vperm.xlane v11, v1;
	v10 =	vld [tilespmem:s8+$0xFFFFFEB0];
	v15 =	vpop (erf)  }
0x10f: {  	v20 =	vperm.xlane v11, v2;
	v11 =	vperm.xlane v11, v3;
	[tilespmem:s8+$0xFFFFFF10] =	vst v15;
	v12 =	vld [tilespmem:s8+$0xFFFFFED0];
	v27 =	vpop (erf)  }
0x110: {  	v21 =	vperm.xlane v15, v0;
	v14 =	vperm.xlane v15, v1;
	v17 =	vld [tilespmem:s8+$0xFFFFFEE0];
	[tilespmem:s8+$0xFFFFFF60] =	vst v27  }
0x111: {  	v19 =	vperm.xlane v15, v2;
	v15 =	vperm.xlane v15, v3;
	v22 =	vld [tilespmem:s8+$0xFFFFFEF0];
	v41 =	vpop (erf)  }
0x112: {  	v24 =	vperm.xlane v27, v0;
	v18 =	vperm.xlane v27, v1;
	v25 =	vld [tilespmem:s8+$0xFFFFFF00];
	[tilespmem:s8+$0xFFFFFFB0] =	vst v41;
	v28 =	vpop (erf)  }
0x113: {  	[tilespmem:s8+$0xFFFFFDD0] =	vst v28;
	v49 =	vperm.xlane v28, v0;
	v50 =	vperm.xlane v28, v1;
	v29 =	vld [tilespmem:s8+$0xFFFFFF20]  }
0x114: {  	v59 =	vperm.xlane v28, v2;
	v60 =	vperm.xlane v28, v3;
	v31 =	vld [tilespmem:s8+$0xFFFFFF30]  }
0x115: {  	v33 =	vperm.xlane v27, v2;
	v30 =	vperm.xlane v27, v3;
	v37 =	vld [tilespmem:s8+$0xFFFFFF40]  }
0x116: {  	v34 =	vperm.xlane v41, v0;
	v28 =	vperm.xlane v41, v1;
	v35 =	vld [tilespmem:s8+$0xFFFFFF50]  }
0x117: {  	v32 =	vperm.xlane v41, v2;
	v27 =	vperm.xlane v41, v3;
	v38 =	vld [tilespmem:s8+$0xFFFFFF70]  }
0x118: {  	v49 =	vmul.f32 v26, v49;
	v26 =	vperm.xlane v44, v2;
	v41 =	vld [tilespmem:s8+$0xFFFFFF80]  }
.Ltmp1:
0x119: {  	v44 =	vmul.f32 v36, v50;
	v59 =	vmul.f32 v39, v59;
	v36 =	vld [tilespmem:s8+$0xFFFFFF90];
	(pc) =	sbr.rel @p0 .LBB2_5-.Ltmp1, $4  }
0x11a: {  	v60 =	vmul.f32 v40, v60;
	v50 =	vmul.f32 v42, v47;
	[tilespmem:s8+$0xFFFFFD90] =	vst v49;
	v39 =	vld [tilespmem:s8+$0xFFFFFFA0]  }
0x11b: {  	v47 =	vmul.f32 v45, v54;
	v49 =	vmul.f32 v43, v48;
	[tilespmem:s8+$0xFFFFFDA0] =	vst v44;
	v40 =	vld [tilespmem:s8+$0xFFFFFFC0]  }
0x11c: {  	v45 =	vmul.f32 v51, v56;
	v48 =	vmul.f32 v46, v55;
	[tilespmem:s8+$0xFFFFFDB0] =	vst v59;
	v42 =	vld [tilespmem:s8+$0xFFFFFFD0]  }
0x11d: {  	v46 =	vmul.f32 v52, v57;
	v44 =	vmul.f32 v53, v58;
	s8 =	sadd.s32 $0x280, s8;
	[tilespmem:s18+$0xFFFFFDC0] =	vst v60;
	v43 =	vld [tilespmem:s18+$0xFFFFFFE0]  }
0x11e: {  	[tilespmem:s18+$0xFFFFFDE0] =	vst v50  }
0x11f: {  	[tilespmem:s18+$0xFFFFFDF0] =	vst v49  }
0x120: {  	[tilespmem:s18+$0xFFFFFE00] =	vst v47  }
0x121: {  	[tilespmem:s18+$0xFFFFFE10] =	vst v48  }
0x122: {  	[tilespmem:s18+$0xFFFFFE30] =	vst v45  }
0x123: {  	v8 =	vmul.f32 v8, v16;
	[tilespmem:s18+$0xFFFFFE40] =	vst v46  }
0x124: {  	v6 =	vmul.f32 v6, v23;
	[tilespmem:s18+$0xFFFFFE50] =	vst v44  }
0x125: {  	v7 =	vmul.f32 v7, v13;
	[tilespmem:s18+$0xFFFFFE60] =	vst v8  }
0x126: {  	v8 =	vmul.f32 v9, v20;
	[tilespmem:s18+$0xFFFFFE80] =	vst v6  }
0x127: {  	v6 =	vmul.f32 v10, v11;
	[tilespmem:s18+$0xFFFFFE90] =	vst v7  }
0x128: {  	v7 =	vmul.f32 v12, v21;
	[tilespmem:s18+$0xFFFFFEA0] =	vst v8  }
0x129: {  	v4 =	vmul.f32 v40, v4;
	[tilespmem:s18+$0xFFFFFEB0] =	vst v6  }
0x12a: {  	v5 =	vmul.f32 v42, v5;
	[tilespmem:s18+$0xFFFFFED0] =	vst v7  }
0x12b: {  	v8 =	vmul.f32 v17, v14;
	[tilespmem:s18+$0xFFFFFFC0] =	vst v4  }
0x12c: {  	v6 =	vmul.f32 v22, v19;
	[tilespmem:s18+$0xFFFFFFD0] =	vst v5  }
0x12d: {  	v7 =	vmul.f32 v25, v15;
	[tilespmem:s18+$0xFFFFFEE0] =	vst v8  }
0x12e: {  	v8 =	vmul.f32 v29, v24;
	[tilespmem:s18+$0xFFFFFEF0] =	vst v6  }
0x12f: {  	v6 =	vmul.f32 v31, v18;
	[tilespmem:s18+$0xFFFFFF00] =	vst v7  }
0x130: {  	v7 =	vmul.f32 v37, v33;
	[tilespmem:s18+$0xFFFFFF20] =	vst v8  }
0x131: {  	v8 =	vmul.f32 v35, v30;
	[tilespmem:s18+$0xFFFFFF30] =	vst v6  }
0x132: {  	v6 =	vmul.f32 v38, v34;
	[tilespmem:s18+$0xFFFFFF40] =	vst v7  }
0x133: {  	v7 =	vmul.f32 v41, v28;
	[tilespmem:s18+$0xFFFFFF50] =	vst v8  }
0x134: {  	[tilespmem:s18+$0xFFFFFF70] =	vst v6;
	v6 =	vmul.f32 v39, v27  }
0x135: {  	v8 =	vmul.f32 v36, v32;
	[tilespmem:s18+$0xFFFFFF80] =	vst v7  }
0x136: {  	[tilespmem:s18+$0xFFFFFFA0] =	vst v6;
	v6 =	vmul.f32 v43, v26  }
0x137: {  	[tilespmem:s18+$0xFFFFFF90] =	vst v8  }
0x138: {  	s4 =	sadd.s32 $0x18310, s4;
	p0 =	seq.s32 s14, $0x19;
	[tilespmem:s18+$0xFFFFFFE0] =	vst v6  }
0x139: {  	[spmem:s3] =	stream.indirect.scatter.add.f32 [tilespmem:s25], [sflag:$0x5], $0x50, s4, s21, $0xb8;
	[tilespmem:$0x1A9A0] =	vst v63  }
0x13a: {  	s4 =	smul.u32 @!p0 $0x180, s14;
	_ =	swait.ge [sflag:s0], $0x2800  }
0x13b: {  	s8 =	simm.s32 @!p0 $0x80;
	[sflag:s0] =	ssyncset.done $0x0  }
0x13c: {  	s18 =	simm.s32 @!p0 $0xC580;
	s6 =	sadd.s32 @!p0 $0x15D00, s4;
	[sflag:s0] =	ssyncadd.s32 $0xFFFFD800  }
0x13d: {  	[tilespmem:s18], [sflag:$0x1] =	stream.indirect.gather @!p0 [hbm4b:s5+s8], $0x50, s6, s8, $0xb8;
	[tilespmem:$0x1A9A0] =	vst v63  }
0x13e: {  	s4 =	sadd.s32 @!p0 $0x18410, s4;
	s6 =	simm.s32 @!p0 $0x13D80  }
0x13f: {  	[tilespmem:s6], [sflag:$0x1] =	stream.indirect.gather @!p0 [hbm4b:s2+s8], $0x10, s4, s8, $0xb8;
	[tilespmem:$0x1A9A0] =	vst v63  }
0x140: {  	_ =	swait.ge [sflag:s17], $0x2800  }
0x141: {  	[sflag:s17] =	ssyncset.done $0x0  }
0x142: {  	[sflag:s17] =	ssyncadd.s32 $0xFFFFD800  }
0x143: {  	_ =	swait.ge [sflag:s17], $0x800  }
0x144: {  	[sflag:s17] =	ssyncset.done $0x0  }
0x145: {  	s4 =	simm.s32 $0x117F0;
	[sflag:s17] =	ssyncadd.s32 $0xFFFFF800  }
0x146: {  	s18 =	simm.s32 $0x14DF0;
	v4 =	vld [tilespmem:s4+$0x0]  }
0x147: {  	v5 =	vld [tilespmem:s18+$0x0]  }
0x148: {  	v6 =	vld [tilespmem:s18+$0xFFFFFF90]  }
0x149: {  	v7 =	vld [tilespmem:s4+$0xFFFFFE20]  }
0x14a: {  	v8 =	vld [tilespmem:s18+$0xFFFFFFA0]  }
0x14b: {  	v9 =	vld [tilespmem:s4+$0xFFFFFE70]  }
0x14c: {  	v10 =	vld [tilespmem:s18+$0xFFFFFFB0]  }
0x14d: {  	v11 =	vld [tilespmem:s18+$0xFFFFFFC0]  }
0x14e: {  	v4 =	vadd.f32 v5, v4;
	v5 =	vld [tilespmem:s4+$0xFFFFFEC0]  }
0x14f: {  	v13 =	vld [tilespmem:s4+$0xFFFFFF10]  }
0x150: {  	v14 =	vld [tilespmem:s18+$0xFFFFFFD0];
	v7 =	vadd.f32 v8, v7;
	v12 =	vmul.f32 $2.000000030e-01, v4  }
0x151: {  	v8 =	vld [tilespmem:s4+$0xFFFFFF60]  }
0x152: {  	v9 =	vadd.f32 v10, v9;
	v10 =	vld [tilespmem:s18+$0xFFFFFFE0];
	v4 =	vmax.f32 v4, v12;
	v12 =	vmul.f32 $2.000000030e-01, v7  }
0x153: {  	v4 =	vmul.f32 $1.442695020e+00, v4;
	v5 =	vadd.f32 v11, v5;
	v11 =	vld [tilespmem:s4+$0xFFFFFFB0]  }
0x154: {  	v7 =	vmax.f32 v7, v12;
	v12 =	vld [tilespmem:s4+$0xFFFFFDD0]  }
0x155: {  	v13 =	vadd.f32 v14, v13;
	v15 =	vmul.f32 $2.000000030e-01, v9;
	(erf) = vpow2.f32 v4;
	v4 =	vld [tilespmem:s18+$0xFFFFFFF0]  }
0x156: {  	v16 =	vmul.f32 $2.000000030e-01, v5;
	v7 =	vmul.f32 $1.442695020e+00, v7  }
0x157: {  	v26 =	vld [tilespmem:s4+$0xFFFFFD90];
	v14 =	vmul.f32 $2.000000030e-01, v13;
	v9 =	vmax.f32 v9, v15;
	v8 =	vadd.f32 v10, v8  }
0x158: {  	v36 =	vld [tilespmem:s4+$0xFFFFFDA0];
	v9 =	vmul.f32 $1.442695020e+00, v9;
	v5 =	vmax.f32 v5, v16;
	(erf) = vpow2.f32 v7  }
0x159: {  	v39 =	vld [tilespmem:s4+$0xFFFFFDB0];
	v10 =	vmul.f32 $2.000000030e-01, v8;
	v5 =	vmul.f32 $1.442695020e+00, v5;
	v6 =	vadd.f32 v6, v12  }
0x15a: {  	v40 =	vld [tilespmem:s4+$0xFFFFFDC0];
	v7 =	vmax.f32 v13, v14;
	(erf) = vpow2.f32 v9;
	v4 =	vadd.f32 v4, v11  }
0x15b: {  	v42 =	vld [tilespmem:s4+$0xFFFFFDE0];
	(erf) = vpow2.f32 v5;
	v5 =	vmax.f32 v8, v10;
	v10 =	vmul.f32 $2.000000030e-01, v6  }
0x15c: {  	v7 =	vmul.f32 $1.442695020e+00, v7;
	v9 =	vld [tilespmem:s4+$0xFFFFFFF0];
	v8 =	vmul.f32 $2.000000030e-01, v4  }
0x15d: {  	v43 =	vld [tilespmem:s4+$0xFFFFFDF0];
	v5 =	vmul.f32 $1.442695020e+00, v5;
	v6 =	vmax.f32 v6, v10  }
0x15e: {  	v45 =	vld [tilespmem:s4+$0xFFFFFE00];
	v44 =	vpop (erf);
	(erf) = vpow2.f32 v7;
	v4 =	vmax.f32 v4, v8;
	v6 =	vmul.f32 $1.442695020e+00, v6  }
0x15f: {  	v46 =	vld [tilespmem:s4+$0xFFFFFE10];
	v7 =	vperm.xlane v44, v3;
	v8 =	vmul.f32 $1.442695020e+00, v4  }
0x160: {  	v51 =	vld [tilespmem:s4+$0xFFFFFE30];
	(erf) = vpow2.f32 v5;
	v4 =	vperm.xlane v44, v0  }
0x161: {  	v52 =	vld [tilespmem:s4+$0xFFFFFE40];
	v5 =	vperm.xlane v44, v1;
	v28 =	vpop (erf);
	v27 =	vmul.f32 v9, v7  }
0x162: {  	v53 =	vld [tilespmem:s4+$0xFFFFFE50];
	(erf) = vpow2.f32 v8;
	v47 =	vperm.xlane v28, v0  }
0x163: {  	v17 =	vld [tilespmem:s4+$0xFFFFFEE0];
	v48 =	vperm.xlane v28, v1;
	v54 =	vperm.xlane v28, v2  }
0x164: {  	v22 =	vld [tilespmem:s4+$0xFFFFFEF0];
	v32 =	vpop (erf);
	v55 =	vperm.xlane v28, v3;
	(erf) = vpow2.f32 v6  }
0x165: {  	v25 =	vld [tilespmem:s4+$0xFFFFFF00];
	v56 =	vperm.xlane v32, v0;
	v57 =	vperm.xlane v32, v1  }
0x166: {  	v29 =	vld [tilespmem:s4+$0xFFFFFF20];
	v58 =	vperm.xlane v32, v2;
	v16 =	vperm.xlane v32, v3;
	v11 =	vpop (erf)  }
0x167: {  	v31 =	vld [tilespmem:s4+$0xFFFFFF30];
	v23 =	vperm.xlane v11, v0;
	v13 =	vperm.xlane v11, v1  }
0x168: {  	v37 =	vld [tilespmem:s4+$0xFFFFFF40];
	[tilespmem:s4+$0xFFFFFEC0] =	vst v11;
	v20 =	vperm.xlane v11, v2;
	v11 =	vperm.xlane v11, v3;
	v15 =	vpop (erf)  }
0x169: {  	v35 =	vld [tilespmem:s4+$0xFFFFFF50];
	v21 =	vperm.xlane v15, v0;
	v14 =	vperm.xlane v15, v1  }
0x16a: {  	v38 =	vld [tilespmem:s4+$0xFFFFFF70];
	[tilespmem:s4+$0xFFFFFF10] =	vst v15;
	v30 =	vpop (erf);
	v19 =	vperm.xlane v15, v2;
	v15 =	vperm.xlane v15, v3  }
0x16b: {  	v12 =	vld [tilespmem:s4+$0xFFFFFED0];
	[tilespmem:s4+$0xFFFFFE20] =	vst v28;
	v24 =	vperm.xlane v30, v0;
	v18 =	vperm.xlane v30, v1  }
0x16c: {  	v10 =	vld [tilespmem:s4+$0xFFFFFEB0];
	[tilespmem:s4+$0xFFFFFF60] =	vst v30;
	v33 =	vperm.xlane v30, v2;
	v30 =	vperm.xlane v30, v3;
	v41 =	vpop (erf)  }
0x16d: {  	v7 =	vld [tilespmem:s4+$0xFFFFFE90];
	[tilespmem:s4+$0xFFFFFE70] =	vst v32;
	v34 =	vperm.xlane v41, v0;
	v28 =	vperm.xlane v41, v1  }
0x16e: {  	v8 =	vld [tilespmem:s4+$0xFFFFFE60];
	[tilespmem:s4+$0xFFFFFFF0] =	vst v27;
	v49 =	vpop (erf);
	v32 =	vperm.xlane v41, v2;
	v27 =	vperm.xlane v41, v3  }
0x16f: {  	v9 =	vld [tilespmem:s4+$0xFFFFFEA0];
	v50 =	vperm.xlane v49, v0;
	v59 =	vperm.xlane v49, v1  }
0x170: {  	v6 =	vld [tilespmem:s4+$0xFFFFFE80];
	[tilespmem:s4+$0xFFFFFFB0] =	vst v41;
	v60 =	vperm.xlane v49, v2;
	v61 =	vperm.xlane v49, v3  }
0x171: {  	v41 =	vld [tilespmem:s4+$0xFFFFFF80];
	[tilespmem:s4+$0xFFFFFDD0] =	vst v49;
	v49 =	vmul.f32 v43, v48;
	v50 =	vmul.f32 v26, v50  }
0x172: {  	[tilespmem:s4+$0x0] =	vst v44;
	v43 =	vld [tilespmem:s4+$0xFFFFFFE0];
	v26 =	vperm.xlane v44, v2;
	v44 =	vmul.f32 v36, v59  }
0x173: {  	v48 =	vmul.f32 v46, v55;
	v59 =	vmul.f32 v39, v60;
	v36 =	vld [tilespmem:s4+$0xFFFFFF90];
	[tilespmem:s4+$0xFFFFFD90] =	vst v50  }
0x174: {  	v46 =	vmul.f32 v52, v57;
	v60 =	vmul.f32 v40, v61;
	v39 =	vld [tilespmem:s4+$0xFFFFFFA0];
	[tilespmem:s4+$0xFFFFFDA0] =	vst v44  }
0x175: {  	v40 =	vld [tilespmem:s4+$0xFFFFFFC0];
	v50 =	vmul.f32 v42, v47;
	v47 =	vmul.f32 v45, v54;
	[tilespmem:s4+$0xFFFFFDB0] =	vst v59  }
0x176: {  	s6 =	simm.s32 $0x0;
	s8 =	simm.s32 $0x11A70;
	v45 =	vmul.f32 v51, v56;
	v42 =	vld [tilespmem:s4+$0xFFFFFFD0];
	[tilespmem:s4+$0xFFFFFDC0] =	vst v60;
	v44 =	vmul.f32 v53, v58  }
.LBB2_7:
0x177: {  	v51 =	vld [tilespmem:s8+$0x0];
	[tilespmem:s4+$0xFFFFFDE0] =	vst v50;
	v8 =	vmul.f32 v8, v16;
	v6 =	vmul.f32 v6, v23;
	s18 =	sadd.s32 $0x80, s18  }
0x178: {  	s6 =	sadd.s32 $0x8, s6;
	v7 =	vmul.f32 v7, v13;
	v9 =	vmul.f32 v9, v20;
	v16 =	vld [tilespmem:s18+$0x0];
	[tilespmem:s4+$0xFFFFFDF0] =	vst v49  }
0x179: {  	v10 =	vmul.f32 v10, v11;
	v11 =	vmul.f32 v12, v21;
	p1 =	slt.u32 s6, $0x78;
	v13 =	vld [tilespmem:s18+$0xFFFFFF90];
	[tilespmem:s4+$0xFFFFFE00] =	vst v47  }
0x17a: {  	v14 =	vmul.f32 v17, v14;
	v17 =	vmul.f32 v22, v19;
	v12 =	vld [tilespmem:s8+$0xFFFFFE20];
	[tilespmem:s4+$0xFFFFFE10] =	vst v48  }
0x17b: {  	v15 =	vmul.f32 v25, v15;
	v20 =	vmul.f32 v29, v24;
	v19 =	vld [tilespmem:s18+$0xFFFFFFA0];
	[tilespmem:s4+$0xFFFFFE30] =	vst v45  }
0x17c: {  	v18 =	vmul.f32 v31, v18;
	v22 =	vmul.f32 v37, v33;
	v21 =	vld [tilespmem:s8+$0xFFFFFE70];
	[tilespmem:s4+$0xFFFFFE40] =	vst v46  }
0x17d: {  	v24 =	vmul.f32 v35, v30;
	v25 =	vmul.f32 v38, v34;
	v23 =	vld [tilespmem:s18+$0xFFFFFFB0];
	v16 =	vadd.f32 v16, v51;
	[tilespmem:s4+$0xFFFFFE50] =	vst v44  }
0x17e: {  	v29 =	vld [tilespmem:s8+$0xFFFFFEC0];
	[tilespmem:s4+$0xFFFFFE60] =	vst v8;
	v8 =	vmul.f32 v41, v28;
	v28 =	vmul.f32 v36, v32  }
0x17f: {  	v30 =	vld [tilespmem:s18+$0xFFFFFFC0];
	v31 =	vmul.f32 $2.000000030e-01, v16;
	[tilespmem:s4+$0xFFFFFE80] =	vst v6;
	v6 =	vmul.f32 v39, v27  }
0x180: {  	v4 =	vmul.f32 v40, v4;
	v5 =	vmul.f32 v42, v5;
	v12 =	vadd.f32 v19, v12;
	v19 =	vld [tilespmem:s8+$0xFFFFFF10];
	[tilespmem:s4+$0xFFFFFE90] =	vst v7  }
0x181: {  	v7 =	vld [tilespmem:s18+$0xFFFFFFD0];
	v16 =	vmax.f32 v16, v31;
	[tilespmem:s4+$0xFFFFFEA0] =	vst v9;
	v9 =	vmul.f32 v43, v26  }
0x182: {  	v26 =	vmul.f32 $2.000000030e-01, v12;
	v21 =	vadd.f32 v23, v21;
	v23 =	vld [tilespmem:s8+$0xFFFFFF60];
	v16 =	vmul.f32 $1.442695020e+00, v16;
	[tilespmem:s4+$0xFFFFFEB0] =	vst v10  }
0x183: {  	v10 =	vld [tilespmem:s18+$0xFFFFFFE0];
	[tilespmem:s4+$0xFFFFFED0] =	vst v11  }
0x184: {  	v11 =	vmul.f32 $2.000000030e-01, v21;
	v27 =	vadd.f32 v30, v29;
	v29 =	vld [tilespmem:s8+$0xFFFFFFB0];
	(erf) = vpow2.f32 v16;
	[tilespmem:s4+$0xFFFFFEE0] =	vst v14  }
0x185: {  	v12 =	vmax.f32 v12, v26;
	v14 =	vld [tilespmem:s18+$0xFFFFFFF0];
	[tilespmem:s4+$0xFFFFFEF0] =	vst v17  }
0x186: {  	v16 =	vld [tilespmem:s8+$0xFFFFFDD0];
	v11 =	vmax.f32 v21, v11;
	v17 =	vmul.f32 $2.000000030e-01, v27;
	v7 =	vadd.f32 v7, v19;
	[tilespmem:s4+$0xFFFFFF00] =	vst v15  }
0x187: {  	v12 =	vmul.f32 $1.442695020e+00, v12;
	v26 =	vld [tilespmem:s8+$0xFFFFFD90];
	v11 =	vmul.f32 $1.442695020e+00, v11;
	[tilespmem:s4+$0xFFFFFF20] =	vst v20  }
0x188: {  	v36 =	vld [tilespmem:s8+$0xFFFFFDA0];
	v15 =	vmax.f32 v27, v17;
	v17 =	vmul.f32 $2.000000030e-01, v7;
	v10 =	vadd.f32 v10, v23;
	[tilespmem:s4+$0xFFFFFF30] =	vst v18  }
0x189: {  	v39 =	vld [tilespmem:s8+$0xFFFFFDB0];
	v15 =	vmul.f32 $1.442695020e+00, v15;
	(erf) = vpow2.f32 v12;
	[tilespmem:s4+$0xFFFFFF40] =	vst v22  }
0x18a: {  	v40 =	vld [tilespmem:s8+$0xFFFFFDC0];
	v7 =	vmax.f32 v7, v17;
	v12 =	vmul.f32 $2.000000030e-01, v10;
	v14 =	vadd.f32 v14, v29;
	[tilespmem:s4+$0xFFFFFF50] =	vst v24  }
0x18b: {  	v13 =	vadd.f32 v13, v16;
	v7 =	vmul.f32 $1.442695020e+00, v7;
	v16 =	vld [tilespmem:s8+$0xFFFFFFF0];
	(erf) = vpow2.f32 v11;
	[tilespmem:s4+$0xFFFFFF70] =	vst v25  }
0x18c: {  	v42 =	vld [tilespmem:s8+$0xFFFFFDE0];
	v10 =	vmax.f32 v10, v12;
	v11 =	vmul.f32 $2.000000030e-01, v14;
	(erf) = vpow2.f32 v15;
	[tilespmem:s4+$0xFFFFFF80] =	vst v8  }
0x18d: {  	v8 =	vmul.f32 $2.000000030e-01, v13;
	v43 =	vld [tilespmem:s8+$0xFFFFFDF0];
	v10 =	vmul.f32 $1.442695020e+00, v10;
	v44 =	vpop (erf);
	[tilespmem:s4+$0xFFFFFF90] =	vst v28  }
0x18e: {  	v45 =	vld [tilespmem:s8+$0xFFFFFE00];
	v11 =	vmax.f32 v14, v11;
	v12 =	vperm.xlane v44, v3;
	(erf) = vpow2.f32 v7;
	[tilespmem:s4+$0xFFFFFFA0] =	vst v6  }
0x18f: {  	v6 =	vmax.f32 v13, v8;
	v46 =	vld [tilespmem:s8+$0xFFFFFE10];
	v7 =	vmul.f32 $1.442695020e+00, v11;
	(erf) = vpow2.f32 v10;
	[tilespmem:s4+$0xFFFFFFC0] =	vst v4  }
0x190: {  	v10 =	vmul.f32 $1.442695020e+00, v6;
	v51 =	vld [tilespmem:s8+$0xFFFFFE30];
	v8 =	vmul.f32 v16, v12;
	[tilespmem:s4+$0xFFFFFFD0] =	vst v5  }
0x191: {  	v4 =	vperm.xlane v44, v0;
	v52 =	vld [tilespmem:s8+$0xFFFFFE40];
	(erf) = vpow2.f32 v7;
	[tilespmem:s4+$0xFFFFFFE0] =	vst v9;
	s4 =	smov.u32 s8  }
0x192: {  	v5 =	vperm.xlane v44, v1;
	v53 =	vld [tilespmem:s8+$0xFFFFFE50];
	[tilespmem:s8+$0xFFFFFFF0] =	vst v8;
	(erf) = vpow2.f32 v10;
	v6 =	vpop (erf)  }
0x193: {  	[tilespmem:s8+$0xFFFFFE20] =	vst v6;
	v47 =	vperm.xlane v6, v0;
	v48 =	vperm.xlane v6, v1;
	v8 =	vld [tilespmem:s8+$0xFFFFFE60]  }
0x194: {  	v54 =	vperm.xlane v6, v2;
	v55 =	vperm.xlane v6, v3;
	v6 =	vld [tilespmem:s8+$0xFFFFFE80];
	[tilespmem:s8+$0x0] =	vst v44;
	v9 =	vpop (erf)  }
0x195: {  	[tilespmem:s8+$0xFFFFFE70] =	vst v9;
	v56 =	vperm.xlane v9, v0;
	v57 =	vperm.xlane v9, v1;
	v7 =	vld [tilespmem:s8+$0xFFFFFE90];
	v11 =	vpop (erf)  }
0x196: {  	v58 =	vperm.xlane v9, v2;
	v16 =	vperm.xlane v9, v3;
	[tilespmem:s8+$0xFFFFFEC0] =	vst v11;
	v9 =	vld [tilespmem:s8+$0xFFFFFEA0]  }
0x197: {  	v23 =	vperm.xlane v11, v0;
	v13 =	vperm.xlane v11, v1;
	v10 =	vld [tilespmem:s8+$0xFFFFFEB0];
	v15 =	vpop (erf)  }
0x198: {  	v20 =	vperm.xlane v11, v2;
	v11 =	vperm.xlane v11, v3;
	[tilespmem:s8+$0xFFFFFF10] =	vst v15;
	v12 =	vld [tilespmem:s8+$0xFFFFFED0];
	v27 =	vpop (erf)  }
0x199: {  	v21 =	vperm.xlane v15, v0;
	v14 =	vperm.xlane v15, v1;
	v17 =	vld [tilespmem:s8+$0xFFFFFEE0];
	[tilespmem:s8+$0xFFFFFF60] =	vst v27  }
0x19a: {  	v19 =	vperm.xlane v15, v2;
	v15 =	vperm.xlane v15, v3;
	v22 =	vld [tilespmem:s8+$0xFFFFFEF0];
	v41 =	vpop (erf)  }
0x19b: {  	v24 =	vperm.xlane v27, v0;
	v18 =	vperm.xlane v27, v1;
	v25 =	vld [tilespmem:s8+$0xFFFFFF00];
	[tilespmem:s8+$0xFFFFFFB0] =	vst v41;
	v28 =	vpop (erf)  }
0x19c: {  	[tilespmem:s8+$0xFFFFFDD0] =	vst v28;
	v49 =	vperm.xlane v28, v0;
	v50 =	vperm.xlane v28, v1;
	v29 =	vld [tilespmem:s8+$0xFFFFFF20]  }
0x19d: {  	v59 =	vperm.xlane v28, v2;
	v60 =	vperm.xlane v28, v3;
	v31 =	vld [tilespmem:s8+$0xFFFFFF30]  }
0x19e: {  	v33 =	vperm.xlane v27, v2;
	v30 =	vperm.xlane v27, v3;
	v37 =	vld [tilespmem:s8+$0xFFFFFF40]  }
0x19f: {  	v34 =	vperm.xlane v41, v0;
	v28 =	vperm.xlane v41, v1;
	v35 =	vld [tilespmem:s8+$0xFFFFFF50]  }
0x1a0: {  	v32 =	vperm.xlane v41, v2;
	v27 =	vperm.xlane v41, v3;
	v38 =	vld [tilespmem:s8+$0xFFFFFF70]  }
0x1a1: {  	v49 =	vmul.f32 v26, v49;
	v26 =	vperm.xlane v44, v2;
	v41 =	vld [tilespmem:s8+$0xFFFFFF80]  }
.Ltmp2:
0x1a2: {  	v44 =	vmul.f32 v36, v50;
	v59 =	vmul.f32 v39, v59;
	v36 =	vld [tilespmem:s8+$0xFFFFFF90];
	(pc) =	sbr.rel @p1 .LBB2_7-.Ltmp2, $4  }
0x1a3: {  	v60 =	vmul.f32 v40, v60;
	v50 =	vmul.f32 v42, v47;
	[tilespmem:s8+$0xFFFFFD90] =	vst v49;
	v39 =	vld [tilespmem:s8+$0xFFFFFFA0]  }
0x1a4: {  	v47 =	vmul.f32 v45, v54;
	v49 =	vmul.f32 v43, v48;
	[tilespmem:s8+$0xFFFFFDA0] =	vst v44;
	v40 =	vld [tilespmem:s8+$0xFFFFFFC0]  }
0x1a5: {  	v45 =	vmul.f32 v51, v56;
	v48 =	vmul.f32 v46, v55;
	[tilespmem:s8+$0xFFFFFDB0] =	vst v59;
	v42 =	vld [tilespmem:s8+$0xFFFFFFD0]  }
0x1a6: {  	v46 =	vmul.f32 v52, v57;
	v44 =	vmul.f32 v53, v58;
	s8 =	sadd.s32 $0x280, s8;
	[tilespmem:s4+$0xFFFFFDC0] =	vst v60;
	v43 =	vld [tilespmem:s4+$0xFFFFFFE0]  }
0x1a7: {  	[tilespmem:s4+$0xFFFFFDE0] =	vst v50  }
0x1a8: {  	[tilespmem:s4+$0xFFFFFDF0] =	vst v49  }
0x1a9: {  	[tilespmem:s4+$0xFFFFFE00] =	vst v47  }
0x1aa: {  	[tilespmem:s4+$0xFFFFFE10] =	vst v48  }
0x1ab: {  	[tilespmem:s4+$0xFFFFFE30] =	vst v45  }
0x1ac: {  	v8 =	vmul.f32 v8, v16;
	[tilespmem:s4+$0xFFFFFE40] =	vst v46  }
0x1ad: {  	v6 =	vmul.f32 v6, v23;
	[tilespmem:s4+$0xFFFFFE50] =	vst v44  }
0x1ae: {  	v7 =	vmul.f32 v7, v13;
	[tilespmem:s4+$0xFFFFFE60] =	vst v8  }
0x1af: {  	v49 =	vmul.f32 v9, v20;
	[tilespmem:s4+$0xFFFFFE80] =	vst v6  }
0x1b0: {  	v50 =	vmul.f32 v10, v11;
	[tilespmem:s4+$0xFFFFFE90] =	vst v7  }
0x1b1: {  	v51 =	vmul.f32 v12, v21;
	[tilespmem:s4+$0xFFFFFEA0] =	vst v49  }
0x1b2: {  	v52 =	vmul.f32 v17, v14;
	[tilespmem:s4+$0xFFFFFEB0] =	vst v50  }
0x1b3: {  	v53 =	vmul.f32 v22, v19;
	[tilespmem:s4+$0xFFFFFED0] =	vst v51  }
0x1b4: {  	v54 =	vmul.f32 v25, v15;
	[tilespmem:s4+$0xFFFFFEE0] =	vst v52  }
0x1b5: {  	v55 =	vmul.f32 v29, v24;
	[tilespmem:s4+$0xFFFFFEF0] =	vst v53  }
0x1b6: {  	v56 =	vmul.f32 v31, v18;
	[tilespmem:s4+$0xFFFFFF00] =	vst v54  }
0x1b7: {  	v57 =	vmul.f32 v37, v33;
	[tilespmem:s4+$0xFFFFFF20] =	vst v55  }
0x1b8: {  	v58 =	vmul.f32 v35, v30;
	[tilespmem:s4+$0xFFFFFF30] =	vst v56  }
0x1b9: {  	v59 =	vmul.f32 v38, v34;
	[tilespmem:s4+$0xFFFFFF40] =	vst v57  }
0x1ba: {  	v60 =	vmul.f32 v41, v28;
	[tilespmem:s4+$0xFFFFFF50] =	vst v58  }
0x1bb: {  	v61 =	vmul.f32 v36, v32;
	[tilespmem:s4+$0xFFFFFF70] =	vst v59  }
0x1bc: {  	v62 =	vmul.f32 v39, v27;
	[tilespmem:s4+$0xFFFFFF80] =	vst v60  }
0x1bd: {  	v4 =	vmul.f32 v40, v4;
	[tilespmem:s4+$0xFFFFFF90] =	vst v61  }
0x1be: {  	v5 =	vmul.f32 v42, v5;
	[tilespmem:s4+$0xFFFFFFA0] =	vst v62  }
0x1bf: {  	v63 =	vmul.f32 v43, v26;
	[tilespmem:s4+$0xFFFFFFC0] =	vst v4  }
0x1c0: {  	s6 =	sand.u32 $0x3FFFFF80, s15;
	[tilespmem:s4+$0xFFFFFFD0] =	vst v5  }
.Ltmp3:
0x1c1: {  	s19 =	sadd.s32 $0x18290, s6;
	[tilespmem:s4+$0xFFFFFFE0] =	vst v63;
	(pc) =	sbr.rel @p0 .LBB2_10-.Ltmp3, $4  }
0x1c2: {  	[spmem:s3] =	stream.indirect.scatter.add.f32 [tilespmem:s30], [sflag:$0x6], $0x50, s19, s21, $0xb8;
	[tilespmem:$0x1A9A0] =	vst v63  }
0x1c3: {  	_ =	swait.ge [sflag:s20], $0x2800  }
0x1c4: {  	[sflag:s20] =	ssyncset.done $0x0  }
0x1c5: {  	[sflag:s20] =	ssyncadd.s32 $0xFFFFD800  }
0x1c6: {  	s4 =	smul.u32 $0x180, s14  }
.Ltmp4:
0x1c7: {  	_ = 	snop;
	(pc) =	sbr.rel .LBB2_2-.Ltmp4, $4  }
0x1c8: {  	s6 =	sadd.s32 $0x15D80, s4  }
0x1c9: {  	[tilespmem:s25], [sflag:$0x2] =	stream.indirect.gather [hbm4b:s5+s21], $0x50, s6, s21, $0xb8;
	[tilespmem:$0x1A9A0] =	vst v63  }
0x1ca: {  	s14 =	sadd.s32 $0x1, s14;
	s4 =	sadd.s32 $0x18490, s4  }
0x1cb: {  	[tilespmem:s28], [sflag:$0x2] =	stream.indirect.gather [hbm4b:s2+s21], $0x10, s4, s21, $0xb8;
	[tilespmem:$0x1A9A0] =	vst v63  }
.LBB2_10:
0x1cc: {  	_ =	swait.ge [sflag:s23], $0x500  }
0x1cd: {  	[sflag:s23] =	ssyncset.done $0x0  }
0x1ce: {  	[sflag:s23] =	ssyncadd.s32 $0xFFFFFB00  }
0x1cf: {  	_ =	swait.ge [sflag:s23], $0x100  }
0x1d0: {  	[sflag:s23] =	ssyncset.done $0x0  }
0x1d1: {  	s15 =	simm.s32 $0x0;
	p0 =	por $0x1, $0x1;
	[sflag:s23] =	ssyncadd.s32 $0xFFFFFF00  }
.LBB2_11:
0x1d2: {  	s4 =	smul.u32 $0x140, s15;
	_ =	sdelay $0x1  }
0x1d3: {  	s6 =	sshll.u32 s15, $0x4;
	s19 =	sshra.s32 s4, $0x2  }
0x1d4: {  	s4 =	sand.u32 $0x3FFFFFF0, s6;
	v4 =	vld [tilespmem:s19+$0x155C0]  }
0x1d5: {  	v5 =	vld [tilespmem:s4+$0x15A80]  }
0x1d6: {  	s8 =	sor.u32 $0x1, s15  }
0x1d7: {  	s6 =	smul.u32 $0x140, s8;
	s4 =	sshll.u32 s8, $0x4  }
0x1d8: {  	s9 =	sor.u32 $0x2, s15;
	s4 =	sand.u32 $0x3FFFFFF0, s4  }
0x1d9: {  	s11 =	sor.u32 $0x3, s15;
	s10 =	smul.u32 $0x140, s9;
	s18 =	sshra.s32 s6, $0x2;
	v6 =	vld [tilespmem:s4+$0x15A80]  }
0x1da: {  	s8 =	smul.u32 $0x140, s11;
	v4 =	vadd.f32 v5, v4;
	v5 =	vld [tilespmem:s18+$0x155C0]  }
0x1db: {  	s14 =	sshra.s32 s10, $0x2  }
0x1dc: {  	v34 =	vld [tilespmem:s14+$0x155C0];
	s4 =	sshll.u32 s9, $0x4;
	s6 =	sshra.s32 s8, $0x2;
	s8 =	sor.u32 $0x4, s15;
	v7 =	vmul.f32 $2.000000030e-01, v4  }
0x1dd: {  	s4 =	sand.u32 $0x3FFFFFF0, s4;
	v36 =	vld [tilespmem:s6+$0x155C0];
	s9 =	smul.u32 $0x140, s8;
	s8 =	sshll.u32 s8, $0x4  }
0x1de: {  	v35 =	vld [tilespmem:s4+$0x15A80];
	s4 =	sshll.u32 s11, $0x4;
	s8 =	sand.u32 $0x3FFFFFF0, s8;
	v4 =	vmax.f32 v4, v7  }
0x1df: {  	s4 =	sand.u32 $0x3FFFFFF0, s4;
	v38 =	vld [tilespmem:s8+$0x15A80];
	v4 =	vmul.f32 $1.442695020e+00, v4;
	v5 =	vadd.f32 v6, v5  }
0x1e0: {  	v37 =	vld [tilespmem:s4+$0x15A80];
	s4 =	sshra.s32 s9, $0x2;
	s9 =	sor.u32 $0x5, s15  }
0x1e1: {  	v13 =	vld [tilespmem:s4+$0x155C0];
	s10 =	smul.u32 $0x140, s9;
	s9 =	sshll.u32 s9, $0x4;
	(erf) = vpow2.f32 v4;
	v4 =	vmul.f32 $2.000000030e-01, v5  }
0x1e2: {  	s9 =	sand.u32 $0x3FFFFFF0, s9  }
0x1e3: {  	s8 =	sshra.s32 s10, $0x2;
	v44 =	vld [tilespmem:s9+$0x15A80];
	v4 =	vmax.f32 v5, v4  }
0x1e4: {  	v42 =	vld [tilespmem:s8+$0x155C0];
	v4 =	vmul.f32 $1.442695020e+00, v4  }
0x1e5: {  	v6 =	vadd.f32 v37, v36;
	v5 =	vadd.f32 v35, v34  }
0x1e6: {  	v7 =	vadd.f32 v38, v13;
	(erf) = vpow2.f32 v4  }
0x1e7: {  	v8 =	vld [tilespmem:s19+$0x15580];
	v18 =	vmul.f32 $2.000000030e-01, v6;
	v4 =	vmul.f32 $2.000000030e-01, v5  }
0x1e8: {  	v9 =	vld [tilespmem:s19+$0x15590];
	v46 =	vmul.f32 $2.000000030e-01, v7  }
0x1e9: {  	v10 =	vld [tilespmem:s19+$0x155A0];
	v6 =	vmax.f32 v6, v18;
	v13 =	vadd.f32 v44, v42;
	v4 =	vmax.f32 v5, v4  }
0x1ea: {  	v11 =	vld [tilespmem:s19+$0x155B0];
	v6 =	vmul.f32 $1.442695020e+00, v6;
	v4 =	vmul.f32 $1.442695020e+00, v4;
	v5 =	vpop (erf)  }
0x1eb: {  	v40 =	vld [tilespmem:s14+$0x15580];
	v59 =	vmul.f32 $2.000000030e-01, v13;
	v14 =	vperm.xlane v5, v0  }
0x1ec: {  	v12 =	vld [tilespmem:s18+$0x15580];
	v15 =	vperm.xlane v5, v1;
	(erf) = vpow2.f32 v4  }
0x1ed: {  	v16 =	vld [tilespmem:s18+$0x15590];
	v4 =	vperm.xlane v5, v2;
	v39 =	vperm.xlane v5, v3  }
0x1ee: {  	v17 =	vld [tilespmem:s18+$0x155A0];
	v8 =	vmul.f32 v8, v14;
	v9 =	vmul.f32 v9, v15  }
0x1ef: {  	v19 =	vld [tilespmem:s18+$0x155B0];
	[tilespmem:s19+$0x155C0] =	vst v5;
	v4 =	vmul.f32 v10, v4;
	v11 =	vmul.f32 v11, v39;
	v41 =	vpop (erf)  }
0x1f0: {  	v45 =	vld [tilespmem:s14+$0x15590];
	s11 =	sor.u32 $0x6, s15;
	[tilespmem:s19+$0x15580] =	vst v8;
	(erf) = vpow2.f32 v6;
	v5 =	vperm.xlane v41, v0  }
0x1f1: {  	v48 =	vld [tilespmem:s14+$0x155A0];
	s10 =	smul.u32 $0x140, s11;
	s9 =	sshll.u32 s11, $0x4;
	[tilespmem:s19+$0x15590] =	vst v9;
	v6 =	vmax.f32 v7, v46;
	v43 =	vperm.xlane v41, v1;
	v47 =	vperm.xlane v41, v2  }
0x1f2: {  	v50 =	vld [tilespmem:s14+$0x155B0];
	s9 =	sand.u32 $0x3FFFFFF0, s9;
	[tilespmem:s19+$0x155A0] =	vst v4;
	v49 =	vperm.xlane v41, v3;
	v6 =	vmul.f32 $1.442695020e+00, v6  }
0x1f3: {  	s11 =	sor.u32 $0x7, s15;
	s15 =	sshra.s32 s10, $0x2;
	v53 =	vld [tilespmem:s9+$0x15A80];
	[tilespmem:s19+$0x155B0] =	vst v11;
	v5 =	vmul.f32 v12, v5;
	v4 =	vmul.f32 v16, v43  }
0x1f4: {  	v56 =	vld [tilespmem:s15+$0x155C0];
	v20 =	vmax.f32 v13, v59;
	[tilespmem:s18+$0x155C0] =	vst v41;
	v51 =	vmul.f32 v17, v47;
	v54 =	vmul.f32 v19, v49  }
0x1f5: {  	v58 =	vld [tilespmem:s6+$0x15580];
	v12 =	vmul.f32 $1.442695020e+00, v20;
	v52 =	vpop (erf);
	[tilespmem:s18+$0x15580] =	vst v5;
	(erf) = vpow2.f32 v6  }
0x1f6: {  	v62 =	vld [tilespmem:s6+$0x15590];
	s10 =	sshll.u32 s11, $0x4;
	s11 =	smul.u32 $0x140, s11;
	[tilespmem:s18+$0x15590] =	vst v4;
	v55 =	vperm.xlane v52, v0;
	v5 =	vperm.xlane v52, v1  }
0x1f7: {  	v63 =	vld [tilespmem:s6+$0x155A0];
	s9 =	sand.u32 $0x3FFFFFF0, s10;
	[tilespmem:s18+$0x155A0] =	vst v51;
	v4 =	vperm.xlane v52, v2;
	v61 =	vperm.xlane v52, v3  }
0x1f8: {  	v57 =	vld [tilespmem:s9+$0x15A80];
	s19 =	sshra.s32 s11, $0x2;
	[tilespmem:s18+$0x155B0] =	vst v54;
	v60 =	vmul.f32 v40, v55;
	v5 =	vmul.f32 v45, v5  }
0x1f9: {  	v11 =	vadd.f32 v53, v56;
	v23 =	vld [tilespmem:s19+$0x155C0];
	[tilespmem:s14+$0x155C0] =	vst v52;
	v4 =	vmul.f32 v48, v4;
	v21 =	vmul.f32 v50, v61;
	v22 =	vpop (erf)  }
0x1fa: {  	v26 =	vld [tilespmem:s6+$0x155B0];
	(erf) = vpow2.f32 v12;
	[tilespmem:s14+$0x15580] =	vst v60;
	v24 =	vperm.xlane v22, v0  }
0x1fb: {  	v25 =	vperm.xlane v22, v1;
	[tilespmem:s14+$0x15590] =	vst v5;
	v5 =	vmul.f32 $2.000000030e-01, v11  }
0x1fc: {  	v28 =	vld [tilespmem:s4+$0x15580];
	[tilespmem:s14+$0x155A0] =	vst v4;
	v27 =	vperm.xlane v22, v2;
	v30 =	vperm.xlane v22, v3  }
0x1fd: {  	v31 =	vld [tilespmem:s4+$0x15590];
	[tilespmem:s14+$0x155B0] =	vst v21;
	v4 =	vmul.f32 v58, v24;
	v29 =	vmul.f32 v62, v25;
	v5 =	vmax.f32 v11, v5  }
0x1fe: {  	v36 =	vld [tilespmem:s4+$0x155B0];
	v33 =	vadd.f32 v57, v23;
	[tilespmem:s6+$0x155C0] =	vst v22;
	v6 =	vmul.f32 v63, v27;
	v5 =	vmul.f32 $1.442695020e+00, v5;
	v32 =	vpop (erf)  }
0x1ff: {  	v34 =	vld [tilespmem:s4+$0x155A0];
	[tilespmem:s6+$0x15580] =	vst v4;
	v4 =	vmul.f32 v26, v30;
	v35 =	vperm.xlane v32, v0  }
0x200: {  	[tilespmem:s6+$0x15590] =	vst v29;
	(erf) = vpow2.f32 v5;
	v5 =	vmul.f32 $2.000000030e-01, v33  }
0x201: {  	[tilespmem:s6+$0x155A0] =	vst v6;
	v38 =	vperm.xlane v32, v1;
	v39 =	vperm.xlane v32, v3  }
0x202: {  	v40 =	vld [tilespmem:s8+$0x15580];
	[tilespmem:s6+$0x155B0] =	vst v4;
	v4 =	vperm.xlane v32, v2;
	v37 =	vmul.f32 v28, v35;
	v5 =	vmax.f32 v33, v5  }
0x203: {  	v41 =	vld [tilespmem:s8+$0x15590];
	[tilespmem:s4+$0x155C0] =	vst v32;
	v7 =	vmul.f32 v31, v38;
	v5 =	vmul.f32 $1.442695020e+00, v5  }
0x204: {  	v44 =	vld [tilespmem:s8+$0x155A0];
	v42 =	vmul.f32 v36, v39;
	v4 =	vmul.f32 v34, v4;
	v43 =	vpop (erf);
	[tilespmem:s4+$0x15580] =	vst v37  }
0x205: {  	v46 =	vld [tilespmem:s8+$0x155B0];
	[tilespmem:s4+$0x15590] =	vst v7;
	v45 =	vperm.xlane v43, v0;
	(erf) = vpow2.f32 v5  }
0x206: {  	[tilespmem:s4+$0x155A0] =	vst v4;
	v4 =	vperm.xlane v43, v1  }
0x207: {  	v48 =	vld [tilespmem:s15+$0x15580];
	[tilespmem:s4+$0x155B0] =	vst v42;
	v47 =	vperm.xlane v43, v2;
	v5 =	vmul.f32 v40, v45  }
0x208: {  	v50 =	vld [tilespmem:s15+$0x15590];
	[tilespmem:s8+$0x155C0] =	vst v43;
	v49 =	vperm.xlane v43, v3;
	v4 =	vmul.f32 v41, v4  }
0x209: {  	v52 =	vld [tilespmem:s15+$0x155A0];
	[tilespmem:s8+$0x15580] =	vst v5;
	v5 =	vmul.f32 v44, v47;
	v51 =	vpop (erf)  }
0x20a: {  	v54 =	vld [tilespmem:s15+$0x155B0];
	[tilespmem:s8+$0x15590] =	vst v4;
	v4 =	vmul.f32 v46, v49;
	v53 =	vperm.xlane v51, v0  }
0x20b: {  	[tilespmem:s8+$0x155A0] =	vst v5;
	v5 =	vperm.xlane v51, v1  }
0x20c: {  	v56 =	vld [tilespmem:s19+$0x15580];
	v55 =	vperm.xlane v51, v2;
	[tilespmem:s8+$0x155B0] =	vst v4;
	v4 =	vmul.f32 v48, v53  }
0x20d: {  	v58 =	vld [tilespmem:s19+$0x15590];
	[tilespmem:s15+$0x155C0] =	vst v51;
	v57 =	vperm.xlane v51, v3;
	v5 =	vmul.f32 v50, v5  }
0x20e: {  	v60 =	vld [tilespmem:s19+$0x155A0];
	[tilespmem:s15+$0x15580] =	vst v4;
	v4 =	vmul.f32 v52, v55;
	v59 =	vpop (erf)  }
0x20f: {  	v62 =	vld [tilespmem:s19+$0x155B0];
	[tilespmem:s15+$0x15590] =	vst v5;
	v5 =	vmul.f32 v54, v57;
	v61 =	vperm.xlane v59, v0  }
0x210: {  	[tilespmem:s15+$0x155A0] =	vst v4;
	v4 =	vperm.xlane v59, v1  }
0x211: {  	p1 =	por p0, p0;
	v63 =	vperm.xlane v59, v2;
	[tilespmem:s15+$0x155B0] =	vst v5;
	v5 =	vmul.f32 v56, v61  }
.Ltmp5:
0x212: {  	[tilespmem:s19+$0x155C0] =	vst v59;
	v6 =	vperm.xlane v59, v3;
	v4 =	vmul.f32 v58, v4;
	(pc) =	sbr.rel @p1 .LBB2_11-.Ltmp5, $4  }
0x213: {  	[tilespmem:s19+$0x15580] =	vst v5;
	v5 =	vmul.f32 v60, v63  }
0x214: {  	[tilespmem:s19+$0x15590] =	vst v4;
	v4 =	vmul.f32 v62, v6  }
0x215: {  	[tilespmem:s19+$0x155A0] =	vst v5  }
0x216: {  	p0 =	por $0x0, $0x0;
	s15 =	simm.s32 $0x8;
	[tilespmem:s19+$0x155B0] =	vst v4  }
0x217: {  	s10 =	simm.s32 $0x15580;
	s11 =	simm.s32 $0x1A990  }
0x218: {  	[spmem:s3] =	stream.indirect.scatter.add.f32 [tilespmem:s10], [sflag:$0x7], $0x50, s11, s16, $0xb8;
	[tilespmem:$0x1A9A0] =	vst v63  }
0x219: {  	_ =	swait.ge [sflag:s23], $0x500  }
0x21a: {  	[sflag:s23] =	ssyncset.done $0x0  }
0x21b: {  	[sflag:s23] =	ssyncadd.s32 $0xFFFFFB00  }
0x21c: {  	_ =	swait.ge [sflag:s24], $0x2800  }
0x21d: {  	[sflag:s24] =	ssyncset.done $0x0  }
0x21e: {  	[sflag:s24] =	ssyncadd.s32 $0xFFFFD800  }
0x21f: {  	[bflag:$0x0] =	sbarrier.arrive $0xFFFF  }
0x220: {  	s4 =	rddreg [dreg:$0x7]  }
0x221: {  	[hbm:s4], [sflag:s7] =	dma.local [spmem:s12], $0x18B0  }
0x222: {  	_ =	swait.ge [sflag:s13], $0x18B0  }
0x223: {  	s26 =	sadd.s32 $0x1, s26;
	s19 =	rddreg [dreg:$0x8]  }
0x224: {  	p0 =	sne.s32 s26, s19  }
.Ltmp6:
0x225: {  	_ = 	snop;
	(pc) =	sbr.rel @p0 .LBB2_1-.Ltmp6, $3  }
0x226: {  	_ =	sdelay $0x1  }
0x227: {  	[sflag:s13] =	ssyncset.done $0x0  }
0x228: {  	[sflag:s13] =	ssyncadd.s32 $0xFFFFE750  }
0x229: {  	_ =	sfence.sel $0x180000  }
0x22a: {  	[bflag:$0x0] =	sbarrier.arrive $0xFFFF  }
0x22b: {  	_ =	strace $0x90000047  }
0x22c: {  	s0 =	stileid.u32;
	[bflag:$0x2] =	sbarrier.arrive $0xFFFF  }
0x22d: {  	p0 =	sne.s32 s0, $0x0;
	s0 =	rddreg [dreg:$0x3]  }
0x22e: {  	s0 =	sadd.s32 @!p0 $0x100000, s0  }
0x22f: {  	[sflag:s0] =	ssyncadd.tile.s32 @!p0 $0x1;
	_ =	shalt  }
.Lfunc_end2:
_tile_overlayer_lowered:
.L_overlay_start_2:
0x230: {  	(tag) =	ssettag $0x2  }
0x231: {  	s0 =	rddreg [dreg:$0x0];
	s2 =	stileid.u32  }
0x232: {  	s1 =	rddreg [dreg:$0x1];
	p0 =	sne.s32 s2, $0x0  }
0x233: {  	s3 =	rddreg [dreg:$0x2];
	[bflag:$0x3] =	sbarrier.arrive $0xFFFF;
	s2 =	simm.s32 @!p0 $0x1C08  }
0x234: {  	[timem:s3], [sflag:s2] =	dma.local @!p0 [hbm:s0], s1  }
0x235: {  	s0 =	simm.s32 @!p0 $0x8  }
0x236: {  	_ =	swait.ge @!p0 [sflag:s0], s1  }
0x237: {  	s1 =	ssub.s32 @!p0 $0x0, s1;
	[sflag:s0] =	ssyncset.done @!p0 $0x0  }
0x238: {  	[sflag:s0] =	ssyncadd.s32 @!p0 s1  }
0x239: {  	[bflag:$0x3] =	sbarrier.arrive $0xFFFF  }
0x23a: {  	_ =	shalt  }

</sc_bundles>
